<compile_context>
chip_gen: v7x
topology: tpu7x:2x2x1
jax: 0.10.2.dev20260603
libtpu: 0.0.44.dev20260713+nightly
codegen_flags: <defaults>
</compile_context>

<pallas_src>
import functools

import jax
import jax.numpy as jnp
from jax import lax
from jax.experimental import pallas as pl
from jax.experimental.pallas import tpu as pltpu
from jax.experimental.pallas import tpu_sc as plsc

M = 100000
D = 64
B = 16384

NS = 16
NC = 2
NT = NS * NC
L = 16
R = 256
CR = NT * R
NFULL = M // CR
TAILROWS = M - NFULL * CR
TFULL = TAILROWS // R
TREM = TAILROWS - TFULL * R
SW = 1024
NSTRIP = B // SW
SEG = 128

_mesh = plsc.VectorSubcoreMesh(core_axis_name="c", subcore_axis_name="s")


@functools.partial(
    pl.kernel,
    out_type=jax.ShapeDtypeStruct((M, D), jnp.float32),
    mesh=_mesh,
    compiler_params=pltpu.CompilerParams(
        needs_layout_passes=False, use_tc_tiling_on_sc=False),
    scratch_types=[
        pltpu.VMEM((SW,), jnp.int32),
        pltpu.VMEM((SW + L,), jnp.int32),
        pltpu.VMEM((SW + L,), jnp.int32),
        pltpu.VMEM((1, SEG), jnp.int32),
        pltpu.VMEM((SEG, D), jnp.float32),
        pltpu.VMEM((R, D), jnp.float32),
        pltpu.VMEM_SHARED((B,), jnp.int32),
        pltpu.VMEM_SHARED((B, D), jnp.float32),
    ],
)
def _scatter_add_sc(mem_hbm, idx_hbm, val_hbm, out_hbm,
                    idx_v, pos1_v, lrow1_v, pos_row, stage, accum,
                    idx_sh, val_sh):
    c = lax.axis_index("c")
    s = lax.axis_index("s")
    t = c * NS + s
    bpt = B // NS

    pltpu.sync_copy(idx_hbm.at[pl.ds(s * bpt, bpt)],
                    idx_sh.at[pl.ds(s * bpt, bpt)])
    pltpu.sync_copy(val_hbm.at[pl.ds(s * bpt, bpt)],
                    val_sh.at[pl.ds(s * bpt, bpt)])
    plsc.subcore_barrier()

    lane = lax.iota(jnp.int32, L)
    ones = jnp.full((L,), 1, jnp.int32)
    zeros = jnp.zeros((L,), jnp.int32)

    def do_chunk(k, nrows):
        lo_t = k * CR + t * R
        pltpu.sync_copy(mem_hbm.at[pl.ds(lo_t, nrows)],
                        accum.at[pl.ds(0, nrows)])
        hi_t = lo_t + nrows

        def strip_body(u, carry0):
            pltpu.sync_copy(idx_sh.at[pl.ds(u * SW, SW)], idx_v)

            def scan_body(g, n):
                v = idx_v[pl.ds(g * L, L)]
                inr = (v >= lo_t) & (v < hi_t)
                inr_i = jnp.where(inr, ones, zeros)
                inc = plsc.cumsum(inr_i)
                dst = inc - inr_i + n
                plsc.store_scatter(pos1_v, [dst],
                                   lane + (u * SW + g * L), mask=inr)
                plsc.store_scatter(lrow1_v, [dst], v - lo_t, mask=inr)
                return n + inc[L - 1]

            n = lax.fori_loop(0, SW // L, scan_body, jnp.int32(0))

            def seg_body(sg, carry1):
                base = sg * SEG
                for gg in range(SEG // L):
                    pv = pos1_v[pl.ds(base + gg * L, L)]
                    covered = jnp.full((L,), base + gg * L, jnp.int32) \
                        + lane < n
                    pos_row[0, pl.ds(gg * L, L)] = jnp.where(
                        covered, pv, zeros)
                pltpu.sync_copy(val_sh.at[pos_row.at[0]], stage)

                def entry_body(i, carry2):
                    lrow = lrow1_v[pl.ds(base + i, L)][0]
                    for q in range(D // L):
                        sl = pl.ds(q * L, L)
                        accum[lrow, sl] = accum[lrow, sl] + stage[i, sl]
                    return carry2

                nseg = jnp.minimum(n - base, SEG)
                lax.fori_loop(0, nseg, entry_body, jnp.int32(0))
                return carry1

            lax.fori_loop(0, (n + SEG - 1) // SEG, seg_body, jnp.int32(0))
            return carry0

        lax.fori_loop(0, NSTRIP, strip_body, jnp.int32(0))
        pltpu.sync_copy(accum.at[pl.ds(0, nrows)],
                        out_hbm.at[pl.ds(lo_t, nrows)])

    def chunk_body(k, carry):
        do_chunk(k, R)
        return carry

    lax.fori_loop(0, NFULL, chunk_body, jnp.int32(0))

    @pl.when(t < TFULL)
    def _():
        do_chunk(jnp.int32(NFULL), R)

    @pl.when(t == TFULL)
    def _():
        do_chunk(jnp.int32(NFULL), TREM)


def kernel(mem, idx, val):
    return _scatter_add_sc(mem, idx.astype(jnp.int32), val)

# --- scband reference (transcript-rebuilt; emitter-appended) ---
"""Pipeline reference for scband-tensor-indexing-ops-module-89962384982197 (READ-ONLY COPY).

The authoritative reference and input builder live on the scoring server;
editing this copy changes nothing except your own understanding.
"""

import jax, jax.numpy as jnp
import numpy as np

M = 100000
D = 64
B = 16384

def setup_inputs(seed: int = 0) -> dict:
    key = jax.random.key(seed)
    k1, k2, k3 = jax.random.split(key, 3)
    mem = jax.random.normal(k1, (M, D), dtype=jnp.float32)
    idx = jax.random.randint(k2, (B,), 0, M, dtype=jnp.int64)
    val = jax.random.normal(k3, (B, D), dtype=jnp.float32)
    return {"mem": mem, "idx": idx, "val": val}

def reference(mem, idx, val):
    # scatter_memory core: scatter-add updates into the memory table,
    # mirroring torch.scatter_add / Tensor.scatter_add_ semantics on rows.
    new_mem = mem.at[idx].add(val)
    return new_mem

if __name__ == "__main__":
    import jax
    _d = setup_inputs()
    print(jax.jit(kernel)(*tuple(_d.values())))

</pallas_src>

<mosaic_0001>
#map = affine_map<(d0, d1) -> (0, 0)>
#map1 = affine_map<(d0, d1) -> (0)>
module attributes {stable_mosaic.version = 14 : i64} {
  func.func @_scatter_add_sc(%arg0: i32, %arg1: i32, %arg2: memref<100000x64xf32, #tpu.memory_space<hbm>>, %arg3: memref<16384xi32, #tpu.memory_space<hbm>>, %arg4: memref<16384x64xf32, #tpu.memory_space<hbm>>, %arg5: memref<100000x64xf32, #tpu.memory_space<hbm>>, %arg6: memref<1024xi32, #tpu.memory_space<vmem>>, %arg7: memref<1040xi32, #tpu.memory_space<vmem>>, %arg8: memref<1040xi32, #tpu.memory_space<vmem>>, %arg9: memref<1x128xi32, #tpu.memory_space<vmem>>, %arg10: memref<128x64xf32, #tpu.memory_space<vmem>>, %arg11: memref<256x64xf32, #tpu.memory_space<vmem>>, %arg12: memref<16384xi32, #tpu.memory_space<vmem_shared>>, %arg13: memref<16384x64xf32, #tpu.memory_space<vmem_shared>>) attributes {dimension_semantics = [#tpu.dimension_semantics<core_parallel>, #tpu.dimension_semantics<subcore_parallel>], iteration_bounds = array<i64: 2, 16>, scalar_prefetch = 0 : i64, scratch_operands = 8 : i64, tpu.core_type = #tpu.core_type<sc_vector_subcore>, window_params = [{transform_indices = #map}, {transform_indices = #map1}, {transform_indices = #map}, {transform_indices = #map}]} {
    %mul3A = arith.constant 16 : i32
    %mul3A_0 = arith.muli %arg0, %mul3A : i32
    %add3A = arith.addi %mul3A_0, %arg1 : i32
    %mul3A_1 = arith.constant 1024 : i32
    %mul3A_2 = arith.muli %arg1, %mul3A_1 : i32
    %mul3A_3 = arith.constant 1024 : i32
    %mul3A_4 = arith.muli %arg1, %mul3A_3 : i32
    "tpu.region"() ({
      %run_scoped3A = tpu.sem_alloc : memref<!tpu.dma_semaphore, #tpu.memory_space<semaphore_mem>>
      %dma_start3A = tpu.memref_slice %arg12[%mul3A_4] : memref<16384xi32, #tpu.memory_space<vmem_shared>> -> memref<1024xi32, #tpu.memory_space<vmem_shared>>
      %dma_start3A_23 = tpu.memref_slice %arg3[%mul3A_2] : memref<16384xi32, #tpu.memory_space<hbm>> -> memref<1024xi32, #tpu.memory_space<hbm>>
      tpu.enqueue_dma source(%dma_start3A_23 : memref<1024xi32, #tpu.memory_space<hbm>>) target(%dma_start3A : memref<1024xi32, #tpu.memory_space<vmem_shared>>) target_semaphore(%run_scoped3A : memref<!tpu.dma_semaphore, #tpu.memory_space<semaphore_mem>>)
      %dma_wait3A = tpu.memref_slice %arg12[%mul3A_4] : memref<16384xi32, #tpu.memory_space<vmem_shared>> -> memref<1024xi32, #tpu.memory_space<vmem_shared>>
      %dma_wait3A_24 = tpu.memref_slice %arg3[%mul3A_2] : memref<16384xi32, #tpu.memory_space<hbm>> -> memref<1024xi32, #tpu.memory_space<hbm>>
      tpu.wait_dma2 semaphore(%run_scoped3A : memref<!tpu.dma_semaphore, #tpu.memory_space<semaphore_mem>>) src(%dma_wait3A_24 : memref<1024xi32, #tpu.memory_space<hbm>>) dst(%dma_wait3A : memref<1024xi32, #tpu.memory_space<vmem_shared>>)
      tpu.yield
    }) : () -> ()
    %mul3A_5 = arith.constant 1024 : i32
    %mul3A_6 = arith.muli %arg1, %mul3A_5 : i32
    %mul3A_7 = arith.constant 1024 : i32
    %mul3A_8 = arith.muli %arg1, %mul3A_7 : i32
    "tpu.region"() ({
      %run_scoped3A = tpu.sem_alloc : memref<!tpu.dma_semaphore, #tpu.memory_space<semaphore_mem>>
      %dma_start3A = arith.constant 0 : i32
      %dma_start3A_23 = tpu.memref_slice %arg13[%mul3A_8, %dma_start3A] : memref<16384x64xf32, #tpu.memory_space<vmem_shared>> -> memref<1024x64xf32, #tpu.memory_space<vmem_shared>>
      %dma_start3A_24 = arith.constant 0 : i32
      %dma_start3A_25 = tpu.memref_slice %arg4[%mul3A_6, %dma_start3A_24] : memref<16384x64xf32, #tpu.memory_space<hbm>> -> memref<1024x64xf32, #tpu.memory_space<hbm>>
      tpu.enqueue_dma source(%dma_start3A_25 : memref<1024x64xf32, #tpu.memory_space<hbm>>) target(%dma_start3A_23 : memref<1024x64xf32, #tpu.memory_space<vmem_shared>>) target_semaphore(%run_scoped3A : memref<!tpu.dma_semaphore, #tpu.memory_space<semaphore_mem>>)
      %dma_wait3A = arith.constant 0 : i32
      %dma_wait3A_26 = tpu.memref_slice %arg13[%mul3A_8, %dma_wait3A] : memref<16384x64xf32, #tpu.memory_space<vmem_shared>> -> memref<1024x64xf32, #tpu.memory_space<vmem_shared>>
      %dma_wait3A_27 = arith.constant 0 : i32
      %dma_wait3A_28 = tpu.memref_slice %arg4[%mul3A_6, %dma_wait3A_27] : memref<16384x64xf32, #tpu.memory_space<hbm>> -> memref<1024x64xf32, #tpu.memory_space<hbm>>
      tpu.wait_dma2 semaphore(%run_scoped3A : memref<!tpu.dma_semaphore, #tpu.memory_space<semaphore_mem>>) src(%dma_wait3A_28 : memref<1024x64xf32, #tpu.memory_space<hbm>>) dst(%dma_wait3A_26 : memref<1024x64xf32, #tpu.memory_space<vmem_shared>>)
      tpu.yield
    }) : () -> ()
    %barrier3A = arith.constant 0 : index
    tpu.barrier barrier_id(%barrier3A)
    %iota3A = tpu.iota {dimensions = array<i32: 0>} : vector<16xi32>
    %broadcast_in_dim3A = arith.constant 1 : i32
    %broadcast_in_dim3A_9 = vector.broadcast %broadcast_in_dim3A : i32 to vector<16xi32>
    %broadcast_in_dim3A_10 = arith.constant 0 : i32
    %broadcast_in_dim3A_11 = vector.broadcast %broadcast_in_dim3A_10 : i32 to vector<16xi32>
    %scan3A = arith.constant 0 : i32
    %scan3A_12 = arith.constant 0 : i32
    %scan3A_13 = arith.constant 12 : i32
    %scan3A_14 = arith.addi %scan3A_12, %scan3A_13 : i32
    %scan3A_15 = arith.constant 1 : i32
    scf.for %scan3A_23 = %scan3A_12 to %scan3A_14 step %scan3A_15  : i32 {
      %mul3A_24 = arith.constant 8192 : i32
      %mul3A_25 = arith.muli %scan3A_23, %mul3A_24 : i32
      %mul3A_26 = arith.constant 256 : i32
      %mul3A_27 = arith.muli %add3A, %mul3A_26 : i32
      %add3A_28 = arith.addi %mul3A_25, %mul3A_27 : i32
      "tpu.region"() ({
        %run_scoped3A = tpu.sem_alloc : memref<!tpu.dma_semaphore, #tpu.memory_space<semaphore_mem>>
        %dma_start3A = arith.constant 0 : i32
        %dma_start3A_37 = arith.constant 0 : i32
        %dma_start3A_38 = tpu.memref_slice %arg11[%dma_start3A, %dma_start3A_37] : memref<256x64xf32, #tpu.memory_space<vmem>> -> memref<256x64xf32, #tpu.memory_space<vmem>>
        %dma_start3A_39 = arith.constant 0 : i32
        %dma_start3A_40 = tpu.memref_slice %arg2[%add3A_28, %dma_start3A_39] : memref<100000x64xf32, #tpu.memory_space<hbm>> -> memref<256x64xf32, #tpu.memory_space<hbm>>
        %dma_start3A_41 = arith.constant 0 : i32
        %dma_start3A_42 = arith.constant 0 : i32
        %dma_start3A_43 = tpu.memref_slice %arg11[%dma_start3A_41, %dma_start3A_42] : memref<256x64xf32, #tpu.memory_space<vmem>> -> memref<256x64xf32, #tpu.memory_space<vmem>>
        %dma_start3A_44 = arith.constant 0 : i32
        %dma_start3A_45 = tpu.memref_slice %arg2[%add3A_28, %dma_start3A_44] : memref<100000x64xf32, #tpu.memory_space<hbm>> -> memref<256x64xf32, #tpu.memory_space<hbm>>
        tpu.enqueue_dma source(%dma_start3A_45 : memref<256x64xf32, #tpu.memory_space<hbm>>) target(%dma_start3A_43 : memref<256x64xf32, #tpu.memory_space<vmem>>) target_semaphore(%run_scoped3A : memref<!tpu.dma_semaphore, #tpu.memory_space<semaphore_mem>>)
        %dma_wait3A = arith.constant 0 : i32
        %dma_wait3A_46 = arith.constant 0 : i32
        %dma_wait3A_47 = tpu.memref_slice %arg11[%dma_wait3A, %dma_wait3A_46] : memref<256x64xf32, #tpu.memory_space<vmem>> -> memref<256x64xf32, #tpu.memory_space<vmem>>
        %dma_wait3A_48 = arith.constant 0 : i32
        %dma_wait3A_49 = tpu.memref_slice %arg2[%add3A_28, %dma_wait3A_48] : memref<100000x64xf32, #tpu.memory_space<hbm>> -> memref<256x64xf32, #tpu.memory_space<hbm>>
        %dma_wait3A_50 = arith.constant 0 : i32
        %dma_wait3A_51 = arith.constant 0 : i32
        %dma_wait3A_52 = tpu.memref_slice %arg11[%dma_wait3A_50, %dma_wait3A_51] : memref<256x64xf32, #tpu.memory_space<vmem>> -> memref<256x64xf32, #tpu.memory_space<vmem>>
        %dma_wait3A_53 = arith.constant 0 : i32
        %dma_wait3A_54 = tpu.memref_slice %arg2[%add3A_28, %dma_wait3A_53] : memref<100000x64xf32, #tpu.memory_space<hbm>> -> memref<256x64xf32, #tpu.memory_space<hbm>>
        tpu.wait_dma2 semaphore(%run_scoped3A : memref<!tpu.dma_semaphore, #tpu.memory_space<semaphore_mem>>) src(%dma_wait3A_54 : memref<256x64xf32, #tpu.memory_space<hbm>>) dst(%dma_wait3A_52 : memref<256x64xf32, #tpu.memory_space<vmem>>)
        tpu.yield
      }) : () -> ()
      %add3A_29 = arith.constant 256 : i32
      %add3A_30 = arith.addi %add3A_28, %add3A_29 : i32
      %scan3A_31 = arith.constant 0 : i32
      %scan3A_32 = arith.constant 0 : i32
      %scan3A_33 = arith.constant 16 : i32
      %scan3A_34 = arith.addi %scan3A_32, %scan3A_33 : i32
      %scan3A_35 = arith.constant 1 : i32
      scf.for %scan3A_37 = %scan3A_32 to %scan3A_34 step %scan3A_35  : i32 {
        %mul3A_38 = arith.constant 1024 : i32
        %mul3A_39 = arith.muli %scan3A_37, %mul3A_38 : i32
        "tpu.region"() ({
          %run_scoped3A = tpu.sem_alloc : memref<!tpu.dma_semaphore, #tpu.memory_space<semaphore_mem>>
          %dma_start3A = tpu.memref_slice %arg12[%mul3A_39] : memref<16384xi32, #tpu.memory_space<vmem_shared>> -> memref<1024xi32, #tpu.memory_space<vmem_shared>>
          %dma_start3A_76 = tpu.memref_slice %arg12[%mul3A_39] : memref<16384xi32, #tpu.memory_space<vmem_shared>> -> memref<1024xi32, #tpu.memory_space<vmem_shared>>
          tpu.enqueue_dma source(%dma_start3A_76 : memref<1024xi32, #tpu.memory_space<vmem_shared>>) target(%arg6 : memref<1024xi32, #tpu.memory_space<vmem>>) target_semaphore(%run_scoped3A : memref<!tpu.dma_semaphore, #tpu.memory_space<semaphore_mem>>)
          %dma_wait3A = tpu.memref_slice %arg12[%mul3A_39] : memref<16384xi32, #tpu.memory_space<vmem_shared>> -> memref<1024xi32, #tpu.memory_space<vmem_shared>>
          %dma_wait3A_77 = tpu.memref_slice %arg12[%mul3A_39] : memref<16384xi32, #tpu.memory_space<vmem_shared>> -> memref<1024xi32, #tpu.memory_space<vmem_shared>>
          tpu.wait_dma2 semaphore(%run_scoped3A : memref<!tpu.dma_semaphore, #tpu.memory_space<semaphore_mem>>) src(%dma_wait3A_77 : memref<1024xi32, #tpu.memory_space<vmem_shared>>) dst(%arg6 : memref<1024xi32, #tpu.memory_space<vmem>>)
          tpu.yield
        }) : () -> ()
        %scan3A_40 = arith.constant 0 : i32
        %scan3A_41 = arith.constant 0 : i32
        %scan3A_42 = arith.constant 64 : i32
        %scan3A_43 = arith.addi %scan3A_41, %scan3A_42 : i32
        %scan3A_44 = arith.constant 1 : i32
        %scan3A_45 = scf.for %scan3A_76 = %scan3A_41 to %scan3A_43 step %scan3A_44 iter_args(%scan3A_77 = %scan3A_40) -> (i32)  : i32 {
          %mul3A_78 = arith.constant 16 : i32
          %mul3A_79 = arith.muli %scan3A_76, %mul3A_78 : i32
          %get3A = arith.index_cast %mul3A_79 : i32 to index
          %get3A_80 = tpu.vector_load %arg6[%get3A] {strides = array<i32>} : memref<1024xi32, #tpu.memory_space<vmem>>, vector<16xi32>,
          %ge3A = vector.broadcast %add3A_28 : i32 to vector<16xi32>
          %ge3A_81 = arith.cmpi sge, %get3A_80, %ge3A : vector<16xi32>
          %lt3A_82 = vector.broadcast %add3A_30 : i32 to vector<16xi32>
          %lt3A_83 = arith.cmpi slt, %get3A_80, %lt3A_82 : vector<16xi32>
          %and3A_84 = arith.andi %ge3A_81, %lt3A_83 : vector<16xi1>
          %select_n3A_85 = arith.select %and3A_84, %broadcast_in_dim3A_9, %broadcast_in_dim3A_11 : vector<16xi1>, vector<16xi32>
          %broadcast_in_dim3A_86 = arith.constant true
          %broadcast_in_dim3A_87 = vector.broadcast %broadcast_in_dim3A_86 : i1 to vector<16xi1>
          %masked_cumsum3A = tpu.scan <sum>, %select_n3A_85 masked %broadcast_in_dim3A_87 : vector<16xi32>, vector<16xi1> -> vector<16xi32>
          %sub3A_88 = arith.subi %masked_cumsum3A, %select_n3A_85 : vector<16xi32>
          %add3A_89 = vector.broadcast %scan3A_77 : i32 to vector<16xi32>
          %add3A_90 = arith.addi %sub3A_88, %add3A_89 : vector<16xi32>
          %mul3A_91 = arith.constant 1024 : i32
          %mul3A_92 = arith.muli %scan3A_37, %mul3A_91 : i32
          %mul3A_93 = arith.constant 16 : i32
          %mul3A_94 = arith.muli %scan3A_76, %mul3A_93 : i32
          %add3A_95 = arith.addi %mul3A_92, %mul3A_94 : i32
          %add3A_96 = vector.broadcast %add3A_95 : i32 to vector<16xi32>
          %add3A_97 = arith.addi %iota3A, %add3A_96 : vector<16xi32>
          tpu.vector_store_idx %arg7[%add3A_90], %add3A_97 masked %and3A_84 : memref<1040xi32, #tpu.memory_space<vmem>>[vector<16xi32>], vector<16xi32>, vector<16xi1>
          %sub3A_98 = vector.broadcast %add3A_28 : i32 to vector<16xi32>
          %sub3A_99 = arith.subi %get3A_80, %sub3A_98 : vector<16xi32>
          tpu.vector_store_idx %arg8[%add3A_90], %sub3A_99 masked %and3A_84 : memref<1040xi32, #tpu.memory_space<vmem>>[vector<16xi32>], vector<16xi32>, vector<16xi1>
          %slice3A = vector.extract_strided_slice %masked_cumsum3A {offsets = [15], sizes = [1], strides = [1]} : vector<16xi32> to vector<1xi32>
          %squeeze3A = vector.extract %slice3A[0] : i32 from vector<1xi32>
          %add3A_100 = arith.addi %scan3A_77, %squeeze3A : i32
          scf.yield %add3A_100 : i32
        }
        %scan3A_46 = arith.constant 64 : i32
        %add3A_47 = arith.constant 128 : i32
        %add3A_48 = arith.addi %scan3A_45, %add3A_47 : i32
        %sub3A = arith.constant 1 : i32
        %sub3A_49 = arith.subi %add3A_48, %sub3A : i32
        %jit3A = arith.constant 128 : i32
        %div3A = arith.divsi %sub3A_49, %jit3A : i32
        %sign3A = arith.constant 0 : i32
        %sign3A_50 = arith.cmpi sgt, %sub3A_49, %sign3A : i32
        %sign3A_51 = arith.extui %sign3A_50 : i1 to i32
        %sign3A_52 = arith.constant 0 : i32
        %sign3A_53 = arith.cmpi slt, %sub3A_49, %sign3A_52 : i32
        %sign3A_54 = arith.extui %sign3A_53 : i1 to i32
        %sign3A_55 = arith.subi %sign3A_51, %sign3A_54 : i32
        %sign3A_56 = arith.constant 0 : i32
        %sign3A_57 = arith.cmpi sgt, %jit3A, %sign3A_56 : i32
        %sign3A_58 = arith.extui %sign3A_57 : i1 to i32
        %sign3A_59 = arith.constant 0 : i32
        %sign3A_60 = arith.cmpi slt, %jit3A, %sign3A_59 : i32
        %sign3A_61 = arith.extui %sign3A_60 : i1 to i32
        %sign3A_62 = arith.subi %sign3A_58, %sign3A_61 : i32
        %ne3A = arith.cmpi ne, %sign3A_55, %sign3A_62 : i32
        %rem3A = arith.remsi %sub3A_49, %jit3A : i32
        %ne3A_63 = arith.constant 0 : i32
        %ne3A_64 = arith.cmpi ne, %rem3A, %ne3A_63 : i32
        %and3A = arith.andi %ne3A, %ne3A_64 : i1
        %sub3A_65 = arith.constant 1 : i32
        %sub3A_66 = arith.subi %div3A, %sub3A_65 : i32
        %select_n3A = arith.select %and3A, %sub3A_66, %div3A : i32
        %while3A = arith.constant 0 : i32
        %while3A_67 = arith.constant 0 : i32
        %while3A_68 = arith.subi %select_n3A, %while3A_67 : i32
        %while3A_69 = arith.addi %while3A_67, %while3A_68 : i32
        %while3A_70 = arith.constant 1 : i32
        %while3A_71 = arith.divsi %while3A_68, %while3A_70 : i32
        %while3A_72 = arith.muli %while3A_71, %while3A_70 : i32
        %while3A_73 = arith.addi %while3A_67, %while3A_72 : i32
        %while3A_74 = arith.constant 1 : i32
        scf.for %while3A_76 = %while3A_67 to %while3A_73 step %while3A_74  : i32 {
          %mul3A_77 = arith.constant 128 : i32
          %mul3A_78 = arith.muli %while3A_76, %mul3A_77 : i32
          %add3A_79 = arith.constant 0 : i32
          %add3A_80 = arith.addi %mul3A_78, %add3A_79 : i32
          %get3A = arith.index_cast %add3A_80 : i32 to index
          %get3A_81 = tpu.vector_load %arg7[%get3A] {strides = array<i32>} : memref<1040xi32, #tpu.memory_space<vmem>>, vector<16xi32>,
          %add3A_82 = arith.constant 0 : i32
          %add3A_83 = arith.addi %mul3A_78, %add3A_82 : i32
          %broadcast_in_dim3A_84 = vector.broadcast %add3A_83 : i32 to vector<16xi32>
          %add3A_85 = arith.addi %broadcast_in_dim3A_84, %iota3A : vector<16xi32>
          %lt3A_86 = vector.broadcast %scan3A_45 : i32 to vector<16xi32>
          %lt3A_87 = arith.cmpi slt, %add3A_85, %lt3A_86 : vector<16xi32>
          %select_n3A_88 = arith.select %lt3A_87, %get3A_81, %broadcast_in_dim3A_11 : vector<16xi1>, vector<16xi32>
          %swap3A = arith.constant 0 : i32
          %swap3A_89 = arith.index_cast %swap3A : i32 to index
          %swap3A_90 = arith.constant 0 : index
          %swap3A_91 = tpu.vector_load %arg9[%swap3A_89, %swap3A_90] {strides = array<i32>} : memref<1x128xi32, #tpu.memory_space<vmem>>, vector<16xi32>,
          tpu.vector_store %arg9[%swap3A_89, %swap3A_90], %select_n3A_88 {strides = array<i32>} : memref<1x128xi32, #tpu.memory_space<vmem>>, vector<16xi32>,
          %add3A_92 = arith.constant 16 : i32
          %add3A_93 = arith.addi %mul3A_78, %add3A_92 : i32
          %get3A_94 = arith.index_cast %add3A_93 : i32 to index
          %get3A_95 = tpu.vector_load %arg7[%get3A_94] {strides = array<i32>} : memref<1040xi32, #tpu.memory_space<vmem>>, vector<16xi32>,
          %add3A_96 = arith.constant 16 : i32
          %add3A_97 = arith.addi %mul3A_78, %add3A_96 : i32
          %broadcast_in_dim3A_98 = vector.broadcast %add3A_97 : i32 to vector<16xi32>
          %add3A_99 = arith.addi %broadcast_in_dim3A_98, %iota3A : vector<16xi32>
          %lt3A_100 = vector.broadcast %scan3A_45 : i32 to vector<16xi32>
          %lt3A_101 = arith.cmpi slt, %add3A_99, %lt3A_100 : vector<16xi32>
          %select_n3A_102 = arith.select %lt3A_101, %get3A_95, %broadcast_in_dim3A_11 : vector<16xi1>, vector<16xi32>
          %swap3A_103 = arith.constant 0 : i32
          %swap3A_104 = arith.index_cast %swap3A_103 : i32 to index
          %swap3A_105 = arith.constant 16 : index
          %swap3A_106 = tpu.vector_load %arg9[%swap3A_104, %swap3A_105] {strides = array<i32>} : memref<1x128xi32, #tpu.memory_space<vmem>>, vector<16xi32>,
          tpu.vector_store %arg9[%swap3A_104, %swap3A_105], %select_n3A_102 {strides = array<i32>} : memref<1x128xi32, #tpu.memory_space<vmem>>, vector<16xi32>,
          %add3A_107 = arith.constant 32 : i32
          %add3A_108 = arith.addi %mul3A_78, %add3A_107 : i32
          %get3A_109 = arith.index_cast %add3A_108 : i32 to index
          %get3A_110 = tpu.vector_load %arg7[%get3A_109] {strides = array<i32>} : memref<1040xi32, #tpu.memory_space<vmem>>, vector<16xi32>,
          %add3A_111 = arith.constant 32 : i32
          %add3A_112 = arith.addi %mul3A_78, %add3A_111 : i32
          %broadcast_in_dim3A_113 = vector.broadcast %add3A_112 : i32 to vector<16xi32>
          %add3A_114 = arith.addi %broadcast_in_dim3A_113, %iota3A : vector<16xi32>
          %lt3A_115 = vector.broadcast %scan3A_45 : i32 to vector<16xi32>
          %lt3A_116 = arith.cmpi slt, %add3A_114, %lt3A_115 : vector<16xi32>
          %select_n3A_117 = arith.select %lt3A_116, %get3A_110, %broadcast_in_dim3A_11 : vector<16xi1>, vector<16xi32>
          %swap3A_118 = arith.constant 0 : i32
          %swap3A_119 = arith.index_cast %swap3A_118 : i32 to index
          %swap3A_120 = arith.constant 32 : index
          %swap3A_121 = tpu.vector_load %arg9[%swap3A_119, %swap3A_120] {strides = array<i32>} : memref<1x128xi32, #tpu.memory_space<vmem>>, vector<16xi32>,
          tpu.vector_store %arg9[%swap3A_119, %swap3A_120], %select_n3A_117 {strides = array<i32>} : memref<1x128xi32, #tpu.memory_space<vmem>>, vector<16xi32>,
          %add3A_122 = arith.constant 48 : i32
          %add3A_123 = arith.addi %mul3A_78, %add3A_122 : i32
          %get3A_124 = arith.index_cast %add3A_123 : i32 to index
          %get3A_125 = tpu.vector_load %arg7[%get3A_124] {strides = array<i32>} : memref<1040xi32, #tpu.memory_space<vmem>>, vector<16xi32>,
          %add3A_126 = arith.constant 48 : i32
          %add3A_127 = arith.addi %mul3A_78, %add3A_126 : i32
          %broadcast_in_dim3A_128 = vector.broadcast %add3A_127 : i32 to vector<16xi32>
          %add3A_129 = arith.addi %broadcast_in_dim3A_128, %iota3A : vector<16xi32>
          %lt3A_130 = vector.broadcast %scan3A_45 : i32 to vector<16xi32>
          %lt3A_131 = arith.cmpi slt, %add3A_129, %lt3A_130 : vector<16xi32>
          %select_n3A_132 = arith.select %lt3A_131, %get3A_125, %broadcast_in_dim3A_11 : vector<16xi1>, vector<16xi32>
          %swap3A_133 = arith.constant 0 : i32
          %swap3A_134 = arith.index_cast %swap3A_133 : i32 to index
          %swap3A_135 = arith.constant 48 : index
          %swap3A_136 = tpu.vector_load %arg9[%swap3A_134, %swap3A_135] {strides = array<i32>} : memref<1x128xi32, #tpu.memory_space<vmem>>, vector<16xi32>,
          tpu.vector_store %arg9[%swap3A_134, %swap3A_135], %select_n3A_132 {strides = array<i32>} : memref<1x128xi32, #tpu.memory_space<vmem>>, vector<16xi32>,
          %add3A_137 = arith.constant 64 : i32
          %add3A_138 = arith.addi %mul3A_78, %add3A_137 : i32
          %get3A_139 = arith.index_cast %add3A_138 : i32 to index
          %get3A_140 = tpu.vector_load %arg7[%get3A_139] {strides = array<i32>} : memref<1040xi32, #tpu.memory_space<vmem>>, vector<16xi32>,
          %add3A_141 = arith.constant 64 : i32
          %add3A_142 = arith.addi %mul3A_78, %add3A_141 : i32
          %broadcast_in_dim3A_143 = vector.broadcast %add3A_142 : i32 to vector<16xi32>
          %add3A_144 = arith.addi %broadcast_in_dim3A_143, %iota3A : vector<16xi32>
          %lt3A_145 = vector.broadcast %scan3A_45 : i32 to vector<16xi32>
          %lt3A_146 = arith.cmpi slt, %add3A_144, %lt3A_145 : vector<16xi32>
          %select_n3A_147 = arith.select %lt3A_146, %get3A_140, %broadcast_in_dim3A_11 : vector<16xi1>, vector<16xi32>
          %swap3A_148 = arith.constant 0 : i32
          %swap3A_149 = arith.index_cast %swap3A_148 : i32 to index
          %swap3A_150 = arith.constant 64 : index
          %swap3A_151 = tpu.vector_load %arg9[%swap3A_149, %swap3A_150] {strides = array<i32>} : memref<1x128xi32, #tpu.memory_space<vmem>>, vector<16xi32>,
          tpu.vector_store %arg9[%swap3A_149, %swap3A_150], %select_n3A_147 {strides = array<i32>} : memref<1x128xi32, #tpu.memory_space<vmem>>, vector<16xi32>,
          %add3A_152 = arith.constant 80 : i32
          %add3A_153 = arith.addi %mul3A_78, %add3A_152 : i32
          %get3A_154 = arith.index_cast %add3A_153 : i32 to index
          %get3A_155 = tpu.vector_load %arg7[%get3A_154] {strides = array<i32>} : memref<1040xi32, #tpu.memory_space<vmem>>, vector<16xi32>,
          %add3A_156 = arith.constant 80 : i32
          %add3A_157 = arith.addi %mul3A_78, %add3A_156 : i32
          %broadcast_in_dim3A_158 = vector.broadcast %add3A_157 : i32 to vector<16xi32>
          %add3A_159 = arith.addi %broadcast_in_dim3A_158, %iota3A : vector<16xi32>
          %lt3A_160 = vector.broadcast %scan3A_45 : i32 to vector<16xi32>
          %lt3A_161 = arith.cmpi slt, %add3A_159, %lt3A_160 : vector<16xi32>
          %select_n3A_162 = arith.select %lt3A_161, %get3A_155, %broadcast_in_dim3A_11 : vector<16xi1>, vector<16xi32>
          %swap3A_163 = arith.constant 0 : i32
          %swap3A_164 = arith.index_cast %swap3A_163 : i32 to index
          %swap3A_165 = arith.constant 80 : index
          %swap3A_166 = tpu.vector_load %arg9[%swap3A_164, %swap3A_165] {strides = array<i32>} : memref<1x128xi32, #tpu.memory_space<vmem>>, vector<16xi32>,
          tpu.vector_store %arg9[%swap3A_164, %swap3A_165], %select_n3A_162 {strides = array<i32>} : memref<1x128xi32, #tpu.memory_space<vmem>>, vector<16xi32>,
          %add3A_167 = arith.constant 96 : i32
          %add3A_168 = arith.addi %mul3A_78, %add3A_167 : i32
          %get3A_169 = arith.index_cast %add3A_168 : i32 to index
          %get3A_170 = tpu.vector_load %arg7[%get3A_169] {strides = array<i32>} : memref<1040xi32, #tpu.memory_space<vmem>>, vector<16xi32>,
          %add3A_171 = arith.constant 96 : i32
          %add3A_172 = arith.addi %mul3A_78, %add3A_171 : i32
          %broadcast_in_dim3A_173 = vector.broadcast %add3A_172 : i32 to vector<16xi32>
          %add3A_174 = arith.addi %broadcast_in_dim3A_173, %iota3A : vector<16xi32>
          %lt3A_175 = vector.broadcast %scan3A_45 : i32 to vector<16xi32>
          %lt3A_176 = arith.cmpi slt, %add3A_174, %lt3A_175 : vector<16xi32>
          %select_n3A_177 = arith.select %lt3A_176, %get3A_170, %broadcast_in_dim3A_11 : vector<16xi1>, vector<16xi32>
          %swap3A_178 = arith.constant 0 : i32
          %swap3A_179 = arith.index_cast %swap3A_178 : i32 to index
          %swap3A_180 = arith.constant 96 : index
          %swap3A_181 = tpu.vector_load %arg9[%swap3A_179, %swap3A_180] {strides = array<i32>} : memref<1x128xi32, #tpu.memory_space<vmem>>, vector<16xi32>,
          tpu.vector_store %arg9[%swap3A_179, %swap3A_180], %select_n3A_177 {strides = array<i32>} : memref<1x128xi32, #tpu.memory_space<vmem>>, vector<16xi32>,
          %add3A_182 = arith.constant 112 : i32
          %add3A_183 = arith.addi %mul3A_78, %add3A_182 : i32
          %get3A_184 = arith.index_cast %add3A_183 : i32 to index
          %get3A_185 = tpu.vector_load %arg7[%get3A_184] {strides = array<i32>} : memref<1040xi32, #tpu.memory_space<vmem>>, vector<16xi32>,
          %add3A_186 = arith.constant 112 : i32
          %add3A_187 = arith.addi %mul3A_78, %add3A_186 : i32
          %broadcast_in_dim3A_188 = vector.broadcast %add3A_187 : i32 to vector<16xi32>
          %add3A_189 = arith.addi %broadcast_in_dim3A_188, %iota3A : vector<16xi32>
          %lt3A_190 = vector.broadcast %scan3A_45 : i32 to vector<16xi32>
          %lt3A_191 = arith.cmpi slt, %add3A_189, %lt3A_190 : vector<16xi32>
          %select_n3A_192 = arith.select %lt3A_191, %get3A_185, %broadcast_in_dim3A_11 : vector<16xi1>, vector<16xi32>
          %swap3A_193 = arith.constant 0 : i32
          %swap3A_194 = arith.index_cast %swap3A_193 : i32 to index
          %swap3A_195 = arith.constant 112 : index
          %swap3A_196 = tpu.vector_load %arg9[%swap3A_194, %swap3A_195] {strides = array<i32>} : memref<1x128xi32, #tpu.memory_space<vmem>>, vector<16xi32>,
          tpu.vector_store %arg9[%swap3A_194, %swap3A_195], %select_n3A_192 {strides = array<i32>} : memref<1x128xi32, #tpu.memory_space<vmem>>, vector<16xi32>,
          %run_scoped3A = arith.constant 0 : i32
          "tpu.region"() ({
            %run_scoped3A_209 = tpu.sem_alloc : memref<!tpu.dma_semaphore, #tpu.memory_space<semaphore_mem>>
            %dma_start3A = arith.constant 0 : i32
            %dma_start3A_210 = tpu.memref_slice %arg9[%run_scoped3A, %dma_start3A] : memref<1x128xi32, #tpu.memory_space<vmem>> -> memref<1x128xi32, #tpu.memory_space<vmem>>
            %dma_start3A_211 = tpu.memref_squeeze %dma_start3A_210 : memref<1x128xi32, #tpu.memory_space<vmem>> -> memref<128xi32, #tpu.memory_space<vmem>>
            %dma_start3A_212 = arith.constant 0 : i32
            %dma_start3A_213 = arith.constant 0 : i32
            %dma_start3A_214 = tpu.memref_slice %arg13[%dma_start3A_212, %dma_start3A_213] : memref<16384x64xf32, #tpu.memory_space<vmem_shared>> -> memref<16384x64xf32, #tpu.memory_space<vmem_shared>>
            tpu.enqueue_indirect_dma source(%dma_start3A_214 : memref<16384x64xf32, #tpu.memory_space<vmem_shared>>) target(%arg10 : memref<128x64xf32, #tpu.memory_space<vmem>>) offsets(%dma_start3A_211 : memref<128xi32, #tpu.memory_space<vmem>>) semaphore(%run_scoped3A_209 : memref<!tpu.dma_semaphore, #tpu.memory_space<semaphore_mem>>)
            %dma_wait3A = arith.constant 0 : i32
            %dma_wait3A_215 = tpu.memref_slice %arg9[%run_scoped3A, %dma_wait3A] : memref<1x128xi32, #tpu.memory_space<vmem>> -> memref<1x128xi32, #tpu.memory_space<vmem>>
            %dma_wait3A_216 = tpu.memref_squeeze %dma_wait3A_215 : memref<1x128xi32, #tpu.memory_space<vmem>> -> memref<128xi32, #tpu.memory_space<vmem>>
            %dma_wait3A_217 = arith.constant 0 : i32
            %dma_wait3A_218 = arith.constant 0 : i32
            %dma_wait3A_219 = tpu.memref_slice %arg13[%dma_wait3A_217, %dma_wait3A_218] : memref<16384x64xf32, #tpu.memory_space<vmem_shared>> -> memref<16384x64xf32, #tpu.memory_space<vmem_shared>>
            tpu.wait_indirect_dma semaphore(%run_scoped3A_209 : memref<!tpu.dma_semaphore, #tpu.memory_space<semaphore_mem>>) src(%dma_wait3A_219 : memref<16384x64xf32, #tpu.memory_space<vmem_shared>>) dst(%arg10 : memref<128x64xf32, #tpu.memory_space<vmem>>)
            tpu.yield
          }) : () -> ()
          %sub3A_197 = arith.subi %scan3A_45, %mul3A_78 : i32
          %min3A = arith.constant 128 : i32
          %min3A_198 = arith.minsi %sub3A_197, %min3A : i32
          %while3A_199 = arith.constant 0 : i32
          %while3A_200 = arith.constant 0 : i32
          %while3A_201 = arith.subi %min3A_198, %while3A_200 : i32
          %while3A_202 = arith.addi %while3A_200, %while3A_201 : i32
          %while3A_203 = arith.constant 1 : i32
          %while3A_204 = arith.divsi %while3A_201, %while3A_203 : i32
          %while3A_205 = arith.muli %while3A_204, %while3A_203 : i32
          %while3A_206 = arith.addi %while3A_200, %while3A_205 : i32
          %while3A_207 = arith.constant 1 : i32
          scf.for %while3A_209 = %while3A_200 to %while3A_206 step %while3A_207  : i32 {
            %add3A_210 = arith.addi %mul3A_78, %while3A_209 : i32
            %get3A_211 = arith.index_cast %add3A_210 : i32 to index
            %get3A_212 = tpu.vector_load %arg8[%get3A_211] {strides = array<i32>} : memref<1040xi32, #tpu.memory_space<vmem>>, vector<16xi32>,
            %slice3A = vector.extract_strided_slice %get3A_212 {offsets = [0], sizes = [1], strides = [1]} : vector<16xi32> to vector<1xi32>
            %squeeze3A = vector.extract %slice3A[0] : i32 from vector<1xi32>
            %get3A_213 = arith.index_cast %squeeze3A : i32 to index
            %get3A_214 = arith.constant 0 : index
            %get3A_215 = tpu.vector_load %arg11[%get3A_213, %get3A_214] {strides = array<i32>} : memref<256x64xf32, #tpu.memory_space<vmem>>, vector<16xf32>,
            %get3A_216 = arith.index_cast %while3A_209 : i32 to index
            %get3A_217 = arith.constant 0 : index
            %get3A_218 = tpu.vector_load %arg10[%get3A_216, %get3A_217] {strides = array<i32>} : memref<128x64xf32, #tpu.memory_space<vmem>>, vector<16xf32>,
            %add3A_219 = arith.addf %get3A_215, %get3A_218 : vector<16xf32>
            %swap3A_220 = arith.index_cast %squeeze3A : i32 to index
            %swap3A_221 = arith.constant 0 : index
            %swap3A_222 = tpu.vector_load %arg11[%swap3A_220, %swap3A_221] {strides = array<i32>} : memref<256x64xf32, #tpu.memory_space<vmem>>, vector<16xf32>,
            tpu.vector_store %arg11[%swap3A_220, %swap3A_221], %add3A_219 {strides = array<i32>} : memref<256x64xf32, #tpu.memory_space<vmem>>, vector<16xf32>,
            %get3A_223 = arith.index_cast %squeeze3A : i32 to index
            %get3A_224 = arith.constant 16 : index
            %get3A_225 = tpu.vector_load %arg11[%get3A_223, %get3A_224] {strides = array<i32>} : memref<256x64xf32, #tpu.memory_space<vmem>>, vector<16xf32>,
            %get3A_226 = arith.index_cast %while3A_209 : i32 to index
            %get3A_227 = arith.constant 16 : index
            %get3A_228 = tpu.vector_load %arg10[%get3A_226, %get3A_227] {strides = array<i32>} : memref<128x64xf32, #tpu.memory_space<vmem>>, vector<16xf32>,
            %add3A_229 = arith.addf %get3A_225, %get3A_228 : vector<16xf32>
            %swap3A_230 = arith.index_cast %squeeze3A : i32 to index
            %swap3A_231 = arith.constant 16 : index
            %swap3A_232 = tpu.vector_load %arg11[%swap3A_230, %swap3A_231] {strides = array<i32>} : memref<256x64xf32, #tpu.memory_space<vmem>>, vector<16xf32>,
            tpu.vector_store %arg11[%swap3A_230, %swap3A_231], %add3A_229 {strides = array<i32>} : memref<256x64xf32, #tpu.memory_space<vmem>>, vector<16xf32>,
            %get3A_233 = arith.index_cast %squeeze3A : i32 to index
            %get3A_234 = arith.constant 32 : index
            %get3A_235 = tpu.vector_load %arg11[%get3A_233, %get3A_234] {strides = array<i32>} : memref<256x64xf32, #tpu.memory_space<vmem>>, vector<16xf32>,
            %get3A_236 = arith.index_cast %while3A_209 : i32 to index
            %get3A_237 = arith.constant 32 : index
            %get3A_238 = tpu.vector_load %arg10[%get3A_236, %get3A_237] {strides = array<i32>} : memref<128x64xf32, #tpu.memory_space<vmem>>, vector<16xf32>,
            %add3A_239 = arith.addf %get3A_235, %get3A_238 : vector<16xf32>
            %swap3A_240 = arith.index_cast %squeeze3A : i32 to index
            %swap3A_241 = arith.constant 32 : index
            %swap3A_242 = tpu.vector_load %arg11[%swap3A_240, %swap3A_241] {strides = array<i32>} : memref<256x64xf32, #tpu.memory_space<vmem>>, vector<16xf32>,
            tpu.vector_store %arg11[%swap3A_240, %swap3A_241], %add3A_239 {strides = array<i32>} : memref<256x64xf32, #tpu.memory_space<vmem>>, vector<16xf32>,
            %get3A_243 = arith.index_cast %squeeze3A : i32 to index
            %get3A_244 = arith.constant 48 : index
            %get3A_245 = tpu.vector_load %arg11[%get3A_243, %get3A_244] {strides = array<i32>} : memref<256x64xf32, #tpu.memory_space<vmem>>, vector<16xf32>,
            %get3A_246 = arith.index_cast %while3A_209 : i32 to index
            %get3A_247 = arith.constant 48 : index
            %get3A_248 = tpu.vector_load %arg10[%get3A_246, %get3A_247] {strides = array<i32>} : memref<128x64xf32, #tpu.memory_space<vmem>>, vector<16xf32>,
            %add3A_249 = arith.addf %get3A_245, %get3A_248 : vector<16xf32>
            %swap3A_250 = arith.index_cast %squeeze3A : i32 to index
            %swap3A_251 = arith.constant 48 : index
            %swap3A_252 = tpu.vector_load %arg11[%swap3A_250, %swap3A_251] {strides = array<i32>} : memref<256x64xf32, #tpu.memory_space<vmem>>, vector<16xf32>,
            tpu.vector_store %arg11[%swap3A_250, %swap3A_251], %add3A_249 {strides = array<i32>} : memref<256x64xf32, #tpu.memory_space<vmem>>, vector<16xf32>,
          }
          %while3A_208 = arith.constant 1 : i32
          scf.for %while3A_209 = %while3A_206 to %while3A_202 step %while3A_208  : i32 {
            %add3A_210 = arith.addi %mul3A_78, %while3A_209 : i32
            %get3A_211 = arith.index_cast %add3A_210 : i32 to index
            %get3A_212 = tpu.vector_load %arg8[%get3A_211] {strides = array<i32>} : memref<1040xi32, #tpu.memory_space<vmem>>, vector<16xi32>,
            %slice3A = vector.extract_strided_slice %get3A_212 {offsets = [0], sizes = [1], strides = [1]} : vector<16xi32> to vector<1xi32>
            %squeeze3A = vector.extract %slice3A[0] : i32 from vector<1xi32>
            %get3A_213 = arith.index_cast %squeeze3A : i32 to index
            %get3A_214 = arith.constant 0 : index
            %get3A_215 = tpu.vector_load %arg11[%get3A_213, %get3A_214] {strides = array<i32>} : memref<256x64xf32, #tpu.memory_space<vmem>>, vector<16xf32>,
            %get3A_216 = arith.index_cast %while3A_209 : i32 to index
            %get3A_217 = arith.constant 0 : index
            %get3A_218 = tpu.vector_load %arg10[%get3A_216, %get3A_217] {strides = array<i32>} : memref<128x64xf32, #tpu.memory_space<vmem>>, vector<16xf32>,
            %add3A_219 = arith.addf %get3A_215, %get3A_218 : vector<16xf32>
            %swap3A_220 = arith.index_cast %squeeze3A : i32 to index
            %swap3A_221 = arith.constant 0 : index
            %swap3A_222 = tpu.vector_load %arg11[%swap3A_220, %swap3A_221] {strides = array<i32>} : memref<256x64xf32, #tpu.memory_space<vmem>>, vector<16xf32>,
            tpu.vector_store %arg11[%swap3A_220, %swap3A_221], %add3A_219 {strides = array<i32>} : memref<256x64xf32, #tpu.memory_space<vmem>>, vector<16xf32>,
            %get3A_223 = arith.index_cast %squeeze3A : i32 to index
            %get3A_224 = arith.constant 16 : index
            %get3A_225 = tpu.vector_load %arg11[%get3A_223, %get3A_224] {strides = array<i32>} : memref<256x64xf32, #tpu.memory_space<vmem>>, vector<16xf32>,
            %get3A_226 = arith.index_cast %while3A_209 : i32 to index
            %get3A_227 = arith.constant 16 : index
            %get3A_228 = tpu.vector_load %arg10[%get3A_226, %get3A_227] {strides = array<i32>} : memref<128x64xf32, #tpu.memory_space<vmem>>, vector<16xf32>,
            %add3A_229 = arith.addf %get3A_225, %get3A_228 : vector<16xf32>
            %swap3A_230 = arith.index_cast %squeeze3A : i32 to index
            %swap3A_231 = arith.constant 16 : index
            %swap3A_232 = tpu.vector_load %arg11[%swap3A_230, %swap3A_231] {strides = array<i32>} : memref<256x64xf32, #tpu.memory_space<vmem>>, vector<16xf32>,
            tpu.vector_store %arg11[%swap3A_230, %swap3A_231], %add3A_229 {strides = array<i32>} : memref<256x64xf32, #tpu.memory_space<vmem>>, vector<16xf32>,
            %get3A_233 = arith.index_cast %squeeze3A : i32 to index
            %get3A_234 = arith.constant 32 : index
            %get3A_235 = tpu.vector_load %arg11[%get3A_233, %get3A_234] {strides = array<i32>} : memref<256x64xf32, #tpu.memory_space<vmem>>, vector<16xf32>,
            %get3A_236 = arith.index_cast %while3A_209 : i32 to index
            %get3A_237 = arith.constant 32 : index
            %get3A_238 = tpu.vector_load %arg10[%get3A_236, %get3A_237] {strides = array<i32>} : memref<128x64xf32, #tpu.memory_space<vmem>>, vector<16xf32>,
            %add3A_239 = arith.addf %get3A_235, %get3A_238 : vector<16xf32>
            %swap3A_240 = arith.index_cast %squeeze3A : i32 to index
            %swap3A_241 = arith.constant 32 : index
            %swap3A_242 = tpu.vector_load %arg11[%swap3A_240, %swap3A_241] {strides = array<i32>} : memref<256x64xf32, #tpu.memory_space<vmem>>, vector<16xf32>,
            tpu.vector_store %arg11[%swap3A_240, %swap3A_241], %add3A_239 {strides = array<i32>} : memref<256x64xf32, #tpu.memory_space<vmem>>, vector<16xf32>,
            %get3A_243 = arith.index_cast %squeeze3A : i32 to index
            %get3A_244 = arith.constant 48 : index
            %get3A_245 = tpu.vector_load %arg11[%get3A_243, %get3A_244] {strides = array<i32>} : memref<256x64xf32, #tpu.memory_space<vmem>>, vector<16xf32>,
            %get3A_246 = arith.index_cast %while3A_209 : i32 to index
            %get3A_247 = arith.constant 48 : index
            %get3A_248 = tpu.vector_load %arg10[%get3A_246, %get3A_247] {strides = array<i32>} : memref<128x64xf32, #tpu.memory_space<vmem>>, vector<16xf32>,
            %add3A_249 = arith.addf %get3A_245, %get3A_248 : vector<16xf32>
            %swap3A_250 = arith.index_cast %squeeze3A : i32 to index
            %swap3A_251 = arith.constant 48 : index
            %swap3A_252 = tpu.vector_load %arg11[%swap3A_250, %swap3A_251] {strides = array<i32>} : memref<256x64xf32, #tpu.memory_space<vmem>>, vector<16xf32>,
            tpu.vector_store %arg11[%swap3A_250, %swap3A_251], %add3A_249 {strides = array<i32>} : memref<256x64xf32, #tpu.memory_space<vmem>>, vector<16xf32>,
          }
        }
        %while3A_75 = arith.constant 1 : i32
        scf.for %while3A_76 = %while3A_73 to %while3A_69 step %while3A_75  : i32 {
          %mul3A_77 = arith.constant 128 : i32
          %mul3A_78 = arith.muli %while3A_76, %mul3A_77 : i32
          %add3A_79 = arith.constant 0 : i32
          %add3A_80 = arith.addi %mul3A_78, %add3A_79 : i32
          %get3A = arith.index_cast %add3A_80 : i32 to index
          %get3A_81 = tpu.vector_load %arg7[%get3A] {strides = array<i32>} : memref<1040xi32, #tpu.memory_space<vmem>>, vector<16xi32>,
          %add3A_82 = arith.constant 0 : i32
          %add3A_83 = arith.addi %mul3A_78, %add3A_82 : i32
          %broadcast_in_dim3A_84 = vector.broadcast %add3A_83 : i32 to vector<16xi32>
          %add3A_85 = arith.addi %broadcast_in_dim3A_84, %iota3A : vector<16xi32>
          %lt3A_86 = vector.broadcast %scan3A_45 : i32 to vector<16xi32>
          %lt3A_87 = arith.cmpi slt, %add3A_85, %lt3A_86 : vector<16xi32>
          %select_n3A_88 = arith.select %lt3A_87, %get3A_81, %broadcast_in_dim3A_11 : vector<16xi1>, vector<16xi32>
          %swap3A = arith.constant 0 : i32
          %swap3A_89 = arith.index_cast %swap3A : i32 to index
          %swap3A_90 = arith.constant 0 : index
          %swap3A_91 = tpu.vector_load %arg9[%swap3A_89, %swap3A_90] {strides = array<i32>} : memref<1x128xi32, #tpu.memory_space<vmem>>, vector<16xi32>,
          tpu.vector_store %arg9[%swap3A_89, %swap3A_90], %select_n3A_88 {strides = array<i32>} : memref<1x128xi32, #tpu.memory_space<vmem>>, vector<16xi32>,
          %add3A_92 = arith.constant 16 : i32
          %add3A_93 = arith.addi %mul3A_78, %add3A_92 : i32
          %get3A_94 = arith.index_cast %add3A_93 : i32 to index
          %get3A_95 = tpu.vector_load %arg7[%get3A_94] {strides = array<i32>} : memref<1040xi32, #tpu.memory_space<vmem>>, vector<16xi32>,
          %add3A_96 = arith.constant 16 : i32
          %add3A_97 = arith.addi %mul3A_78, %add3A_96 : i32
          %broadcast_in_dim3A_98 = vector.broadcast %add3A_97 : i32 to vector<16xi32>
          %add3A_99 = arith.addi %broadcast_in_dim3A_98, %iota3A : vector<16xi32>
          %lt3A_100 = vector.broadcast %scan3A_45 : i32 to vector<16xi32>
          %lt3A_101 = arith.cmpi slt, %add3A_99, %lt3A_100 : vector<16xi32>
          %select_n3A_102 = arith.select %lt3A_101, %get3A_95, %broadcast_in_dim3A_11 : vector<16xi1>, vector<16xi32>
          %swap3A_103 = arith.constant 0 : i32
          %swap3A_104 = arith.index_cast %swap3A_103 : i32 to index
          %swap3A_105 = arith.constant 16 : index
          %swap3A_106 = tpu.vector_load %arg9[%swap3A_104, %swap3A_105] {strides = array<i32>} : memref<1x128xi32, #tpu.memory_space<vmem>>, vector<16xi32>,
          tpu.vector_store %arg9[%swap3A_104, %swap3A_105], %select_n3A_102 {strides = array<i32>} : memref<1x128xi32, #tpu.memory_space<vmem>>, vector<16xi32>,
          %add3A_107 = arith.constant 32 : i32
          %add3A_108 = arith.addi %mul3A_78, %add3A_107 : i32
          %get3A_109 = arith.index_cast %add3A_108 : i32 to index
          %get3A_110 = tpu.vector_load %arg7[%get3A_109] {strides = array<i32>} : memref<1040xi32, #tpu.memory_space<vmem>>, vector<16xi32>,
          %add3A_111 = arith.constant 32 : i32
          %add3A_112 = arith.addi %mul3A_78, %add3A_111 : i32
          %broadcast_in_dim3A_113 = vector.broadcast %add3A_112 : i32 to vector<16xi32>
          %add3A_114 = arith.addi %broadcast_in_dim3A_113, %iota3A : vector<16xi32>
          %lt3A_115 = vector.broadcast %scan3A_45 : i32 to vector<16xi32>
          %lt3A_116 = arith.cmpi slt, %add3A_114, %lt3A_115 : vector<16xi32>
          %select_n3A_117 = arith.select %lt3A_116, %get3A_110, %broadcast_in_dim3A_11 : vector<16xi1>, vector<16xi32>
          %swap3A_118 = arith.constant 0 : i32
          %swap3A_119 = arith.index_cast %swap3A_118 : i32 to index
          %swap3A_120 = arith.constant 32 : index
          %swap3A_121 = tpu.vector_load %arg9[%swap3A_119, %swap3A_120] {strides = array<i32>} : memref<1x128xi32, #tpu.memory_space<vmem>>, vector<16xi32>,
          tpu.vector_store %arg9[%swap3A_119, %swap3A_120], %select_n3A_117 {strides = array<i32>} : memref<1x128xi32, #tpu.memory_space<vmem>>, vector<16xi32>,
          %add3A_122 = arith.constant 48 : i32
          %add3A_123 = arith.addi %mul3A_78, %add3A_122 : i32
          %get3A_124 = arith.index_cast %add3A_123 : i32 to index
          %get3A_125 = tpu.vector_load %arg7[%get3A_124] {strides = array<i32>} : memref<1040xi32, #tpu.memory_space<vmem>>, vector<16xi32>,
          %add3A_126 = arith.constant 48 : i32
          %add3A_127 = arith.addi %mul3A_78, %add3A_126 : i32
          %broadcast_in_dim3A_128 = vector.broadcast %add3A_127 : i32 to vector<16xi32>
          %add3A_129 = arith.addi %broadcast_in_dim3A_128, %iota3A : vector<16xi32>
          %lt3A_130 = vector.broadcast %scan3A_45 : i32 to vector<16xi32>
          %lt3A_131 = arith.cmpi slt, %add3A_129, %lt3A_130 : vector<16xi32>
          %select_n3A_132 = arith.select %lt3A_131, %get3A_125, %broadcast_in_dim3A_11 : vector<16xi1>, vector<16xi32>
          %swap3A_133 = arith.constant 0 : i32
          %swap3A_134 = arith.index_cast %swap3A_133 : i32 to index
          %swap3A_135 = arith.constant 48 : index
          %swap3A_136 = tpu.vector_load %arg9[%swap3A_134, %swap3A_135] {strides = array<i32>} : memref<1x128xi32, #tpu.memory_space<vmem>>, vector<16xi32>,
          tpu.vector_store %arg9[%swap3A_134, %swap3A_135], %select_n3A_132 {strides = array<i32>} : memref<1x128xi32, #tpu.memory_space<vmem>>, vector<16xi32>,
          %add3A_137 = arith.constant 64 : i32
          %add3A_138 = arith.addi %mul3A_78, %add3A_137 : i32
          %get3A_139 = arith.index_cast %add3A_138 : i32 to index
          %get3A_140 = tpu.vector_load %arg7[%get3A_139] {strides = array<i32>} : memref<1040xi32, #tpu.memory_space<vmem>>, vector<16xi32>,
          %add3A_141 = arith.constant 64 : i32
          %add3A_142 = arith.addi %mul3A_78, %add3A_141 : i32
          %broadcast_in_dim3A_143 = vector.broadcast %add3A_142 : i32 to vector<16xi32>
          %add3A_144 = arith.addi %broadcast_in_dim3A_143, %iota3A : vector<16xi32>
          %lt3A_145 = vector.broadcast %scan3A_45 : i32 to vector<16xi32>
          %lt3A_146 = arith.cmpi slt, %add3A_144, %lt3A_145 : vector<16xi32>
          %select_n3A_147 = arith.select %lt3A_146, %get3A_140, %broadcast_in_dim3A_11 : vector<16xi1>, vector<16xi32>
          %swap3A_148 = arith.constant 0 : i32
          %swap3A_149 = arith.index_cast %swap3A_148 : i32 to index
          %swap3A_150 = arith.constant 64 : index
          %swap3A_151 = tpu.vector_load %arg9[%swap3A_149, %swap3A_150] {strides = array<i32>} : memref<1x128xi32, #tpu.memory_space<vmem>>, vector<16xi32>,
          tpu.vector_store %arg9[%swap3A_149, %swap3A_150], %select_n3A_147 {strides = array<i32>} : memref<1x128xi32, #tpu.memory_space<vmem>>, vector<16xi32>,
          %add3A_152 = arith.constant 80 : i32
          %add3A_153 = arith.addi %mul3A_78, %add3A_152 : i32
          %get3A_154 = arith.index_cast %add3A_153 : i32 to index
          %get3A_155 = tpu.vector_load %arg7[%get3A_154] {strides = array<i32>} : memref<1040xi32, #tpu.memory_space<vmem>>, vector<16xi32>,
          %add3A_156 = arith.constant 80 : i32
          %add3A_157 = arith.addi %mul3A_78, %add3A_156 : i32
          %broadcast_in_dim3A_158 = vector.broadcast %add3A_157 : i32 to vector<16xi32>
          %add3A_159 = arith.addi %broadcast_in_dim3A_158, %iota3A : vector<16xi32>
          %lt3A_160 = vector.broadcast %scan3A_45 : i32 to vector<16xi32>
          %lt3A_161 = arith.cmpi slt, %add3A_159, %lt3A_160 : vector<16xi32>
          %select_n3A_162 = arith.select %lt3A_161, %get3A_155, %broadcast_in_dim3A_11 : vector<16xi1>, vector<16xi32>
          %swap3A_163 = arith.constant 0 : i32
          %swap3A_164 = arith.index_cast %swap3A_163 : i32 to index
          %swap3A_165 = arith.constant 80 : index
          %swap3A_166 = tpu.vector_load %arg9[%swap3A_164, %swap3A_165] {strides = array<i32>} : memref<1x128xi32, #tpu.memory_space<vmem>>, vector<16xi32>,
          tpu.vector_store %arg9[%swap3A_164, %swap3A_165], %select_n3A_162 {strides = array<i32>} : memref<1x128xi32, #tpu.memory_space<vmem>>, vector<16xi32>,
          %add3A_167 = arith.constant 96 : i32
          %add3A_168 = arith.addi %mul3A_78, %add3A_167 : i32
          %get3A_169 = arith.index_cast %add3A_168 : i32 to index
          %get3A_170 = tpu.vector_load %arg7[%get3A_169] {strides = array<i32>} : memref<1040xi32, #tpu.memory_space<vmem>>, vector<16xi32>,
          %add3A_171 = arith.constant 96 : i32
          %add3A_172 = arith.addi %mul3A_78, %add3A_171 : i32
          %broadcast_in_dim3A_173 = vector.broadcast %add3A_172 : i32 to vector<16xi32>
          %add3A_174 = arith.addi %broadcast_in_dim3A_173, %iota3A : vector<16xi32>
          %lt3A_175 = vector.broadcast %scan3A_45 : i32 to vector<16xi32>
          %lt3A_176 = arith.cmpi slt, %add3A_174, %lt3A_175 : vector<16xi32>
          %select_n3A_177 = arith.select %lt3A_176, %get3A_170, %broadcast_in_dim3A_11 : vector<16xi1>, vector<16xi32>
          %swap3A_178 = arith.constant 0 : i32
          %swap3A_179 = arith.index_cast %swap3A_178 : i32 to index
          %swap3A_180 = arith.constant 96 : index
          %swap3A_181 = tpu.vector_load %arg9[%swap3A_179, %swap3A_180] {strides = array<i32>} : memref<1x128xi32, #tpu.memory_space<vmem>>, vector<16xi32>,
          tpu.vector_store %arg9[%swap3A_179, %swap3A_180], %select_n3A_177 {strides = array<i32>} : memref<1x128xi32, #tpu.memory_space<vmem>>, vector<16xi32>,
          %add3A_182 = arith.constant 112 : i32
          %add3A_183 = arith.addi %mul3A_78, %add3A_182 : i32
          %get3A_184 = arith.index_cast %add3A_183 : i32 to index
          %get3A_185 = tpu.vector_load %arg7[%get3A_184] {strides = array<i32>} : memref<1040xi32, #tpu.memory_space<vmem>>, vector<16xi32>,
          %add3A_186 = arith.constant 112 : i32
          %add3A_187 = arith.addi %mul3A_78, %add3A_186 : i32
          %broadcast_in_dim3A_188 = vector.broadcast %add3A_187 : i32 to vector<16xi32>
          %add3A_189 = arith.addi %broadcast_in_dim3A_188, %iota3A : vector<16xi32>
          %lt3A_190 = vector.broadcast %scan3A_45 : i32 to vector<16xi32>
          %lt3A_191 = arith.cmpi slt, %add3A_189, %lt3A_190 : vector<16xi32>
          %select_n3A_192 = arith.select %lt3A_191, %get3A_185, %broadcast_in_dim3A_11 : vector<16xi1>, vector<16xi32>
          %swap3A_193 = arith.constant 0 : i32
          %swap3A_194 = arith.index_cast %swap3A_193 : i32 to index
          %swap3A_195 = arith.constant 112 : index
          %swap3A_196 = tpu.vector_load %arg9[%swap3A_194, %swap3A_195] {strides = array<i32>} : memref<1x128xi32, #tpu.memory_space<vmem>>, vector<16xi32>,
          tpu.vector_store %arg9[%swap3A_194, %swap3A_195], %select_n3A_192 {strides = array<i32>} : memref<1x128xi32, #tpu.memory_space<vmem>>, vector<16xi32>,
          %run_scoped3A = arith.constant 0 : i32
          "tpu.region"() ({
            %run_scoped3A_209 = tpu.sem_alloc : memref<!tpu.dma_semaphore, #tpu.memory_space<semaphore_mem>>
            %dma_start3A = arith.constant 0 : i32
            %dma_start3A_210 = tpu.memref_slice %arg9[%run_scoped3A, %dma_start3A] : memref<1x128xi32, #tpu.memory_space<vmem>> -> memref<1x128xi32, #tpu.memory_space<vmem>>
            %dma_start3A_211 = tpu.memref_squeeze %dma_start3A_210 : memref<1x128xi32, #tpu.memory_space<vmem>> -> memref<128xi32, #tpu.memory_space<vmem>>
            %dma_start3A_212 = arith.constant 0 : i32
            %dma_start3A_213 = arith.constant 0 : i32
            %dma_start3A_214 = tpu.memref_slice %arg13[%dma_start3A_212, %dma_start3A_213] : memref<16384x64xf32, #tpu.memory_space<vmem_shared>> -> memref<16384x64xf32, #tpu.memory_space<vmem_shared>>
            tpu.enqueue_indirect_dma source(%dma_start3A_214 : memref<16384x64xf32, #tpu.memory_space<vmem_shared>>) target(%arg10 : memref<128x64xf32, #tpu.memory_space<vmem>>) offsets(%dma_start3A_211 : memref<128xi32, #tpu.memory_space<vmem>>) semaphore(%run_scoped3A_209 : memref<!tpu.dma_semaphore, #tpu.memory_space<semaphore_mem>>)
            %dma_wait3A = arith.constant 0 : i32
            %dma_wait3A_215 = tpu.memref_slice %arg9[%run_scoped3A, %dma_wait3A] : memref<1x128xi32, #tpu.memory_space<vmem>> -> memref<1x128xi32, #tpu.memory_space<vmem>>
            %dma_wait3A_216 = tpu.memref_squeeze %dma_wait3A_215 : memref<1x128xi32, #tpu.memory_space<vmem>> -> memref<128xi32, #tpu.memory_space<vmem>>
            %dma_wait3A_217 = arith.constant 0 : i32
            %dma_wait3A_218 = arith.constant 0 : i32
            %dma_wait3A_219 = tpu.memref_slice %arg13[%dma_wait3A_217, %dma_wait3A_218] : memref<16384x64xf32, #tpu.memory_space<vmem_shared>> -> memref<16384x64xf32, #tpu.memory_space<vmem_shared>>
            tpu.wait_indirect_dma semaphore(%run_scoped3A_209 : memref<!tpu.dma_semaphore, #tpu.memory_space<semaphore_mem>>) src(%dma_wait3A_219 : memref<16384x64xf32, #tpu.memory_space<vmem_shared>>) dst(%arg10 : memref<128x64xf32, #tpu.memory_space<vmem>>)
            tpu.yield
          }) : () -> ()
          %sub3A_197 = arith.subi %scan3A_45, %mul3A_78 : i32
          %min3A = arith.constant 128 : i32
          %min3A_198 = arith.minsi %sub3A_197, %min3A : i32
          %while3A_199 = arith.constant 0 : i32
          %while3A_200 = arith.constant 0 : i32
          %while3A_201 = arith.subi %min3A_198, %while3A_200 : i32
          %while3A_202 = arith.addi %while3A_200, %while3A_201 : i32
          %while3A_203 = arith.constant 1 : i32
          %while3A_204 = arith.divsi %while3A_201, %while3A_203 : i32
          %while3A_205 = arith.muli %while3A_204, %while3A_203 : i32
          %while3A_206 = arith.addi %while3A_200, %while3A_205 : i32
          %while3A_207 = arith.constant 1 : i32
          scf.for %while3A_209 = %while3A_200 to %while3A_206 step %while3A_207  : i32 {
            %add3A_210 = arith.addi %mul3A_78, %while3A_209 : i32
            %get3A_211 = arith.index_cast %add3A_210 : i32 to index
            %get3A_212 = tpu.vector_load %arg8[%get3A_211] {strides = array<i32>} : memref<1040xi32, #tpu.memory_space<vmem>>, vector<16xi32>,
            %slice3A = vector.extract_strided_slice %get3A_212 {offsets = [0], sizes = [1], strides = [1]} : vector<16xi32> to vector<1xi32>
            %squeeze3A = vector.extract %slice3A[0] : i32 from vector<1xi32>
            %get3A_213 = arith.index_cast %squeeze3A : i32 to index
            %get3A_214 = arith.constant 0 : index
            %get3A_215 = tpu.vector_load %arg11[%get3A_213, %get3A_214] {strides = array<i32>} : memref<256x64xf32, #tpu.memory_space<vmem>>, vector<16xf32>,
            %get3A_216 = arith.index_cast %while3A_209 : i32 to index
            %get3A_217 = arith.constant 0 : index
            %get3A_218 = tpu.vector_load %arg10[%get3A_216, %get3A_217] {strides = array<i32>} : memref<128x64xf32, #tpu.memory_space<vmem>>, vector<16xf32>,
            %add3A_219 = arith.addf %get3A_215, %get3A_218 : vector<16xf32>
            %swap3A_220 = arith.index_cast %squeeze3A : i32 to index
            %swap3A_221 = arith.constant 0 : index
            %swap3A_222 = tpu.vector_load %arg11[%swap3A_220, %swap3A_221] {strides = array<i32>} : memref<256x64xf32, #tpu.memory_space<vmem>>, vector<16xf32>,
            tpu.vector_store %arg11[%swap3A_220, %swap3A_221], %add3A_219 {strides = array<i32>} : memref<256x64xf32, #tpu.memory_space<vmem>>, vector<16xf32>,
            %get3A_223 = arith.index_cast %squeeze3A : i32 to index
            %get3A_224 = arith.constant 16 : index
            %get3A_225 = tpu.vector_load %arg11[%get3A_223, %get3A_224] {strides = array<i32>} : memref<256x64xf32, #tpu.memory_space<vmem>>, vector<16xf32>,
            %get3A_226 = arith.index_cast %while3A_209 : i32 to index
            %get3A_227 = arith.constant 16 : index
            %get3A_228 = tpu.vector_load %arg10[%get3A_226, %get3A_227] {strides = array<i32>} : memref<128x64xf32, #tpu.memory_space<vmem>>, vector<16xf32>,
            %add3A_229 = arith.addf %get3A_225, %get3A_228 : vector<16xf32>
            %swap3A_230 = arith.index_cast %squeeze3A : i32 to index
            %swap3A_231 = arith.constant 16 : index
            %swap3A_232 = tpu.vector_load %arg11[%swap3A_230, %swap3A_231] {strides = array<i32>} : memref<256x64xf32, #tpu.memory_space<vmem>>, vector<16xf32>,
            tpu.vector_store %arg11[%swap3A_230, %swap3A_231], %add3A_229 {strides = array<i32>} : memref<256x64xf32, #tpu.memory_space<vmem>>, vector<16xf32>,
            %get3A_233 = arith.index_cast %squeeze3A : i32 to index
            %get3A_234 = arith.constant 32 : index
            %get3A_235 = tpu.vector_load %arg11[%get3A_233, %get3A_234] {strides = array<i32>} : memref<256x64xf32, #tpu.memory_space<vmem>>, vector<16xf32>,
            %get3A_236 = arith.index_cast %while3A_209 : i32 to index
            %get3A_237 = arith.constant 32 : index
            %get3A_238 = tpu.vector_load %arg10[%get3A_236, %get3A_237] {strides = array<i32>} : memref<128x64xf32, #tpu.memory_space<vmem>>, vector<16xf32>,
            %add3A_239 = arith.addf %get3A_235, %get3A_238 : vector<16xf32>
            %swap3A_240 = arith.index_cast %squeeze3A : i32 to index
            %swap3A_241 = arith.constant 32 : index
            %swap3A_242 = tpu.vector_load %arg11[%swap3A_240, %swap3A_241] {strides = array<i32>} : memref<256x64xf32, #tpu.memory_space<vmem>>, vector<16xf32>,
            tpu.vector_store %arg11[%swap3A_240, %swap3A_241], %add3A_239 {strides = array<i32>} : memref<256x64xf32, #tpu.memory_space<vmem>>, vector<16xf32>,
            %get3A_243 = arith.index_cast %squeeze3A : i32 to index
            %get3A_244 = arith.constant 48 : index
            %get3A_245 = tpu.vector_load %arg11[%get3A_243, %get3A_244] {strides = array<i32>} : memref<256x64xf32, #tpu.memory_space<vmem>>, vector<16xf32>,
            %get3A_246 = arith.index_cast %while3A_209 : i32 to index
            %get3A_247 = arith.constant 48 : index
            %get3A_248 = tpu.vector_load %arg10[%get3A_246, %get3A_247] {strides = array<i32>} : memref<128x64xf32, #tpu.memory_space<vmem>>, vector<16xf32>,
            %add3A_249 = arith.addf %get3A_245, %get3A_248 : vector<16xf32>
            %swap3A_250 = arith.index_cast %squeeze3A : i32 to index
            %swap3A_251 = arith.constant 48 : index
            %swap3A_252 = tpu.vector_load %arg11[%swap3A_250, %swap3A_251] {strides = array<i32>} : memref<256x64xf32, #tpu.memory_space<vmem>>, vector<16xf32>,
            tpu.vector_store %arg11[%swap3A_250, %swap3A_251], %add3A_249 {strides = array<i32>} : memref<256x64xf32, #tpu.memory_space<vmem>>, vector<16xf32>,
          }
          %while3A_208 = arith.constant 1 : i32
          scf.for %while3A_209 = %while3A_206 to %while3A_202 step %while3A_208  : i32 {
            %add3A_210 = arith.addi %mul3A_78, %while3A_209 : i32
            %get3A_211 = arith.index_cast %add3A_210 : i32 to index
            %get3A_212 = tpu.vector_load %arg8[%get3A_211] {strides = array<i32>} : memref<1040xi32, #tpu.memory_space<vmem>>, vector<16xi32>,
            %slice3A = vector.extract_strided_slice %get3A_212 {offsets = [0], sizes = [1], strides = [1]} : vector<16xi32> to vector<1xi32>
            %squeeze3A = vector.extract %slice3A[0] : i32 from vector<1xi32>
            %get3A_213 = arith.index_cast %squeeze3A : i32 to index
            %get3A_214 = arith.constant 0 : index
            %get3A_215 = tpu.vector_load %arg11[%get3A_213, %get3A_214] {strides = array<i32>} : memref<256x64xf32, #tpu.memory_space<vmem>>, vector<16xf32>,
            %get3A_216 = arith.index_cast %while3A_209 : i32 to index
            %get3A_217 = arith.constant 0 : index
            %get3A_218 = tpu.vector_load %arg10[%get3A_216, %get3A_217] {strides = array<i32>} : memref<128x64xf32, #tpu.memory_space<vmem>>, vector<16xf32>,
            %add3A_219 = arith.addf %get3A_215, %get3A_218 : vector<16xf32>
            %swap3A_220 = arith.index_cast %squeeze3A : i32 to index
            %swap3A_221 = arith.constant 0 : index
            %swap3A_222 = tpu.vector_load %arg11[%swap3A_220, %swap3A_221] {strides = array<i32>} : memref<256x64xf32, #tpu.memory_space<vmem>>, vector<16xf32>,
            tpu.vector_store %arg11[%swap3A_220, %swap3A_221], %add3A_219 {strides = array<i32>} : memref<256x64xf32, #tpu.memory_space<vmem>>, vector<16xf32>,
            %get3A_223 = arith.index_cast %squeeze3A : i32 to index
            %get3A_224 = arith.constant 16 : index
            %get3A_225 = tpu.vector_load %arg11[%get3A_223, %get3A_224] {strides = array<i32>} : memref<256x64xf32, #tpu.memory_space<vmem>>, vector<16xf32>,
            %get3A_226 = arith.index_cast %while3A_209 : i32 to index
            %get3A_227 = arith.constant 16 : index
            %get3A_228 = tpu.vector_load %arg10[%get3A_226, %get3A_227] {strides = array<i32>} : memref<128x64xf32, #tpu.memory_space<vmem>>, vector<16xf32>,
            %add3A_229 = arith.addf %get3A_225, %get3A_228 : vector<16xf32>
            %swap3A_230 = arith.index_cast %squeeze3A : i32 to index
            %swap3A_231 = arith.constant 16 : index
            %swap3A_232 = tpu.vector_load %arg11[%swap3A_230, %swap3A_231] {strides = array<i32>} : memref<256x64xf32, #tpu.memory_space<vmem>>, vector<16xf32>,
            tpu.vector_store %arg11[%swap3A_230, %swap3A_231], %add3A_229 {strides = array<i32>} : memref<256x64xf32, #tpu.memory_space<vmem>>, vector<16xf32>,
            %get3A_233 = arith.index_cast %squeeze3A : i32 to index
            %get3A_234 = arith.constant 32 : index
            %get3A_235 = tpu.vector_load %arg11[%get3A_233, %get3A_234] {strides = array<i32>} : memref<256x64xf32, #tpu.memory_space<vmem>>, vector<16xf32>,
            %get3A_236 = arith.index_cast %while3A_209 : i32 to index
            %get3A_237 = arith.constant 32 : index
            %get3A_238 = tpu.vector_load %arg10[%get3A_236, %get3A_237] {strides = array<i32>} : memref<128x64xf32, #tpu.memory_space<vmem>>, vector<16xf32>,
            %add3A_239 = arith.addf %get3A_235, %get3A_238 : vector<16xf32>
            %swap3A_240 = arith.index_cast %squeeze3A : i32 to index
            %swap3A_241 = arith.constant 32 : index
            %swap3A_242 = tpu.vector_load %arg11[%swap3A_240, %swap3A_241] {strides = array<i32>} : memref<256x64xf32, #tpu.memory_space<vmem>>, vector<16xf32>,
            tpu.vector_store %arg11[%swap3A_240, %swap3A_241], %add3A_239 {strides = array<i32>} : memref<256x64xf32, #tpu.memory_space<vmem>>, vector<16xf32>,
            %get3A_243 = arith.index_cast %squeeze3A : i32 to index
            %get3A_244 = arith.constant 48 : index
            %get3A_245 = tpu.vector_load %arg11[%get3A_243, %get3A_244] {strides = array<i32>} : memref<256x64xf32, #tpu.memory_space<vmem>>, vector<16xf32>,
            %get3A_246 = arith.index_cast %while3A_209 : i32 to index
            %get3A_247 = arith.constant 48 : index
            %get3A_248 = tpu.vector_load %arg10[%get3A_246, %get3A_247] {strides = array<i32>} : memref<128x64xf32, #tpu.memory_space<vmem>>, vector<16xf32>,
            %add3A_249 = arith.addf %get3A_245, %get3A_248 : vector<16xf32>
            %swap3A_250 = arith.index_cast %squeeze3A : i32 to index
            %swap3A_251 = arith.constant 48 : index
            %swap3A_252 = tpu.vector_load %arg11[%swap3A_250, %swap3A_251] {strides = array<i32>} : memref<256x64xf32, #tpu.memory_space<vmem>>, vector<16xf32>,
            tpu.vector_store %arg11[%swap3A_250, %swap3A_251], %add3A_249 {strides = array<i32>} : memref<256x64xf32, #tpu.memory_space<vmem>>, vector<16xf32>,
          }
        }
      }
      %scan3A_36 = arith.constant 16 : i32
      "tpu.region"() ({
        %run_scoped3A = tpu.sem_alloc : memref<!tpu.dma_semaphore, #tpu.memory_space<semaphore_mem>>
        %dma_start3A = arith.constant 0 : i32
        %dma_start3A_37 = arith.constant 0 : i32
        %dma_start3A_38 = tpu.memref_slice %arg11[%dma_start3A, %dma_start3A_37] : memref<256x64xf32, #tpu.memory_space<vmem>> -> memref<256x64xf32, #tpu.memory_space<vmem>>
        %dma_start3A_39 = arith.constant 0 : i32
        %dma_start3A_40 = tpu.memref_slice %arg5[%add3A_28, %dma_start3A_39] : memref<100000x64xf32, #tpu.memory_space<hbm>> -> memref<256x64xf32, #tpu.memory_space<hbm>>
        %dma_start3A_41 = arith.constant 0 : i32
        %dma_start3A_42 = tpu.memref_slice %arg5[%add3A_28, %dma_start3A_41] : memref<100000x64xf32, #tpu.memory_space<hbm>> -> memref<256x64xf32, #tpu.memory_space<hbm>>
        %dma_start3A_43 = arith.constant 0 : i32
        %dma_start3A_44 = arith.constant 0 : i32
        %dma_start3A_45 = tpu.memref_slice %arg11[%dma_start3A_43, %dma_start3A_44] : memref<256x64xf32, #tpu.memory_space<vmem>> -> memref<256x64xf32, #tpu.memory_space<vmem>>
        tpu.enqueue_dma source(%dma_start3A_45 : memref<256x64xf32, #tpu.memory_space<vmem>>) target(%dma_start3A_42 : memref<256x64xf32, #tpu.memory_space<hbm>>) target_semaphore(%run_scoped3A : memref<!tpu.dma_semaphore, #tpu.memory_space<semaphore_mem>>)
        %dma_wait3A = arith.constant 0 : i32
        %dma_wait3A_46 = arith.constant 0 : i32
        %dma_wait3A_47 = tpu.memref_slice %arg11[%dma_wait3A, %dma_wait3A_46] : memref<256x64xf32, #tpu.memory_space<vmem>> -> memref<256x64xf32, #tpu.memory_space<vmem>>
        %dma_wait3A_48 = arith.constant 0 : i32
        %dma_wait3A_49 = tpu.memref_slice %arg5[%add3A_28, %dma_wait3A_48] : memref<100000x64xf32, #tpu.memory_space<hbm>> -> memref<256x64xf32, #tpu.memory_space<hbm>>
        %dma_wait3A_50 = arith.constant 0 : i32
        %dma_wait3A_51 = tpu.memref_slice %arg5[%add3A_28, %dma_wait3A_50] : memref<100000x64xf32, #tpu.memory_space<hbm>> -> memref<256x64xf32, #tpu.memory_space<hbm>>
        %dma_wait3A_52 = arith.constant 0 : i32
        %dma_wait3A_53 = arith.constant 0 : i32
        %dma_wait3A_54 = tpu.memref_slice %arg11[%dma_wait3A_52, %dma_wait3A_53] : memref<256x64xf32, #tpu.memory_space<vmem>> -> memref<256x64xf32, #tpu.memory_space<vmem>>
        tpu.wait_dma2 semaphore(%run_scoped3A : memref<!tpu.dma_semaphore, #tpu.memory_space<semaphore_mem>>) src(%dma_wait3A_54 : memref<256x64xf32, #tpu.memory_space<vmem>>) dst(%dma_wait3A_51 : memref<256x64xf32, #tpu.memory_space<hbm>>)
        tpu.yield
      }) : () -> ()
    }
    %scan3A_16 = arith.constant 12 : i32
    %lt3A = arith.constant 6 : i32
    %lt3A_17 = arith.cmpi slt, %add3A, %lt3A : i32
    %convert_element_type3A = arith.extui %lt3A_17 : i1 to i32
    %cond3A = arith.constant 0 : i32
    %cond3A_18 = arith.cmpi ne, %convert_element_type3A, %cond3A : i32
    scf.if %cond3A_18 {
      %mul3A_23 = arith.constant 12 : i32
      %mul3A_24 = arith.constant 8192 : i32
      %mul3A_25 = arith.muli %mul3A_23, %mul3A_24 : i32
      %mul3A_26 = arith.constant 256 : i32
      %mul3A_27 = arith.muli %add3A, %mul3A_26 : i32
      %add3A_28 = arith.addi %mul3A_25, %mul3A_27 : i32
      "tpu.region"() ({
        %run_scoped3A = tpu.sem_alloc : memref<!tpu.dma_semaphore, #tpu.memory_space<semaphore_mem>>
        %dma_start3A = arith.constant 0 : i32
        %dma_start3A_37 = arith.constant 0 : i32
        %dma_start3A_38 = tpu.memref_slice %arg11[%dma_start3A, %dma_start3A_37] : memref<256x64xf32, #tpu.memory_space<vmem>> -> memref<256x64xf32, #tpu.memory_space<vmem>>
        %dma_start3A_39 = arith.constant 0 : i32
        %dma_start3A_40 = tpu.memref_slice %arg2[%add3A_28, %dma_start3A_39] : memref<100000x64xf32, #tpu.memory_space<hbm>> -> memref<256x64xf32, #tpu.memory_space<hbm>>
        %dma_start3A_41 = arith.constant 0 : i32
        %dma_start3A_42 = arith.constant 0 : i32
        %dma_start3A_43 = tpu.memref_slice %arg11[%dma_start3A_41, %dma_start3A_42] : memref<256x64xf32, #tpu.memory_space<vmem>> -> memref<256x64xf32, #tpu.memory_space<vmem>>
        %dma_start3A_44 = arith.constant 0 : i32
        %dma_start3A_45 = tpu.memref_slice %arg2[%add3A_28, %dma_start3A_44] : memref<100000x64xf32, #tpu.memory_space<hbm>> -> memref<256x64xf32, #tpu.memory_space<hbm>>
        tpu.enqueue_dma source(%dma_start3A_45 : memref<256x64xf32, #tpu.memory_space<hbm>>) target(%dma_start3A_43 : memref<256x64xf32, #tpu.memory_space<vmem>>) target_semaphore(%run_scoped3A : memref<!tpu.dma_semaphore, #tpu.memory_space<semaphore_mem>>)
        %dma_wait3A = arith.constant 0 : i32
        %dma_wait3A_46 = arith.constant 0 : i32
        %dma_wait3A_47 = tpu.memref_slice %arg11[%dma_wait3A, %dma_wait3A_46] : memref<256x64xf32, #tpu.memory_space<vmem>> -> memref<256x64xf32, #tpu.memory_space<vmem>>
        %dma_wait3A_48 = arith.constant 0 : i32
        %dma_wait3A_49 = tpu.memref_slice %arg2[%add3A_28, %dma_wait3A_48] : memref<100000x64xf32, #tpu.memory_space<hbm>> -> memref<256x64xf32, #tpu.memory_space<hbm>>
        %dma_wait3A_50 = arith.constant 0 : i32
        %dma_wait3A_51 = arith.constant 0 : i32
        %dma_wait3A_52 = tpu.memref_slice %arg11[%dma_wait3A_50, %dma_wait3A_51] : memref<256x64xf32, #tpu.memory_space<vmem>> -> memref<256x64xf32, #tpu.memory_space<vmem>>
        %dma_wait3A_53 = arith.constant 0 : i32
        %dma_wait3A_54 = tpu.memref_slice %arg2[%add3A_28, %dma_wait3A_53] : memref<100000x64xf32, #tpu.memory_space<hbm>> -> memref<256x64xf32, #tpu.memory_space<hbm>>
        tpu.wait_dma2 semaphore(%run_scoped3A : memref<!tpu.dma_semaphore, #tpu.memory_space<semaphore_mem>>) src(%dma_wait3A_54 : memref<256x64xf32, #tpu.memory_space<hbm>>) dst(%dma_wait3A_52 : memref<256x64xf32, #tpu.memory_space<vmem>>)
        tpu.yield
      }) : () -> ()
      %add3A_29 = arith.constant 256 : i32
      %add3A_30 = arith.addi %add3A_28, %add3A_29 : i32
      %scan3A_31 = arith.constant 0 : i32
      %scan3A_32 = arith.constant 0 : i32
      %scan3A_33 = arith.constant 16 : i32
      %scan3A_34 = arith.addi %scan3A_32, %scan3A_33 : i32
      %scan3A_35 = arith.constant 1 : i32
      scf.for %scan3A_37 = %scan3A_32 to %scan3A_34 step %scan3A_35  : i32 {
        %mul3A_38 = arith.constant 1024 : i32
        %mul3A_39 = arith.muli %scan3A_37, %mul3A_38 : i32
        "tpu.region"() ({
          %run_scoped3A = tpu.sem_alloc : memref<!tpu.dma_semaphore, #tpu.memory_space<semaphore_mem>>
          %dma_start3A = tpu.memref_slice %arg12[%mul3A_39] : memref<16384xi32, #tpu.memory_space<vmem_shared>> -> memref<1024xi32, #tpu.memory_space<vmem_shared>>
          %dma_start3A_76 = tpu.memref_slice %arg12[%mul3A_39] : memref<16384xi32, #tpu.memory_space<vmem_shared>> -> memref<1024xi32, #tpu.memory_space<vmem_shared>>
          tpu.enqueue_dma source(%dma_start3A_76 : memref<1024xi32, #tpu.memory_space<vmem_shared>>) target(%arg6 : memref<1024xi32, #tpu.memory_space<vmem>>) target_semaphore(%run_scoped3A : memref<!tpu.dma_semaphore, #tpu.memory_space<semaphore_mem>>)
          %dma_wait3A = tpu.memref_slice %arg12[%mul3A_39] : memref<16384xi32, #tpu.memory_space<vmem_shared>> -> memref<1024xi32, #tpu.memory_space<vmem_shared>>
          %dma_wait3A_77 = tpu.memref_slice %arg12[%mul3A_39] : memref<16384xi32, #tpu.memory_space<vmem_shared>> -> memref<1024xi32, #tpu.memory_space<vmem_shared>>
          tpu.wait_dma2 semaphore(%run_scoped3A : memref<!tpu.dma_semaphore, #tpu.memory_space<semaphore_mem>>) src(%dma_wait3A_77 : memref<1024xi32, #tpu.memory_space<vmem_shared>>) dst(%arg6 : memref<1024xi32, #tpu.memory_space<vmem>>)
          tpu.yield
        }) : () -> ()
        %scan3A_40 = arith.constant 0 : i32
        %scan3A_41 = arith.constant 0 : i32
        %scan3A_42 = arith.constant 64 : i32
        %scan3A_43 = arith.addi %scan3A_41, %scan3A_42 : i32
        %scan3A_44 = arith.constant 1 : i32
        %scan3A_45 = scf.for %scan3A_76 = %scan3A_41 to %scan3A_43 step %scan3A_44 iter_args(%scan3A_77 = %scan3A_40) -> (i32)  : i32 {
          %mul3A_78 = arith.constant 16 : i32
          %mul3A_79 = arith.muli %scan3A_76, %mul3A_78 : i32
          %get3A = arith.index_cast %mul3A_79 : i32 to index
          %get3A_80 = tpu.vector_load %arg6[%get3A] {strides = array<i32>} : memref<1024xi32, #tpu.memory_space<vmem>>, vector<16xi32>,
          %ge3A = vector.broadcast %add3A_28 : i32 to vector<16xi32>
          %ge3A_81 = arith.cmpi sge, %get3A_80, %ge3A : vector<16xi32>
          %lt3A_82 = vector.broadcast %add3A_30 : i32 to vector<16xi32>
          %lt3A_83 = arith.cmpi slt, %get3A_80, %lt3A_82 : vector<16xi32>
          %and3A_84 = arith.andi %ge3A_81, %lt3A_83 : vector<16xi1>
          %select_n3A_85 = arith.select %and3A_84, %broadcast_in_dim3A_9, %broadcast_in_dim3A_11 : vector<16xi1>, vector<16xi32>
          %broadcast_in_dim3A_86 = arith.constant true
          %broadcast_in_dim3A_87 = vector.broadcast %broadcast_in_dim3A_86 : i1 to vector<16xi1>
          %masked_cumsum3A = tpu.scan <sum>, %select_n3A_85 masked %broadcast_in_dim3A_87 : vector<16xi32>, vector<16xi1> -> vector<16xi32>
          %sub3A_88 = arith.subi %masked_cumsum3A, %select_n3A_85 : vector<16xi32>
          %add3A_89 = vector.broadcast %scan3A_77 : i32 to vector<16xi32>
          %add3A_90 = arith.addi %sub3A_88, %add3A_89 : vector<16xi32>
          %mul3A_91 = arith.constant 1024 : i32
          %mul3A_92 = arith.muli %scan3A_37, %mul3A_91 : i32
          %mul3A_93 = arith.constant 16 : i32
          %mul3A_94 = arith.muli %scan3A_76, %mul3A_93 : i32
          %add3A_95 = arith.addi %mul3A_92, %mul3A_94 : i32
          %add3A_96 = vector.broadcast %add3A_95 : i32 to vector<16xi32>
          %add3A_97 = arith.addi %iota3A, %add3A_96 : vector<16xi32>
          tpu.vector_store_idx %arg7[%add3A_90], %add3A_97 masked %and3A_84 : memref<1040xi32, #tpu.memory_space<vmem>>[vector<16xi32>], vector<16xi32>, vector<16xi1>
          %sub3A_98 = vector.broadcast %add3A_28 : i32 to vector<16xi32>
          %sub3A_99 = arith.subi %get3A_80, %sub3A_98 : vector<16xi32>
          tpu.vector_store_idx %arg8[%add3A_90], %sub3A_99 masked %and3A_84 : memref<1040xi32, #tpu.memory_space<vmem>>[vector<16xi32>], vector<16xi32>, vector<16xi1>
          %slice3A = vector.extract_strided_slice %masked_cumsum3A {offsets = [15], sizes = [1], strides = [1]} : vector<16xi32> to vector<1xi32>
          %squeeze3A = vector.extract %slice3A[0] : i32 from vector<1xi32>
          %add3A_100 = arith.addi %scan3A_77, %squeeze3A : i32
          scf.yield %add3A_100 : i32
        }
        %scan3A_46 = arith.constant 64 : i32
        %add3A_47 = arith.constant 128 : i32
        %add3A_48 = arith.addi %scan3A_45, %add3A_47 : i32
        %sub3A = arith.constant 1 : i32
        %sub3A_49 = arith.subi %add3A_48, %sub3A : i32
        %jit3A = arith.constant 128 : i32
        %div3A = arith.divsi %sub3A_49, %jit3A : i32
        %sign3A = arith.constant 0 : i32
        %sign3A_50 = arith.cmpi sgt, %sub3A_49, %sign3A : i32
        %sign3A_51 = arith.extui %sign3A_50 : i1 to i32
        %sign3A_52 = arith.constant 0 : i32
        %sign3A_53 = arith.cmpi slt, %sub3A_49, %sign3A_52 : i32
        %sign3A_54 = arith.extui %sign3A_53 : i1 to i32
        %sign3A_55 = arith.subi %sign3A_51, %sign3A_54 : i32
        %sign3A_56 = arith.constant 0 : i32
        %sign3A_57 = arith.cmpi sgt, %jit3A, %sign3A_56 : i32
        %sign3A_58 = arith.extui %sign3A_57 : i1 to i32
        %sign3A_59 = arith.constant 0 : i32
        %sign3A_60 = arith.cmpi slt, %jit3A, %sign3A_59 : i32
        %sign3A_61 = arith.extui %sign3A_60 : i1 to i32
        %sign3A_62 = arith.subi %sign3A_58, %sign3A_61 : i32
        %ne3A = arith.cmpi ne, %sign3A_55, %sign3A_62 : i32
        %rem3A = arith.remsi %sub3A_49, %jit3A : i32
        %ne3A_63 = arith.constant 0 : i32
        %ne3A_64 = arith.cmpi ne, %rem3A, %ne3A_63 : i32
        %and3A = arith.andi %ne3A, %ne3A_64 : i1
        %sub3A_65 = arith.constant 1 : i32
        %sub3A_66 = arith.subi %div3A, %sub3A_65 : i32
        %select_n3A = arith.select %and3A, %sub3A_66, %div3A : i32
        %while3A = arith.constant 0 : i32
        %while3A_67 = arith.constant 0 : i32
        %while3A_68 = arith.subi %select_n3A, %while3A_67 : i32
        %while3A_69 = arith.addi %while3A_67, %while3A_68 : i32
        %while3A_70 = arith.constant 1 : i32
        %while3A_71 = arith.divsi %while3A_68, %while3A_70 : i32
        %while3A_72 = arith.muli %while3A_71, %while3A_70 : i32
        %while3A_73 = arith.addi %while3A_67, %while3A_72 : i32
        %while3A_74 = arith.constant 1 : i32
        scf.for %while3A_76 = %while3A_67 to %while3A_73 step %while3A_74  : i32 {
          %mul3A_77 = arith.constant 128 : i32
          %mul3A_78 = arith.muli %while3A_76, %mul3A_77 : i32
          %add3A_79 = arith.constant 0 : i32
          %add3A_80 = arith.addi %mul3A_78, %add3A_79 : i32
          %get3A = arith.index_cast %add3A_80 : i32 to index
          %get3A_81 = tpu.vector_load %arg7[%get3A] {strides = array<i32>} : memref<1040xi32, #tpu.memory_space<vmem>>, vector<16xi32>,
          %add3A_82 = arith.constant 0 : i32
          %add3A_83 = arith.addi %mul3A_78, %add3A_82 : i32
          %broadcast_in_dim3A_84 = vector.broadcast %add3A_83 : i32 to vector<16xi32>
          %add3A_85 = arith.addi %broadcast_in_dim3A_84, %iota3A : vector<16xi32>
          %lt3A_86 = vector.broadcast %scan3A_45 : i32 to vector<16xi32>
          %lt3A_87 = arith.cmpi slt, %add3A_85, %lt3A_86 : vector<16xi32>
          %select_n3A_88 = arith.select %lt3A_87, %get3A_81, %broadcast_in_dim3A_11 : vector<16xi1>, vector<16xi32>
          %swap3A = arith.constant 0 : i32
          %swap3A_89 = arith.index_cast %swap3A : i32 to index
          %swap3A_90 = arith.constant 0 : index
          %swap3A_91 = tpu.vector_load %arg9[%swap3A_89, %swap3A_90] {strides = array<i32>} : memref<1x128xi32, #tpu.memory_space<vmem>>, vector<16xi32>,
          tpu.vector_store %arg9[%swap3A_89, %swap3A_90], %select_n3A_88 {strides = array<i32>} : memref<1x128xi32, #tpu.memory_space<vmem>>, vector<16xi32>,
          %add3A_92 = arith.constant 16 : i32
          %add3A_93 = arith.addi %mul3A_78, %add3A_92 : i32
          %get3A_94 = arith.index_cast %add3A_93 : i32 to index
          %get3A_95 = tpu.vector_load %arg7[%get3A_94] {strides = array<i32>} : memref<1040xi32, #tpu.memory_space<vmem>>, vector<16xi32>,
          %add3A_96 = arith.constant 16 : i32
          %add3A_97 = arith.addi %mul3A_78, %add3A_96 : i32
          %broadcast_in_dim3A_98 = vector.broadcast %add3A_97 : i32 to vector<16xi32>
          %add3A_99 = arith.addi %broadcast_in_dim3A_98, %iota3A : vector<16xi32>
          %lt3A_100 = vector.broadcast %scan3A_45 : i32 to vector<16xi32>
          %lt3A_101 = arith.cmpi slt, %add3A_99, %lt3A_100 : vector<16xi32>
          %select_n3A_102 = arith.select %lt3A_101, %get3A_95, %broadcast_in_dim3A_11 : vector<16xi1>, vector<16xi32>
          %swap3A_103 = arith.constant 0 : i32
          %swap3A_104 = arith.index_cast %swap3A_103 : i32 to index
          %swap3A_105 = arith.constant 16 : index
          %swap3A_106 = tpu.vector_load %arg9[%swap3A_104, %swap3A_105] {strides = array<i32>} : memref<1x128xi32, #tpu.memory_space<vmem>>, vector<16xi32>,
          tpu.vector_store %arg9[%swap3A_104, %swap3A_105], %select_n3A_102 {strides = array<i32>} : memref<1x128xi32, #tpu.memory_space<vmem>>, vector<16xi32>,
          %add3A_107 = arith.constant 32 : i32
          %add3A_108 = arith.addi %mul3A_78, %add3A_107 : i32
          %get3A_109 = arith.index_cast %add3A_108 : i32 to index
          %get3A_110 = tpu.vector_load %arg7[%get3A_109] {strides = array<i32>} : memref<1040xi32, #tpu.memory_space<vmem>>, vector<16xi32>,
          %add3A_111 = arith.constant 32 : i32
          %add3A_112 = arith.addi %mul3A_78, %add3A_111 : i32
          %broadcast_in_dim3A_113 = vector.broadcast %add3A_112 : i32 to vector<16xi32>
          %add3A_114 = arith.addi %broadcast_in_dim3A_113, %iota3A : vector<16xi32>
          %lt3A_115 = vector.broadcast %scan3A_45 : i32 to vector<16xi32>
          %lt3A_116 = arith.cmpi slt, %add3A_114, %lt3A_115 : vector<16xi32>
          %select_n3A_117 = arith.select %lt3A_116, %get3A_110, %broadcast_in_dim3A_11 : vector<16xi1>, vector<16xi32>
          %swap3A_118 = arith.constant 0 : i32
          %swap3A_119 = arith.index_cast %swap3A_118 : i32 to index
          %swap3A_120 = arith.constant 32 : index
          %swap3A_121 = tpu.vector_load %arg9[%swap3A_119, %swap3A_120] {strides = array<i32>} : memref<1x128xi32, #tpu.memory_space<vmem>>, vector<16xi32>,
          tpu.vector_store %arg9[%swap3A_119, %swap3A_120], %select_n3A_117 {strides = array<i32>} : memref<1x128xi32, #tpu.memory_space<vmem>>, vector<16xi32>,
          %add3A_122 = arith.constant 48 : i32
          %add3A_123 = arith.addi %mul3A_78, %add3A_122 : i32
          %get3A_124 = arith.index_cast %add3A_123 : i32 to index
          %get3A_125 = tpu.vector_load %arg7[%get3A_124] {strides = array<i32>} : memref<1040xi32, #tpu.memory_space<vmem>>, vector<16xi32>,
          %add3A_126 = arith.constant 48 : i32
          %add3A_127 = arith.addi %mul3A_78, %add3A_126 : i32
          %broadcast_in_dim3A_128 = vector.broadcast %add3A_127 : i32 to vector<16xi32>
          %add3A_129 = arith.addi %broadcast_in_dim3A_128, %iota3A : vector<16xi32>
          %lt3A_130 = vector.broadcast %scan3A_45 : i32 to vector<16xi32>
          %lt3A_131 = arith.cmpi slt, %add3A_129, %lt3A_130 : vector<16xi32>
          %select_n3A_132 = arith.select %lt3A_131, %get3A_125, %broadcast_in_dim3A_11 : vector<16xi1>, vector<16xi32>
          %swap3A_133 = arith.constant 0 : i32
          %swap3A_134 = arith.index_cast %swap3A_133 : i32 to index
          %swap3A_135 = arith.constant 48 : index
          %swap3A_136 = tpu.vector_load %arg9[%swap3A_134, %swap3A_135] {strides = array<i32>} : memref<1x128xi32, #tpu.memory_space<vmem>>, vector<16xi32>,
          tpu.vector_store %arg9[%swap3A_134, %swap3A_135], %select_n3A_132 {strides = array<i32>} : memref<1x128xi32, #tpu.memory_space<vmem>>, vector<16xi32>,
          %add3A_137 = arith.constant 64 : i32
          %add3A_138 = arith.addi %mul3A_78, %add3A_137 : i32
          %get3A_139 = arith.index_cast %add3A_138 : i32 to index
          %get3A_140 = tpu.vector_load %arg7[%get3A_139] {strides = array<i32>} : memref<1040xi32, #tpu.memory_space<vmem>>, vector<16xi32>,
          %add3A_141 = arith.constant 64 : i32
          %add3A_142 = arith.addi %mul3A_78, %add3A_141 : i32
          %broadcast_in_dim3A_143 = vector.broadcast %add3A_142 : i32 to vector<16xi32>
          %add3A_144 = arith.addi %broadcast_in_dim3A_143, %iota3A : vector<16xi32>
          %lt3A_145 = vector.broadcast %scan3A_45 : i32 to vector<16xi32>
          %lt3A_146 = arith.cmpi slt, %add3A_144, %lt3A_145 : vector<16xi32>
          %select_n3A_147 = arith.select %lt3A_146, %get3A_140, %broadcast_in_dim3A_11 : vector<16xi1>, vector<16xi32>
          %swap3A_148 = arith.constant 0 : i32
          %swap3A_149 = arith.index_cast %swap3A_148 : i32 to index
          %swap3A_150 = arith.constant 64 : index
          %swap3A_151 = tpu.vector_load %arg9[%swap3A_149, %swap3A_150] {strides = array<i32>} : memref<1x128xi32, #tpu.memory_space<vmem>>, vector<16xi32>,
          tpu.vector_store %arg9[%swap3A_149, %swap3A_150], %select_n3A_147 {strides = array<i32>} : memref<1x128xi32, #tpu.memory_space<vmem>>, vector<16xi32>,
          %add3A_152 = arith.constant 80 : i32
          %add3A_153 = arith.addi %mul3A_78, %add3A_152 : i32
          %get3A_154 = arith.index_cast %add3A_153 : i32 to index
          %get3A_155 = tpu.vector_load %arg7[%get3A_154] {strides = array<i32>} : memref<1040xi32, #tpu.memory_space<vmem>>, vector<16xi32>,
          %add3A_156 = arith.constant 80 : i32
          %add3A_157 = arith.addi %mul3A_78, %add3A_156 : i32
          %broadcast_in_dim3A_158 = vector.broadcast %add3A_157 : i32 to vector<16xi32>
          %add3A_159 = arith.addi %broadcast_in_dim3A_158, %iota3A : vector<16xi32>
          %lt3A_160 = vector.broadcast %scan3A_45 : i32 to vector<16xi32>
          %lt3A_161 = arith.cmpi slt, %add3A_159, %lt3A_160 : vector<16xi32>
          %select_n3A_162 = arith.select %lt3A_161, %get3A_155, %broadcast_in_dim3A_11 : vector<16xi1>, vector<16xi32>
          %swap3A_163 = arith.constant 0 : i32
          %swap3A_164 = arith.index_cast %swap3A_163 : i32 to index
          %swap3A_165 = arith.constant 80 : index
          %swap3A_166 = tpu.vector_load %arg9[%swap3A_164, %swap3A_165] {strides = array<i32>} : memref<1x128xi32, #tpu.memory_space<vmem>>, vector<16xi32>,
          tpu.vector_store %arg9[%swap3A_164, %swap3A_165], %select_n3A_162 {strides = array<i32>} : memref<1x128xi32, #tpu.memory_space<vmem>>, vector<16xi32>,
          %add3A_167 = arith.constant 96 : i32
          %add3A_168 = arith.addi %mul3A_78, %add3A_167 : i32
          %get3A_169 = arith.index_cast %add3A_168 : i32 to index
          %get3A_170 = tpu.vector_load %arg7[%get3A_169] {strides = array<i32>} : memref<1040xi32, #tpu.memory_space<vmem>>, vector<16xi32>,
          %add3A_171 = arith.constant 96 : i32
          %add3A_172 = arith.addi %mul3A_78, %add3A_171 : i32
          %broadcast_in_dim3A_173 = vector.broadcast %add3A_172 : i32 to vector<16xi32>
          %add3A_174 = arith.addi %broadcast_in_dim3A_173, %iota3A : vector<16xi32>
          %lt3A_175 = vector.broadcast %scan3A_45 : i32 to vector<16xi32>
          %lt3A_176 = arith.cmpi slt, %add3A_174, %lt3A_175 : vector<16xi32>
          %select_n3A_177 = arith.select %lt3A_176, %get3A_170, %broadcast_in_dim3A_11 : vector<16xi1>, vector<16xi32>
          %swap3A_178 = arith.constant 0 : i32
          %swap3A_179 = arith.index_cast %swap3A_178 : i32 to index
          %swap3A_180 = arith.constant 96 : index
          %swap3A_181 = tpu.vector_load %arg9[%swap3A_179, %swap3A_180] {strides = array<i32>} : memref<1x128xi32, #tpu.memory_space<vmem>>, vector<16xi32>,
          tpu.vector_store %arg9[%swap3A_179, %swap3A_180], %select_n3A_177 {strides = array<i32>} : memref<1x128xi32, #tpu.memory_space<vmem>>, vector<16xi32>,
          %add3A_182 = arith.constant 112 : i32
          %add3A_183 = arith.addi %mul3A_78, %add3A_182 : i32
          %get3A_184 = arith.index_cast %add3A_183 : i32 to index
          %get3A_185 = tpu.vector_load %arg7[%get3A_184] {strides = array<i32>} : memref<1040xi32, #tpu.memory_space<vmem>>, vector<16xi32>,
          %add3A_186 = arith.constant 112 : i32
          %add3A_187 = arith.addi %mul3A_78, %add3A_186 : i32
          %broadcast_in_dim3A_188 = vector.broadcast %add3A_187 : i32 to vector<16xi32>
          %add3A_189 = arith.addi %broadcast_in_dim3A_188, %iota3A : vector<16xi32>
          %lt3A_190 = vector.broadcast %scan3A_45 : i32 to vector<16xi32>
          %lt3A_191 = arith.cmpi slt, %add3A_189, %lt3A_190 : vector<16xi32>
          %select_n3A_192 = arith.select %lt3A_191, %get3A_185, %broadcast_in_dim3A_11 : vector<16xi1>, vector<16xi32>
          %swap3A_193 = arith.constant 0 : i32
          %swap3A_194 = arith.index_cast %swap3A_193 : i32 to index
          %swap3A_195 = arith.constant 112 : index
          %swap3A_196 = tpu.vector_load %arg9[%swap3A_194, %swap3A_195] {strides = array<i32>} : memref<1x128xi32, #tpu.memory_space<vmem>>, vector<16xi32>,
          tpu.vector_store %arg9[%swap3A_194, %swap3A_195], %select_n3A_192 {strides = array<i32>} : memref<1x128xi32, #tpu.memory_space<vmem>>, vector<16xi32>,
          %run_scoped3A = arith.constant 0 : i32
          "tpu.region"() ({
            %run_scoped3A_209 = tpu.sem_alloc : memref<!tpu.dma_semaphore, #tpu.memory_space<semaphore_mem>>
            %dma_start3A = arith.constant 0 : i32
            %dma_start3A_210 = tpu.memref_slice %arg9[%run_scoped3A, %dma_start3A] : memref<1x128xi32, #tpu.memory_space<vmem>> -> memref<1x128xi32, #tpu.memory_space<vmem>>
            %dma_start3A_211 = tpu.memref_squeeze %dma_start3A_210 : memref<1x128xi32, #tpu.memory_space<vmem>> -> memref<128xi32, #tpu.memory_space<vmem>>
            %dma_start3A_212 = arith.constant 0 : i32
            %dma_start3A_213 = arith.constant 0 : i32
            %dma_start3A_214 = tpu.memref_slice %arg13[%dma_start3A_212, %dma_start3A_213] : memref<16384x64xf32, #tpu.memory_space<vmem_shared>> -> memref<16384x64xf32, #tpu.memory_space<vmem_shared>>
            tpu.enqueue_indirect_dma source(%dma_start3A_214 : memref<16384x64xf32, #tpu.memory_space<vmem_shared>>) target(%arg10 : memref<128x64xf32, #tpu.memory_space<vmem>>) offsets(%dma_start3A_211 : memref<128xi32, #tpu.memory_space<vmem>>) semaphore(%run_scoped3A_209 : memref<!tpu.dma_semaphore, #tpu.memory_space<semaphore_mem>>)
            %dma_wait3A = arith.constant 0 : i32
            %dma_wait3A_215 = tpu.memref_slice %arg9[%run_scoped3A, %dma_wait3A] : memref<1x128xi32, #tpu.memory_space<vmem>> -> memref<1x128xi32, #tpu.memory_space<vmem>>
            %dma_wait3A_216 = tpu.memref_squeeze %dma_wait3A_215 : memref<1x128xi32, #tpu.memory_space<vmem>> -> memref<128xi32, #tpu.memory_space<vmem>>
            %dma_wait3A_217 = arith.constant 0 : i32
            %dma_wait3A_218 = arith.constant 0 : i32
            %dma_wait3A_219 = tpu.memref_slice %arg13[%dma_wait3A_217, %dma_wait3A_218] : memref<16384x64xf32, #tpu.memory_space<vmem_shared>> -> memref<16384x64xf32, #tpu.memory_space<vmem_shared>>
            tpu.wait_indirect_dma semaphore(%run_scoped3A_209 : memref<!tpu.dma_semaphore, #tpu.memory_space<semaphore_mem>>) src(%dma_wait3A_219 : memref<16384x64xf32, #tpu.memory_space<vmem_shared>>) dst(%arg10 : memref<128x64xf32, #tpu.memory_space<vmem>>)
            tpu.yield
          }) : () -> ()
          %sub3A_197 = arith.subi %scan3A_45, %mul3A_78 : i32
          %min3A = arith.constant 128 : i32
          %min3A_198 = arith.minsi %sub3A_197, %min3A : i32
          %while3A_199 = arith.constant 0 : i32
          %while3A_200 = arith.constant 0 : i32
          %while3A_201 = arith.subi %min3A_198, %while3A_200 : i32
          %while3A_202 = arith.addi %while3A_200, %while3A_201 : i32
          %while3A_203 = arith.constant 1 : i32
          %while3A_204 = arith.divsi %while3A_201, %while3A_203 : i32
          %while3A_205 = arith.muli %while3A_204, %while3A_203 : i32
          %while3A_206 = arith.addi %while3A_200, %while3A_205 : i32
          %while3A_207 = arith.constant 1 : i32
          scf.for %while3A_209 = %while3A_200 to %while3A_206 step %while3A_207  : i32 {
            %add3A_210 = arith.addi %mul3A_78, %while3A_209 : i32
            %get3A_211 = arith.index_cast %add3A_210 : i32 to index
            %get3A_212 = tpu.vector_load %arg8[%get3A_211] {strides = array<i32>} : memref<1040xi32, #tpu.memory_space<vmem>>, vector<16xi32>,
            %slice3A = vector.extract_strided_slice %get3A_212 {offsets = [0], sizes = [1], strides = [1]} : vector<16xi32> to vector<1xi32>
            %squeeze3A = vector.extract %slice3A[0] : i32 from vector<1xi32>
            %get3A_213 = arith.index_cast %squeeze3A : i32 to index
            %get3A_214 = arith.constant 0 : index
            %get3A_215 = tpu.vector_load %arg11[%get3A_213, %get3A_214] {strides = array<i32>} : memref<256x64xf32, #tpu.memory_space<vmem>>, vector<16xf32>,
            %get3A_216 = arith.index_cast %while3A_209 : i32 to index
            %get3A_217 = arith.constant 0 : index
            %get3A_218 = tpu.vector_load %arg10[%get3A_216, %get3A_217] {strides = array<i32>} : memref<128x64xf32, #tpu.memory_space<vmem>>, vector<16xf32>,
            %add3A_219 = arith.addf %get3A_215, %get3A_218 : vector<16xf32>
            %swap3A_220 = arith.index_cast %squeeze3A : i32 to index
            %swap3A_221 = arith.constant 0 : index
            %swap3A_222 = tpu.vector_load %arg11[%swap3A_220, %swap3A_221] {strides = array<i32>} : memref<256x64xf32, #tpu.memory_space<vmem>>, vector<16xf32>,
            tpu.vector_store %arg11[%swap3A_220, %swap3A_221], %add3A_219 {strides = array<i32>} : memref<256x64xf32, #tpu.memory_space<vmem>>, vector<16xf32>,
            %get3A_223 = arith.index_cast %squeeze3A : i32 to index
            %get3A_224 = arith.constant 16 : index
            %get3A_225 = tpu.vector_load %arg11[%get3A_223, %get3A_224] {strides = array<i32>} : memref<256x64xf32, #tpu.memory_space<vmem>>, vector<16xf32>,
            %get3A_226 = arith.index_cast %while3A_209 : i32 to index
            %get3A_227 = arith.constant 16 : index
            %get3A_228 = tpu.vector_load %arg10[%get3A_226, %get3A_227] {strides = array<i32>} : memref<128x64xf32, #tpu.memory_space<vmem>>, vector<16xf32>,
            %add3A_229 = arith.addf %get3A_225, %get3A_228 : vector<16xf32>
            %swap3A_230 = arith.index_cast %squeeze3A : i32 to index
            %swap3A_231 = arith.constant 16 : index
            %swap3A_232 = tpu.vector_load %arg11[%swap3A_230, %swap3A_231] {strides = array<i32>} : memref<256x64xf32, #tpu.memory_space<vmem>>, vector<16xf32>,
            tpu.vector_store %arg11[%swap3A_230, %swap3A_231], %add3A_229 {strides = array<i32>} : memref<256x64xf32, #tpu.memory_space<vmem>>, vector<16xf32>,
            %get3A_233 = arith.index_cast %squeeze3A : i32 to index
            %get3A_234 = arith.constant 32 : index
            %get3A_235 = tpu.vector_load %arg11[%get3A_233, %get3A_234] {strides = array<i32>} : memref<256x64xf32, #tpu.memory_space<vmem>>, vector<16xf32>,
            %get3A_236 = arith.index_cast %while3A_209 : i32 to index
            %get3A_237 = arith.constant 32 : index
            %get3A_238 = tpu.vector_load %arg10[%get3A_236, %get3A_237] {strides = array<i32>} : memref<128x64xf32, #tpu.memory_space<vmem>>, vector<16xf32>,
            %add3A_239 = arith.addf %get3A_235, %get3A_238 : vector<16xf32>
            %swap3A_240 = arith.index_cast %squeeze3A : i32 to index
            %swap3A_241 = arith.constant 32 : index
            %swap3A_242 = tpu.vector_load %arg11[%swap3A_240, %swap3A_241] {strides = array<i32>} : memref<256x64xf32, #tpu.memory_space<vmem>>, vector<16xf32>,
            tpu.vector_store %arg11[%swap3A_240, %swap3A_241], %add3A_239 {strides = array<i32>} : memref<256x64xf32, #tpu.memory_space<vmem>>, vector<16xf32>,
            %get3A_243 = arith.index_cast %squeeze3A : i32 to index
            %get3A_244 = arith.constant 48 : index
            %get3A_245 = tpu.vector_load %arg11[%get3A_243, %get3A_244] {strides = array<i32>} : memref<256x64xf32, #tpu.memory_space<vmem>>, vector<16xf32>,
            %get3A_246 = arith.index_cast %while3A_209 : i32 to index
            %get3A_247 = arith.constant 48 : index
            %get3A_248 = tpu.vector_load %arg10[%get3A_246, %get3A_247] {strides = array<i32>} : memref<128x64xf32, #tpu.memory_space<vmem>>, vector<16xf32>,
            %add3A_249 = arith.addf %get3A_245, %get3A_248 : vector<16xf32>
            %swap3A_250 = arith.index_cast %squeeze3A : i32 to index
            %swap3A_251 = arith.constant 48 : index
            %swap3A_252 = tpu.vector_load %arg11[%swap3A_250, %swap3A_251] {strides = array<i32>} : memref<256x64xf32, #tpu.memory_space<vmem>>, vector<16xf32>,
            tpu.vector_store %arg11[%swap3A_250, %swap3A_251], %add3A_249 {strides = array<i32>} : memref<256x64xf32, #tpu.memory_space<vmem>>, vector<16xf32>,
          }
          %while3A_208 = arith.constant 1 : i32
          scf.for %while3A_209 = %while3A_206 to %while3A_202 step %while3A_208  : i32 {
            %add3A_210 = arith.addi %mul3A_78, %while3A_209 : i32
            %get3A_211 = arith.index_cast %add3A_210 : i32 to index
            %get3A_212 = tpu.vector_load %arg8[%get3A_211] {strides = array<i32>} : memref<1040xi32, #tpu.memory_space<vmem>>, vector<16xi32>,
            %slice3A = vector.extract_strided_slice %get3A_212 {offsets = [0], sizes = [1], strides = [1]} : vector<16xi32> to vector<1xi32>
            %squeeze3A = vector.extract %slice3A[0] : i32 from vector<1xi32>
            %get3A_213 = arith.index_cast %squeeze3A : i32 to index
            %get3A_214 = arith.constant 0 : index
            %get3A_215 = tpu.vector_load %arg11[%get3A_213, %get3A_214] {strides = array<i32>} : memref<256x64xf32, #tpu.memory_space<vmem>>, vector<16xf32>,
            %get3A_216 = arith.index_cast %while3A_209 : i32 to index
            %get3A_217 = arith.constant 0 : index
            %get3A_218 = tpu.vector_load %arg10[%get3A_216, %get3A_217] {strides = array<i32>} : memref<128x64xf32, #tpu.memory_space<vmem>>, vector<16xf32>,
            %add3A_219 = arith.addf %get3A_215, %get3A_218 : vector<16xf32>
            %swap3A_220 = arith.index_cast %squeeze3A : i32 to index
            %swap3A_221 = arith.constant 0 : index
            %swap3A_222 = tpu.vector_load %arg11[%swap3A_220, %swap3A_221] {strides = array<i32>} : memref<256x64xf32, #tpu.memory_space<vmem>>, vector<16xf32>,
            tpu.vector_store %arg11[%swap3A_220, %swap3A_221], %add3A_219 {strides = array<i32>} : memref<256x64xf32, #tpu.memory_space<vmem>>, vector<16xf32>,
            %get3A_223 = arith.index_cast %squeeze3A : i32 to index
            %get3A_224 = arith.constant 16 : index
            %get3A_225 = tpu.vector_load %arg11[%get3A_223, %get3A_224] {strides = array<i32>} : memref<256x64xf32, #tpu.memory_space<vmem>>, vector<16xf32>,
            %get3A_226 = arith.index_cast %while3A_209 : i32 to index
            %get3A_227 = arith.constant 16 : index
            %get3A_228 = tpu.vector_load %arg10[%get3A_226, %get3A_227] {strides = array<i32>} : memref<128x64xf32, #tpu.memory_space<vmem>>, vector<16xf32>,
            %add3A_229 = arith.addf %get3A_225, %get3A_228 : vector<16xf32>
            %swap3A_230 = arith.index_cast %squeeze3A : i32 to index
            %swap3A_231 = arith.constant 16 : index
            %swap3A_232 = tpu.vector_load %arg11[%swap3A_230, %swap3A_231] {strides = array<i32>} : memref<256x64xf32, #tpu.memory_space<vmem>>, vector<16xf32>,
            tpu.vector_store %arg11[%swap3A_230, %swap3A_231], %add3A_229 {strides = array<i32>} : memref<256x64xf32, #tpu.memory_space<vmem>>, vector<16xf32>,
            %get3A_233 = arith.index_cast %squeeze3A : i32 to index
            %get3A_234 = arith.constant 32 : index
            %get3A_235 = tpu.vector_load %arg11[%get3A_233, %get3A_234] {strides = array<i32>} : memref<256x64xf32, #tpu.memory_space<vmem>>, vector<16xf32>,
            %get3A_236 = arith.index_cast %while3A_209 : i32 to index
            %get3A_237 = arith.constant 32 : index
            %get3A_238 = tpu.vector_load %arg10[%get3A_236, %get3A_237] {strides = array<i32>} : memref<128x64xf32, #tpu.memory_space<vmem>>, vector<16xf32>,
            %add3A_239 = arith.addf %get3A_235, %get3A_238 : vector<16xf32>
            %swap3A_240 = arith.index_cast %squeeze3A : i32 to index
            %swap3A_241 = arith.constant 32 : index
            %swap3A_242 = tpu.vector_load %arg11[%swap3A_240, %swap3A_241] {strides = array<i32>} : memref<256x64xf32, #tpu.memory_space<vmem>>, vector<16xf32>,
            tpu.vector_store %arg11[%swap3A_240, %swap3A_241], %add3A_239 {strides = array<i32>} : memref<256x64xf32, #tpu.memory_space<vmem>>, vector<16xf32>,
            %get3A_243 = arith.index_cast %squeeze3A : i32 to index
            %get3A_244 = arith.constant 48 : index
            %get3A_245 = tpu.vector_load %arg11[%get3A_243, %get3A_244] {strides = array<i32>} : memref<256x64xf32, #tpu.memory_space<vmem>>, vector<16xf32>,
            %get3A_246 = arith.index_cast %while3A_209 : i32 to index
            %get3A_247 = arith.constant 48 : index
            %get3A_248 = tpu.vector_load %arg10[%get3A_246, %get3A_247] {strides = array<i32>} : memref<128x64xf32, #tpu.memory_space<vmem>>, vector<16xf32>,
            %add3A_249 = arith.addf %get3A_245, %get3A_248 : vector<16xf32>
            %swap3A_250 = arith.index_cast %squeeze3A : i32 to index
            %swap3A_251 = arith.constant 48 : index
            %swap3A_252 = tpu.vector_load %arg11[%swap3A_250, %swap3A_251] {strides = array<i32>} : memref<256x64xf32, #tpu.memory_space<vmem>>, vector<16xf32>,
            tpu.vector_store %arg11[%swap3A_250, %swap3A_251], %add3A_249 {strides = array<i32>} : memref<256x64xf32, #tpu.memory_space<vmem>>, vector<16xf32>,
          }
        }
        %while3A_75 = arith.constant 1 : i32
        scf.for %while3A_76 = %while3A_73 to %while3A_69 step %while3A_75  : i32 {
          %mul3A_77 = arith.constant 128 : i32
          %mul3A_78 = arith.muli %while3A_76, %mul3A_77 : i32
          %add3A_79 = arith.constant 0 : i32
          %add3A_80 = arith.addi %mul3A_78, %add3A_79 : i32
          %get3A = arith.index_cast %add3A_80 : i32 to index
          %get3A_81 = tpu.vector_load %arg7[%get3A] {strides = array<i32>} : memref<1040xi32, #tpu.memory_space<vmem>>, vector<16xi32>,
          %add3A_82 = arith.constant 0 : i32
          %add3A_83 = arith.addi %mul3A_78, %add3A_82 : i32
          %broadcast_in_dim3A_84 = vector.broadcast %add3A_83 : i32 to vector<16xi32>
          %add3A_85 = arith.addi %broadcast_in_dim3A_84, %iota3A : vector<16xi32>
          %lt3A_86 = vector.broadcast %scan3A_45 : i32 to vector<16xi32>
          %lt3A_87 = arith.cmpi slt, %add3A_85, %lt3A_86 : vector<16xi32>
          %select_n3A_88 = arith.select %lt3A_87, %get3A_81, %broadcast_in_dim3A_11 : vector<16xi1>, vector<16xi32>
          %swap3A = arith.constant 0 : i32
          %swap3A_89 = arith.index_cast %swap3A : i32 to index
          %swap3A_90 = arith.constant 0 : index
          %swap3A_91 = tpu.vector_load %arg9[%swap3A_89, %swap3A_90] {strides = array<i32>} : memref<1x128xi32, #tpu.memory_space<vmem>>, vector<16xi32>,
          tpu.vector_store %arg9[%swap3A_89, %swap3A_90], %select_n3A_88 {strides = array<i32>} : memref<1x128xi32, #tpu.memory_space<vmem>>, vector<16xi32>,
          %add3A_92 = arith.constant 16 : i32
          %add3A_93 = arith.addi %mul3A_78, %add3A_92 : i32
          %get3A_94 = arith.index_cast %add3A_93 : i32 to index
          %get3A_95 = tpu.vector_load %arg7[%get3A_94] {strides = array<i32>} : memref<1040xi32, #tpu.memory_space<vmem>>, vector<16xi32>,
          %add3A_96 = arith.constant 16 : i32
          %add3A_97 = arith.addi %mul3A_78, %add3A_96 : i32
          %broadcast_in_dim3A_98 = vector.broadcast %add3A_97 : i32 to vector<16xi32>
          %add3A_99 = arith.addi %broadcast_in_dim3A_98, %iota3A : vector<16xi32>
          %lt3A_100 = vector.broadcast %scan3A_45 : i32 to vector<16xi32>
          %lt3A_101 = arith.cmpi slt, %add3A_99, %lt3A_100 : vector<16xi32>
          %select_n3A_102 = arith.select %lt3A_101, %get3A_95, %broadcast_in_dim3A_11 : vector<16xi1>, vector<16xi32>
          %swap3A_103 = arith.constant 0 : i32
          %swap3A_104 = arith.index_cast %swap3A_103 : i32 to index
          %swap3A_105 = arith.constant 16 : index
          %swap3A_106 = tpu.vector_load %arg9[%swap3A_104, %swap3A_105] {strides = array<i32>} : memref<1x128xi32, #tpu.memory_space<vmem>>, vector<16xi32>,
          tpu.vector_store %arg9[%swap3A_104, %swap3A_105], %select_n3A_102 {strides = array<i32>} : memref<1x128xi32, #tpu.memory_space<vmem>>, vector<16xi32>,
          %add3A_107 = arith.constant 32 : i32
          %add3A_108 = arith.addi %mul3A_78, %add3A_107 : i32
          %get3A_109 = arith.index_cast %add3A_108 : i32 to index
          %get3A_110 = tpu.vector_load %arg7[%get3A_109] {strides = array<i32>} : memref<1040xi32, #tpu.memory_space<vmem>>, vector<16xi32>,
          %add3A_111 = arith.constant 32 : i32
          %add3A_112 = arith.addi %mul3A_78, %add3A_111 : i32
          %broadcast_in_dim3A_113 = vector.broadcast %add3A_112 : i32 to vector<16xi32>
          %add3A_114 = arith.addi %broadcast_in_dim3A_113, %iota3A : vector<16xi32>
          %lt3A_115 = vector.broadcast %scan3A_45 : i32 to vector<16xi32>
          %lt3A_116 = arith.cmpi slt, %add3A_114, %lt3A_115 : vector<16xi32>
          %select_n3A_117 = arith.select %lt3A_116, %get3A_110, %broadcast_in_dim3A_11 : vector<16xi1>, vector<16xi32>
          %swap3A_118 = arith.constant 0 : i32
          %swap3A_119 = arith.index_cast %swap3A_118 : i32 to index
          %swap3A_120 = arith.constant 32 : index
          %swap3A_121 = tpu.vector_load %arg9[%swap3A_119, %swap3A_120] {strides = array<i32>} : memref<1x128xi32, #tpu.memory_space<vmem>>, vector<16xi32>,
          tpu.vector_store %arg9[%swap3A_119, %swap3A_120], %select_n3A_117 {strides = array<i32>} : memref<1x128xi32, #tpu.memory_space<vmem>>, vector<16xi32>,
          %add3A_122 = arith.constant 48 : i32
          %add3A_123 = arith.addi %mul3A_78, %add3A_122 : i32
          %get3A_124 = arith.index_cast %add3A_123 : i32 to index
          %get3A_125 = tpu.vector_load %arg7[%get3A_124] {strides = array<i32>} : memref<1040xi32, #tpu.memory_space<vmem>>, vector<16xi32>,
          %add3A_126 = arith.constant 48 : i32
          %add3A_127 = arith.addi %mul3A_78, %add3A_126 : i32
          %broadcast_in_dim3A_128 = vector.broadcast %add3A_127 : i32 to vector<16xi32>
          %add3A_129 = arith.addi %broadcast_in_dim3A_128, %iota3A : vector<16xi32>
          %lt3A_130 = vector.broadcast %scan3A_45 : i32 to vector<16xi32>
          %lt3A_131 = arith.cmpi slt, %add3A_129, %lt3A_130 : vector<16xi32>
          %select_n3A_132 = arith.select %lt3A_131, %get3A_125, %broadcast_in_dim3A_11 : vector<16xi1>, vector<16xi32>
          %swap3A_133 = arith.constant 0 : i32
          %swap3A_134 = arith.index_cast %swap3A_133 : i32 to index
          %swap3A_135 = arith.constant 48 : index
          %swap3A_136 = tpu.vector_load %arg9[%swap3A_134, %swap3A_135] {strides = array<i32>} : memref<1x128xi32, #tpu.memory_space<vmem>>, vector<16xi32>,
          tpu.vector_store %arg9[%swap3A_134, %swap3A_135], %select_n3A_132 {strides = array<i32>} : memref<1x128xi32, #tpu.memory_space<vmem>>, vector<16xi32>,
          %add3A_137 = arith.constant 64 : i32
          %add3A_138 = arith.addi %mul3A_78, %add3A_137 : i32
          %get3A_139 = arith.index_cast %add3A_138 : i32 to index
          %get3A_140 = tpu.vector_load %arg7[%get3A_139] {strides = array<i32>} : memref<1040xi32, #tpu.memory_space<vmem>>, vector<16xi32>,
          %add3A_141 = arith.constant 64 : i32
          %add3A_142 = arith.addi %mul3A_78, %add3A_141 : i32
          %broadcast_in_dim3A_143 = vector.broadcast %add3A_142 : i32 to vector<16xi32>
          %add3A_144 = arith.addi %broadcast_in_dim3A_143, %iota3A : vector<16xi32>
          %lt3A_145 = vector.broadcast %scan3A_45 : i32 to vector<16xi32>
          %lt3A_146 = arith.cmpi slt, %add3A_144, %lt3A_145 : vector<16xi32>
          %select_n3A_147 = arith.select %lt3A_146, %get3A_140, %broadcast_in_dim3A_11 : vector<16xi1>, vector<16xi32>
          %swap3A_148 = arith.constant 0 : i32
          %swap3A_149 = arith.index_cast %swap3A_148 : i32 to index
          %swap3A_150 = arith.constant 64 : index
          %swap3A_151 = tpu.vector_load %arg9[%swap3A_149, %swap3A_150] {strides = array<i32>} : memref<1x128xi32, #tpu.memory_space<vmem>>, vector<16xi32>,
          tpu.vector_store %arg9[%swap3A_149, %swap3A_150], %select_n3A_147 {strides = array<i32>} : memref<1x128xi32, #tpu.memory_space<vmem>>, vector<16xi32>,
          %add3A_152 = arith.constant 80 : i32
          %add3A_153 = arith.addi %mul3A_78, %add3A_152 : i32
          %get3A_154 = arith.index_cast %add3A_153 : i32 to index
          %get3A_155 = tpu.vector_load %arg7[%get3A_154] {strides = array<i32>} : memref<1040xi32, #tpu.memory_space<vmem>>, vector<16xi32>,
          %add3A_156 = arith.constant 80 : i32
          %add3A_157 = arith.addi %mul3A_78, %add3A_156 : i32
          %broadcast_in_dim3A_158 = vector.broadcast %add3A_157 : i32 to vector<16xi32>
          %add3A_159 = arith.addi %broadcast_in_dim3A_158, %iota3A : vector<16xi32>
          %lt3A_160 = vector.broadcast %scan3A_45 : i32 to vector<16xi32>
          %lt3A_161 = arith.cmpi slt, %add3A_159, %lt3A_160 : vector<16xi32>
          %select_n3A_162 = arith.select %lt3A_161, %get3A_155, %broadcast_in_dim3A_11 : vector<16xi1>, vector<16xi32>
          %swap3A_163 = arith.constant 0 : i32
          %swap3A_164 = arith.index_cast %swap3A_163 : i32 to index
          %swap3A_165 = arith.constant 80 : index
          %swap3A_166 = tpu.vector_load %arg9[%swap3A_164, %swap3A_165] {strides = array<i32>} : memref<1x128xi32, #tpu.memory_space<vmem>>, vector<16xi32>,
          tpu.vector_store %arg9[%swap3A_164, %swap3A_165], %select_n3A_162 {strides = array<i32>} : memref<1x128xi32, #tpu.memory_space<vmem>>, vector<16xi32>,
          %add3A_167 = arith.constant 96 : i32
          %add3A_168 = arith.addi %mul3A_78, %add3A_167 : i32
          %get3A_169 = arith.index_cast %add3A_168 : i32 to index
          %get3A_170 = tpu.vector_load %arg7[%get3A_169] {strides = array<i32>} : memref<1040xi32, #tpu.memory_space<vmem>>, vector<16xi32>,
          %add3A_171 = arith.constant 96 : i32
          %add3A_172 = arith.addi %mul3A_78, %add3A_171 : i32
          %broadcast_in_dim3A_173 = vector.broadcast %add3A_172 : i32 to vector<16xi32>
          %add3A_174 = arith.addi %broadcast_in_dim3A_173, %iota3A : vector<16xi32>
          %lt3A_175 = vector.broadcast %scan3A_45 : i32 to vector<16xi32>
          %lt3A_176 = arith.cmpi slt, %add3A_174, %lt3A_175 : vector<16xi32>
          %select_n3A_177 = arith.select %lt3A_176, %get3A_170, %broadcast_in_dim3A_11 : vector<16xi1>, vector<16xi32>
          %swap3A_178 = arith.constant 0 : i32
          %swap3A_179 = arith.index_cast %swap3A_178 : i32 to index
          %swap3A_180 = arith.constant 96 : index
          %swap3A_181 = tpu.vector_load %arg9[%swap3A_179, %swap3A_180] {strides = array<i32>} : memref<1x128xi32, #tpu.memory_space<vmem>>, vector<16xi32>,
          tpu.vector_store %arg9[%swap3A_179, %swap3A_180], %select_n3A_177 {strides = array<i32>} : memref<1x128xi32, #tpu.memory_space<vmem>>, vector<16xi32>,
          %add3A_182 = arith.constant 112 : i32
          %add3A_183 = arith.addi %mul3A_78, %add3A_182 : i32
          %get3A_184 = arith.index_cast %add3A_183 : i32 to index
          %get3A_185 = tpu.vector_load %arg7[%get3A_184] {strides = array<i32>} : memref<1040xi32, #tpu.memory_space<vmem>>, vector<16xi32>,
          %add3A_186 = arith.constant 112 : i32
          %add3A_187 = arith.addi %mul3A_78, %add3A_186 : i32
          %broadcast_in_dim3A_188 = vector.broadcast %add3A_187 : i32 to vector<16xi32>
          %add3A_189 = arith.addi %broadcast_in_dim3A_188, %iota3A : vector<16xi32>
          %lt3A_190 = vector.broadcast %scan3A_45 : i32 to vector<16xi32>
          %lt3A_191 = arith.cmpi slt, %add3A_189, %lt3A_190 : vector<16xi32>
          %select_n3A_192 = arith.select %lt3A_191, %get3A_185, %broadcast_in_dim3A_11 : vector<16xi1>, vector<16xi32>
          %swap3A_193 = arith.constant 0 : i32
          %swap3A_194 = arith.index_cast %swap3A_193 : i32 to index
          %swap3A_195 = arith.constant 112 : index
          %swap3A_196 = tpu.vector_load %arg9[%swap3A_194, %swap3A_195] {strides = array<i32>} : memref<1x128xi32, #tpu.memory_space<vmem>>, vector<16xi32>,
          tpu.vector_store %arg9[%swap3A_194, %swap3A_195], %select_n3A_192 {strides = array<i32>} : memref<1x128xi32, #tpu.memory_space<vmem>>, vector<16xi32>,
          %run_scoped3A = arith.constant 0 : i32
          "tpu.region"() ({
            %run_scoped3A_209 = tpu.sem_alloc : memref<!tpu.dma_semaphore, #tpu.memory_space<semaphore_mem>>
            %dma_start3A = arith.constant 0 : i32
            %dma_start3A_210 = tpu.memref_slice %arg9[%run_scoped3A, %dma_start3A] : memref<1x128xi32, #tpu.memory_space<vmem>> -> memref<1x128xi32, #tpu.memory_space<vmem>>
            %dma_start3A_211 = tpu.memref_squeeze %dma_start3A_210 : memref<1x128xi32, #tpu.memory_space<vmem>> -> memref<128xi32, #tpu.memory_space<vmem>>
            %dma_start3A_212 = arith.constant 0 : i32
            %dma_start3A_213 = arith.constant 0 : i32
            %dma_start3A_214 = tpu.memref_slice %arg13[%dma_start3A_212, %dma_start3A_213] : memref<16384x64xf32, #tpu.memory_space<vmem_shared>> -> memref<16384x64xf32, #tpu.memory_space<vmem_shared>>
            tpu.enqueue_indirect_dma source(%dma_start3A_214 : memref<16384x64xf32, #tpu.memory_space<vmem_shared>>) target(%arg10 : memref<128x64xf32, #tpu.memory_space<vmem>>) offsets(%dma_start3A_211 : memref<128xi32, #tpu.memory_space<vmem>>) semaphore(%run_scoped3A_209 : memref<!tpu.dma_semaphore, #tpu.memory_space<semaphore_mem>>)
            %dma_wait3A = arith.constant 0 : i32
            %dma_wait3A_215 = tpu.memref_slice %arg9[%run_scoped3A, %dma_wait3A] : memref<1x128xi32, #tpu.memory_space<vmem>> -> memref<1x128xi32, #tpu.memory_space<vmem>>
            %dma_wait3A_216 = tpu.memref_squeeze %dma_wait3A_215 : memref<1x128xi32, #tpu.memory_space<vmem>> -> memref<128xi32, #tpu.memory_space<vmem>>
            %dma_wait3A_217 = arith.constant 0 : i32
            %dma_wait3A_218 = arith.constant 0 : i32
            %dma_wait3A_219 = tpu.memref_slice %arg13[%dma_wait3A_217, %dma_wait3A_218] : memref<16384x64xf32, #tpu.memory_space<vmem_shared>> -> memref<16384x64xf32, #tpu.memory_space<vmem_shared>>
            tpu.wait_indirect_dma semaphore(%run_scoped3A_209 : memref<!tpu.dma_semaphore, #tpu.memory_space<semaphore_mem>>) src(%dma_wait3A_219 : memref<16384x64xf32, #tpu.memory_space<vmem_shared>>) dst(%arg10 : memref<128x64xf32, #tpu.memory_space<vmem>>)
            tpu.yield
          }) : () -> ()
          %sub3A_197 = arith.subi %scan3A_45, %mul3A_78 : i32
          %min3A = arith.constant 128 : i32
          %min3A_198 = arith.minsi %sub3A_197, %min3A : i32
          %while3A_199 = arith.constant 0 : i32
          %while3A_200 = arith.constant 0 : i32
          %while3A_201 = arith.subi %min3A_198, %while3A_200 : i32
          %while3A_202 = arith.addi %while3A_200, %while3A_201 : i32
          %while3A_203 = arith.constant 1 : i32
          %while3A_204 = arith.divsi %while3A_201, %while3A_203 : i32
          %while3A_205 = arith.muli %while3A_204, %while3A_203 : i32
          %while3A_206 = arith.addi %while3A_200, %while3A_205 : i32
          %while3A_207 = arith.constant 1 : i32
          scf.for %while3A_209 = %while3A_200 to %while3A_206 step %while3A_207  : i32 {
            %add3A_210 = arith.addi %mul3A_78, %while3A_209 : i32
            %get3A_211 = arith.index_cast %add3A_210 : i32 to index
            %get3A_212 = tpu.vector_load %arg8[%get3A_211] {strides = array<i32>} : memref<1040xi32, #tpu.memory_space<vmem>>, vector<16xi32>,
            %slice3A = vector.extract_strided_slice %get3A_212 {offsets = [0], sizes = [1], strides = [1]} : vector<16xi32> to vector<1xi32>
            %squeeze3A = vector.extract %slice3A[0] : i32 from vector<1xi32>
            %get3A_213 = arith.index_cast %squeeze3A : i32 to index
            %get3A_214 = arith.constant 0 : index
            %get3A_215 = tpu.vector_load %arg11[%get3A_213, %get3A_214] {strides = array<i32>} : memref<256x64xf32, #tpu.memory_space<vmem>>, vector<16xf32>,
            %get3A_216 = arith.index_cast %while3A_209 : i32 to index
            %get3A_217 = arith.constant 0 : index
            %get3A_218 = tpu.vector_load %arg10[%get3A_216, %get3A_217] {strides = array<i32>} : memref<128x64xf32, #tpu.memory_space<vmem>>, vector<16xf32>,
            %add3A_219 = arith.addf %get3A_215, %get3A_218 : vector<16xf32>
            %swap3A_220 = arith.index_cast %squeeze3A : i32 to index
            %swap3A_221 = arith.constant 0 : index
            %swap3A_222 = tpu.vector_load %arg11[%swap3A_220, %swap3A_221] {strides = array<i32>} : memref<256x64xf32, #tpu.memory_space<vmem>>, vector<16xf32>,
            tpu.vector_store %arg11[%swap3A_220, %swap3A_221], %add3A_219 {strides = array<i32>} : memref<256x64xf32, #tpu.memory_space<vmem>>, vector<16xf32>,
            %get3A_223 = arith.index_cast %squeeze3A : i32 to index
            %get3A_224 = arith.constant 16 : index
            %get3A_225 = tpu.vector_load %arg11[%get3A_223, %get3A_224] {strides = array<i32>} : memref<256x64xf32, #tpu.memory_space<vmem>>, vector<16xf32>,
            %get3A_226 = arith.index_cast %while3A_209 : i32 to index
            %get3A_227 = arith.constant 16 : index
            %get3A_228 = tpu.vector_load %arg10[%get3A_226, %get3A_227] {strides = array<i32>} : memref<128x64xf32, #tpu.memory_space<vmem>>, vector<16xf32>,
            %add3A_229 = arith.addf %get3A_225, %get3A_228 : vector<16xf32>
            %swap3A_230 = arith.index_cast %squeeze3A : i32 to index
            %swap3A_231 = arith.constant 16 : index
            %swap3A_232 = tpu.vector_load %arg11[%swap3A_230, %swap3A_231] {strides = array<i32>} : memref<256x64xf32, #tpu.memory_space<vmem>>, vector<16xf32>,
            tpu.vector_store %arg11[%swap3A_230, %swap3A_231], %add3A_229 {strides = array<i32>} : memref<256x64xf32, #tpu.memory_space<vmem>>, vector<16xf32>,
            %get3A_233 = arith.index_cast %squeeze3A : i32 to index
            %get3A_234 = arith.constant 32 : index
            %get3A_235 = tpu.vector_load %arg11[%get3A_233, %get3A_234] {strides = array<i32>} : memref<256x64xf32, #tpu.memory_space<vmem>>, vector<16xf32>,
            %get3A_236 = arith.index_cast %while3A_209 : i32 to index
            %get3A_237 = arith.constant 32 : index
            %get3A_238 = tpu.vector_load %arg10[%get3A_236, %get3A_237] {strides = array<i32>} : memref<128x64xf32, #tpu.memory_space<vmem>>, vector<16xf32>,
            %add3A_239 = arith.addf %get3A_235, %get3A_238 : vector<16xf32>
            %swap3A_240 = arith.index_cast %squeeze3A : i32 to index
            %swap3A_241 = arith.constant 32 : index
            %swap3A_242 = tpu.vector_load %arg11[%swap3A_240, %swap3A_241] {strides = array<i32>} : memref<256x64xf32, #tpu.memory_space<vmem>>, vector<16xf32>,
            tpu.vector_store %arg11[%swap3A_240, %swap3A_241], %add3A_239 {strides = array<i32>} : memref<256x64xf32, #tpu.memory_space<vmem>>, vector<16xf32>,
            %get3A_243 = arith.index_cast %squeeze3A : i32 to index
            %get3A_244 = arith.constant 48 : index
            %get3A_245 = tpu.vector_load %arg11[%get3A_243, %get3A_244] {strides = array<i32>} : memref<256x64xf32, #tpu.memory_space<vmem>>, vector<16xf32>,
            %get3A_246 = arith.index_cast %while3A_209 : i32 to index
            %get3A_247 = arith.constant 48 : index
            %get3A_248 = tpu.vector_load %arg10[%get3A_246, %get3A_247] {strides = array<i32>} : memref<128x64xf32, #tpu.memory_space<vmem>>, vector<16xf32>,
            %add3A_249 = arith.addf %get3A_245, %get3A_248 : vector<16xf32>
            %swap3A_250 = arith.index_cast %squeeze3A : i32 to index
            %swap3A_251 = arith.constant 48 : index
            %swap3A_252 = tpu.vector_load %arg11[%swap3A_250, %swap3A_251] {strides = array<i32>} : memref<256x64xf32, #tpu.memory_space<vmem>>, vector<16xf32>,
            tpu.vector_store %arg11[%swap3A_250, %swap3A_251], %add3A_249 {strides = array<i32>} : memref<256x64xf32, #tpu.memory_space<vmem>>, vector<16xf32>,
          }
          %while3A_208 = arith.constant 1 : i32
          scf.for %while3A_209 = %while3A_206 to %while3A_202 step %while3A_208  : i32 {
            %add3A_210 = arith.addi %mul3A_78, %while3A_209 : i32
            %get3A_211 = arith.index_cast %add3A_210 : i32 to index
            %get3A_212 = tpu.vector_load %arg8[%get3A_211] {strides = array<i32>} : memref<1040xi32, #tpu.memory_space<vmem>>, vector<16xi32>,
            %slice3A = vector.extract_strided_slice %get3A_212 {offsets = [0], sizes = [1], strides = [1]} : vector<16xi32> to vector<1xi32>
            %squeeze3A = vector.extract %slice3A[0] : i32 from vector<1xi32>
            %get3A_213 = arith.index_cast %squeeze3A : i32 to index
            %get3A_214 = arith.constant 0 : index
            %get3A_215 = tpu.vector_load %arg11[%get3A_213, %get3A_214] {strides = array<i32>} : memref<256x64xf32, #tpu.memory_space<vmem>>, vector<16xf32>,
            %get3A_216 = arith.index_cast %while3A_209 : i32 to index
            %get3A_217 = arith.constant 0 : index
            %get3A_218 = tpu.vector_load %arg10[%get3A_216, %get3A_217] {strides = array<i32>} : memref<128x64xf32, #tpu.memory_space<vmem>>, vector<16xf32>,
            %add3A_219 = arith.addf %get3A_215, %get3A_218 : vector<16xf32>
            %swap3A_220 = arith.index_cast %squeeze3A : i32 to index
            %swap3A_221 = arith.constant 0 : index
            %swap3A_222 = tpu.vector_load %arg11[%swap3A_220, %swap3A_221] {strides = array<i32>} : memref<256x64xf32, #tpu.memory_space<vmem>>, vector<16xf32>,
            tpu.vector_store %arg11[%swap3A_220, %swap3A_221], %add3A_219 {strides = array<i32>} : memref<256x64xf32, #tpu.memory_space<vmem>>, vector<16xf32>,
            %get3A_223 = arith.index_cast %squeeze3A : i32 to index
            %get3A_224 = arith.constant 16 : index
            %get3A_225 = tpu.vector_load %arg11[%get3A_223, %get3A_224] {strides = array<i32>} : memref<256x64xf32, #tpu.memory_space<vmem>>, vector<16xf32>,
            %get3A_226 = arith.index_cast %while3A_209 : i32 to index
            %get3A_227 = arith.constant 16 : index
            %get3A_228 = tpu.vector_load %arg10[%get3A_226, %get3A_227] {strides = array<i32>} : memref<128x64xf32, #tpu.memory_space<vmem>>, vector<16xf32>,
            %add3A_229 = arith.addf %get3A_225, %get3A_228 : vector<16xf32>
            %swap3A_230 = arith.index_cast %squeeze3A : i32 to index
            %swap3A_231 = arith.constant 16 : index
            %swap3A_232 = tpu.vector_load %arg11[%swap3A_230, %swap3A_231] {strides = array<i32>} : memref<256x64xf32, #tpu.memory_space<vmem>>, vector<16xf32>,
            tpu.vector_store %arg11[%swap3A_230, %swap3A_231], %add3A_229 {strides = array<i32>} : memref<256x64xf32, #tpu.memory_space<vmem>>, vector<16xf32>,
            %get3A_233 = arith.index_cast %squeeze3A : i32 to index
            %get3A_234 = arith.constant 32 : index
            %get3A_235 = tpu.vector_load %arg11[%get3A_233, %get3A_234] {strides = array<i32>} : memref<256x64xf32, #tpu.memory_space<vmem>>, vector<16xf32>,
            %get3A_236 = arith.index_cast %while3A_209 : i32 to index
            %get3A_237 = arith.constant 32 : index
            %get3A_238 = tpu.vector_load %arg10[%get3A_236, %get3A_237] {strides = array<i32>} : memref<128x64xf32, #tpu.memory_space<vmem>>, vector<16xf32>,
            %add3A_239 = arith.addf %get3A_235, %get3A_238 : vector<16xf32>
            %swap3A_240 = arith.index_cast %squeeze3A : i32 to index
            %swap3A_241 = arith.constant 32 : index
            %swap3A_242 = tpu.vector_load %arg11[%swap3A_240, %swap3A_241] {strides = array<i32>} : memref<256x64xf32, #tpu.memory_space<vmem>>, vector<16xf32>,
            tpu.vector_store %arg11[%swap3A_240, %swap3A_241], %add3A_239 {strides = array<i32>} : memref<256x64xf32, #tpu.memory_space<vmem>>, vector<16xf32>,
            %get3A_243 = arith.index_cast %squeeze3A : i32 to index
            %get3A_244 = arith.constant 48 : index
            %get3A_245 = tpu.vector_load %arg11[%get3A_243, %get3A_244] {strides = array<i32>} : memref<256x64xf32, #tpu.memory_space<vmem>>, vector<16xf32>,
            %get3A_246 = arith.index_cast %while3A_209 : i32 to index
            %get3A_247 = arith.constant 48 : index
            %get3A_248 = tpu.vector_load %arg10[%get3A_246, %get3A_247] {strides = array<i32>} : memref<128x64xf32, #tpu.memory_space<vmem>>, vector<16xf32>,
            %add3A_249 = arith.addf %get3A_245, %get3A_248 : vector<16xf32>
            %swap3A_250 = arith.index_cast %squeeze3A : i32 to index
            %swap3A_251 = arith.constant 48 : index
            %swap3A_252 = tpu.vector_load %arg11[%swap3A_250, %swap3A_251] {strides = array<i32>} : memref<256x64xf32, #tpu.memory_space<vmem>>, vector<16xf32>,
            tpu.vector_store %arg11[%swap3A_250, %swap3A_251], %add3A_249 {strides = array<i32>} : memref<256x64xf32, #tpu.memory_space<vmem>>, vector<16xf32>,
          }
        }
      }
      %scan3A_36 = arith.constant 16 : i32
      "tpu.region"() ({
        %run_scoped3A = tpu.sem_alloc : memref<!tpu.dma_semaphore, #tpu.memory_space<semaphore_mem>>
        %dma_start3A = arith.constant 0 : i32
        %dma_start3A_37 = arith.constant 0 : i32
        %dma_start3A_38 = tpu.memref_slice %arg11[%dma_start3A, %dma_start3A_37] : memref<256x64xf32, #tpu.memory_space<vmem>> -> memref<256x64xf32, #tpu.memory_space<vmem>>
        %dma_start3A_39 = arith.constant 0 : i32
        %dma_start3A_40 = tpu.memref_slice %arg5[%add3A_28, %dma_start3A_39] : memref<100000x64xf32, #tpu.memory_space<hbm>> -> memref<256x64xf32, #tpu.memory_space<hbm>>
        %dma_start3A_41 = arith.constant 0 : i32
        %dma_start3A_42 = tpu.memref_slice %arg5[%add3A_28, %dma_start3A_41] : memref<100000x64xf32, #tpu.memory_space<hbm>> -> memref<256x64xf32, #tpu.memory_space<hbm>>
        %dma_start3A_43 = arith.constant 0 : i32
        %dma_start3A_44 = arith.constant 0 : i32
        %dma_start3A_45 = tpu.memref_slice %arg11[%dma_start3A_43, %dma_start3A_44] : memref<256x64xf32, #tpu.memory_space<vmem>> -> memref<256x64xf32, #tpu.memory_space<vmem>>
        tpu.enqueue_dma source(%dma_start3A_45 : memref<256x64xf32, #tpu.memory_space<vmem>>) target(%dma_start3A_42 : memref<256x64xf32, #tpu.memory_space<hbm>>) target_semaphore(%run_scoped3A : memref<!tpu.dma_semaphore, #tpu.memory_space<semaphore_mem>>)
        %dma_wait3A = arith.constant 0 : i32
        %dma_wait3A_46 = arith.constant 0 : i32
        %dma_wait3A_47 = tpu.memref_slice %arg11[%dma_wait3A, %dma_wait3A_46] : memref<256x64xf32, #tpu.memory_space<vmem>> -> memref<256x64xf32, #tpu.memory_space<vmem>>
        %dma_wait3A_48 = arith.constant 0 : i32
        %dma_wait3A_49 = tpu.memref_slice %arg5[%add3A_28, %dma_wait3A_48] : memref<100000x64xf32, #tpu.memory_space<hbm>> -> memref<256x64xf32, #tpu.memory_space<hbm>>
        %dma_wait3A_50 = arith.constant 0 : i32
        %dma_wait3A_51 = tpu.memref_slice %arg5[%add3A_28, %dma_wait3A_50] : memref<100000x64xf32, #tpu.memory_space<hbm>> -> memref<256x64xf32, #tpu.memory_space<hbm>>
        %dma_wait3A_52 = arith.constant 0 : i32
        %dma_wait3A_53 = arith.constant 0 : i32
        %dma_wait3A_54 = tpu.memref_slice %arg11[%dma_wait3A_52, %dma_wait3A_53] : memref<256x64xf32, #tpu.memory_space<vmem>> -> memref<256x64xf32, #tpu.memory_space<vmem>>
        tpu.wait_dma2 semaphore(%run_scoped3A : memref<!tpu.dma_semaphore, #tpu.memory_space<semaphore_mem>>) src(%dma_wait3A_54 : memref<256x64xf32, #tpu.memory_space<vmem>>) dst(%dma_wait3A_51 : memref<256x64xf32, #tpu.memory_space<hbm>>)
        tpu.yield
      }) : () -> ()
    } else {
    }
    %eq3A = arith.constant 6 : i32
    %eq3A_19 = arith.cmpi eq, %add3A, %eq3A : i32
    %convert_element_type3A_20 = arith.extui %eq3A_19 : i1 to i32
    %cond3A_21 = arith.constant 0 : i32
    %cond3A_22 = arith.cmpi ne, %convert_element_type3A_20, %cond3A_21 : i32
    scf.if %cond3A_22 {
      %mul3A_23 = arith.constant 12 : i32
      %mul3A_24 = arith.constant 8192 : i32
      %mul3A_25 = arith.muli %mul3A_23, %mul3A_24 : i32
      %mul3A_26 = arith.constant 256 : i32
      %mul3A_27 = arith.muli %add3A, %mul3A_26 : i32
      %add3A_28 = arith.addi %mul3A_25, %mul3A_27 : i32
      "tpu.region"() ({
        %run_scoped3A = tpu.sem_alloc : memref<!tpu.dma_semaphore, #tpu.memory_space<semaphore_mem>>
        %dma_start3A = arith.constant 0 : i32
        %dma_start3A_37 = arith.constant 0 : i32
        %dma_start3A_38 = tpu.memref_slice %arg11[%dma_start3A, %dma_start3A_37] : memref<256x64xf32, #tpu.memory_space<vmem>> -> memref<160x64xf32, #tpu.memory_space<vmem>>
        %dma_start3A_39 = arith.constant 0 : i32
        %dma_start3A_40 = tpu.memref_slice %arg2[%add3A_28, %dma_start3A_39] : memref<100000x64xf32, #tpu.memory_space<hbm>> -> memref<160x64xf32, #tpu.memory_space<hbm>>
        %dma_start3A_41 = arith.constant 0 : i32
        %dma_start3A_42 = arith.constant 0 : i32
        %dma_start3A_43 = tpu.memref_slice %arg11[%dma_start3A_41, %dma_start3A_42] : memref<256x64xf32, #tpu.memory_space<vmem>> -> memref<160x64xf32, #tpu.memory_space<vmem>>
        %dma_start3A_44 = arith.constant 0 : i32
        %dma_start3A_45 = tpu.memref_slice %arg2[%add3A_28, %dma_start3A_44] : memref<100000x64xf32, #tpu.memory_space<hbm>> -> memref<160x64xf32, #tpu.memory_space<hbm>>
        tpu.enqueue_dma source(%dma_start3A_45 : memref<160x64xf32, #tpu.memory_space<hbm>>) target(%dma_start3A_43 : memref<160x64xf32, #tpu.memory_space<vmem>>) target_semaphore(%run_scoped3A : memref<!tpu.dma_semaphore, #tpu.memory_space<semaphore_mem>>)
        %dma_wait3A = arith.constant 0 : i32
        %dma_wait3A_46 = arith.constant 0 : i32
        %dma_wait3A_47 = tpu.memref_slice %arg11[%dma_wait3A, %dma_wait3A_46] : memref<256x64xf32, #tpu.memory_space<vmem>> -> memref<160x64xf32, #tpu.memory_space<vmem>>
        %dma_wait3A_48 = arith.constant 0 : i32
        %dma_wait3A_49 = tpu.memref_slice %arg2[%add3A_28, %dma_wait3A_48] : memref<100000x64xf32, #tpu.memory_space<hbm>> -> memref<160x64xf32, #tpu.memory_space<hbm>>
        %dma_wait3A_50 = arith.constant 0 : i32
        %dma_wait3A_51 = arith.constant 0 : i32
        %dma_wait3A_52 = tpu.memref_slice %arg11[%dma_wait3A_50, %dma_wait3A_51] : memref<256x64xf32, #tpu.memory_space<vmem>> -> memref<160x64xf32, #tpu.memory_space<vmem>>
        %dma_wait3A_53 = arith.constant 0 : i32
        %dma_wait3A_54 = tpu.memref_slice %arg2[%add3A_28, %dma_wait3A_53] : memref<100000x64xf32, #tpu.memory_space<hbm>> -> memref<160x64xf32, #tpu.memory_space<hbm>>
        tpu.wait_dma2 semaphore(%run_scoped3A : memref<!tpu.dma_semaphore, #tpu.memory_space<semaphore_mem>>) src(%dma_wait3A_54 : memref<160x64xf32, #tpu.memory_space<hbm>>) dst(%dma_wait3A_52 : memref<160x64xf32, #tpu.memory_space<vmem>>)
        tpu.yield
      }) : () -> ()
      %add3A_29 = arith.constant 160 : i32
      %add3A_30 = arith.addi %add3A_28, %add3A_29 : i32
      %scan3A_31 = arith.constant 0 : i32
      %scan3A_32 = arith.constant 0 : i32
      %scan3A_33 = arith.constant 16 : i32
      %scan3A_34 = arith.addi %scan3A_32, %scan3A_33 : i32
      %scan3A_35 = arith.constant 1 : i32
      scf.for %scan3A_37 = %scan3A_32 to %scan3A_34 step %scan3A_35  : i32 {
        %mul3A_38 = arith.constant 1024 : i32
        %mul3A_39 = arith.muli %scan3A_37, %mul3A_38 : i32
        "tpu.region"() ({
          %run_scoped3A = tpu.sem_alloc : memref<!tpu.dma_semaphore, #tpu.memory_space<semaphore_mem>>
          %dma_start3A = tpu.memref_slice %arg12[%mul3A_39] : memref<16384xi32, #tpu.memory_space<vmem_shared>> -> memref<1024xi32, #tpu.memory_space<vmem_shared>>
          %dma_start3A_76 = tpu.memref_slice %arg12[%mul3A_39] : memref<16384xi32, #tpu.memory_space<vmem_shared>> -> memref<1024xi32, #tpu.memory_space<vmem_shared>>
          tpu.enqueue_dma source(%dma_start3A_76 : memref<1024xi32, #tpu.memory_space<vmem_shared>>) target(%arg6 : memref<1024xi32, #tpu.memory_space<vmem>>) target_semaphore(%run_scoped3A : memref<!tpu.dma_semaphore, #tpu.memory_space<semaphore_mem>>)
          %dma_wait3A = tpu.memref_slice %arg12[%mul3A_39] : memref<16384xi32, #tpu.memory_space<vmem_shared>> -> memref<1024xi32, #tpu.memory_space<vmem_shared>>
          %dma_wait3A_77 = tpu.memref_slice %arg12[%mul3A_39] : memref<16384xi32, #tpu.memory_space<vmem_shared>> -> memref<1024xi32, #tpu.memory_space<vmem_shared>>
          tpu.wait_dma2 semaphore(%run_scoped3A : memref<!tpu.dma_semaphore, #tpu.memory_space<semaphore_mem>>) src(%dma_wait3A_77 : memref<1024xi32, #tpu.memory_space<vmem_shared>>) dst(%arg6 : memref<1024xi32, #tpu.memory_space<vmem>>)
          tpu.yield
        }) : () -> ()
        %scan3A_40 = arith.constant 0 : i32
        %scan3A_41 = arith.constant 0 : i32
        %scan3A_42 = arith.constant 64 : i32
        %scan3A_43 = arith.addi %scan3A_41, %scan3A_42 : i32
        %scan3A_44 = arith.constant 1 : i32
        %scan3A_45 = scf.for %scan3A_76 = %scan3A_41 to %scan3A_43 step %scan3A_44 iter_args(%scan3A_77 = %scan3A_40) -> (i32)  : i32 {
          %mul3A_78 = arith.constant 16 : i32
          %mul3A_79 = arith.muli %scan3A_76, %mul3A_78 : i32
          %get3A = arith.index_cast %mul3A_79 : i32 to index
          %get3A_80 = tpu.vector_load %arg6[%get3A] {strides = array<i32>} : memref<1024xi32, #tpu.memory_space<vmem>>, vector<16xi32>,
          %ge3A = vector.broadcast %add3A_28 : i32 to vector<16xi32>
          %ge3A_81 = arith.cmpi sge, %get3A_80, %ge3A : vector<16xi32>
          %lt3A_82 = vector.broadcast %add3A_30 : i32 to vector<16xi32>
          %lt3A_83 = arith.cmpi slt, %get3A_80, %lt3A_82 : vector<16xi32>
          %and3A_84 = arith.andi %ge3A_81, %lt3A_83 : vector<16xi1>
          %select_n3A_85 = arith.select %and3A_84, %broadcast_in_dim3A_9, %broadcast_in_dim3A_11 : vector<16xi1>, vector<16xi32>
          %broadcast_in_dim3A_86 = arith.constant true
          %broadcast_in_dim3A_87 = vector.broadcast %broadcast_in_dim3A_86 : i1 to vector<16xi1>
          %masked_cumsum3A = tpu.scan <sum>, %select_n3A_85 masked %broadcast_in_dim3A_87 : vector<16xi32>, vector<16xi1> -> vector<16xi32>
          %sub3A_88 = arith.subi %masked_cumsum3A, %select_n3A_85 : vector<16xi32>
          %add3A_89 = vector.broadcast %scan3A_77 : i32 to vector<16xi32>
          %add3A_90 = arith.addi %sub3A_88, %add3A_89 : vector<16xi32>
          %mul3A_91 = arith.constant 1024 : i32
          %mul3A_92 = arith.muli %scan3A_37, %mul3A_91 : i32
          %mul3A_93 = arith.constant 16 : i32
          %mul3A_94 = arith.muli %scan3A_76, %mul3A_93 : i32
          %add3A_95 = arith.addi %mul3A_92, %mul3A_94 : i32
          %add3A_96 = vector.broadcast %add3A_95 : i32 to vector<16xi32>
          %add3A_97 = arith.addi %iota3A, %add3A_96 : vector<16xi32>
          tpu.vector_store_idx %arg7[%add3A_90], %add3A_97 masked %and3A_84 : memref<1040xi32, #tpu.memory_space<vmem>>[vector<16xi32>], vector<16xi32>, vector<16xi1>
          %sub3A_98 = vector.broadcast %add3A_28 : i32 to vector<16xi32>
          %sub3A_99 = arith.subi %get3A_80, %sub3A_98 : vector<16xi32>
          tpu.vector_store_idx %arg8[%add3A_90], %sub3A_99 masked %and3A_84 : memref<1040xi32, #tpu.memory_space<vmem>>[vector<16xi32>], vector<16xi32>, vector<16xi1>
          %slice3A = vector.extract_strided_slice %masked_cumsum3A {offsets = [15], sizes = [1], strides = [1]} : vector<16xi32> to vector<1xi32>
          %squeeze3A = vector.extract %slice3A[0] : i32 from vector<1xi32>
          %add3A_100 = arith.addi %scan3A_77, %squeeze3A : i32
          scf.yield %add3A_100 : i32
        }
        %scan3A_46 = arith.constant 64 : i32
        %add3A_47 = arith.constant 128 : i32
        %add3A_48 = arith.addi %scan3A_45, %add3A_47 : i32
        %sub3A = arith.constant 1 : i32
        %sub3A_49 = arith.subi %add3A_48, %sub3A : i32
        %jit3A = arith.constant 128 : i32
        %div3A = arith.divsi %sub3A_49, %jit3A : i32
        %sign3A = arith.constant 0 : i32
        %sign3A_50 = arith.cmpi sgt, %sub3A_49, %sign3A : i32
        %sign3A_51 = arith.extui %sign3A_50 : i1 to i32
        %sign3A_52 = arith.constant 0 : i32
        %sign3A_53 = arith.cmpi slt, %sub3A_49, %sign3A_52 : i32
        %sign3A_54 = arith.extui %sign3A_53 : i1 to i32
        %sign3A_55 = arith.subi %sign3A_51, %sign3A_54 : i32
        %sign3A_56 = arith.constant 0 : i32
        %sign3A_57 = arith.cmpi sgt, %jit3A, %sign3A_56 : i32
        %sign3A_58 = arith.extui %sign3A_57 : i1 to i32
        %sign3A_59 = arith.constant 0 : i32
        %sign3A_60 = arith.cmpi slt, %jit3A, %sign3A_59 : i32
        %sign3A_61 = arith.extui %sign3A_60 : i1 to i32
        %sign3A_62 = arith.subi %sign3A_58, %sign3A_61 : i32
        %ne3A = arith.cmpi ne, %sign3A_55, %sign3A_62 : i32
        %rem3A = arith.remsi %sub3A_49, %jit3A : i32
        %ne3A_63 = arith.constant 0 : i32
        %ne3A_64 = arith.cmpi ne, %rem3A, %ne3A_63 : i32
        %and3A = arith.andi %ne3A, %ne3A_64 : i1
        %sub3A_65 = arith.constant 1 : i32
        %sub3A_66 = arith.subi %div3A, %sub3A_65 : i32
        %select_n3A = arith.select %and3A, %sub3A_66, %div3A : i32
        %while3A = arith.constant 0 : i32
        %while3A_67 = arith.constant 0 : i32
        %while3A_68 = arith.subi %select_n3A, %while3A_67 : i32
        %while3A_69 = arith.addi %while3A_67, %while3A_68 : i32
        %while3A_70 = arith.constant 1 : i32
        %while3A_71 = arith.divsi %while3A_68, %while3A_70 : i32
        %while3A_72 = arith.muli %while3A_71, %while3A_70 : i32
        %while3A_73 = arith.addi %while3A_67, %while3A_72 : i32
        %while3A_74 = arith.constant 1 : i32
        scf.for %while3A_76 = %while3A_67 to %while3A_73 step %while3A_74  : i32 {
          %mul3A_77 = arith.constant 128 : i32
          %mul3A_78 = arith.muli %while3A_76, %mul3A_77 : i32
          %add3A_79 = arith.constant 0 : i32
          %add3A_80 = arith.addi %mul3A_78, %add3A_79 : i32
          %get3A = arith.index_cast %add3A_80 : i32 to index
          %get3A_81 = tpu.vector_load %arg7[%get3A] {strides = array<i32>} : memref<1040xi32, #tpu.memory_space<vmem>>, vector<16xi32>,
          %add3A_82 = arith.constant 0 : i32
          %add3A_83 = arith.addi %mul3A_78, %add3A_82 : i32
          %broadcast_in_dim3A_84 = vector.broadcast %add3A_83 : i32 to vector<16xi32>
          %add3A_85 = arith.addi %broadcast_in_dim3A_84, %iota3A : vector<16xi32>
          %lt3A_86 = vector.broadcast %scan3A_45 : i32 to vector<16xi32>
          %lt3A_87 = arith.cmpi slt, %add3A_85, %lt3A_86 : vector<16xi32>
          %select_n3A_88 = arith.select %lt3A_87, %get3A_81, %broadcast_in_dim3A_11 : vector<16xi1>, vector<16xi32>
          %swap3A = arith.constant 0 : i32
          %swap3A_89 = arith.index_cast %swap3A : i32 to index
          %swap3A_90 = arith.constant 0 : index
          %swap3A_91 = tpu.vector_load %arg9[%swap3A_89, %swap3A_90] {strides = array<i32>} : memref<1x128xi32, #tpu.memory_space<vmem>>, vector<16xi32>,
          tpu.vector_store %arg9[%swap3A_89, %swap3A_90], %select_n3A_88 {strides = array<i32>} : memref<1x128xi32, #tpu.memory_space<vmem>>, vector<16xi32>,
          %add3A_92 = arith.constant 16 : i32
          %add3A_93 = arith.addi %mul3A_78, %add3A_92 : i32
          %get3A_94 = arith.index_cast %add3A_93 : i32 to index
          %get3A_95 = tpu.vector_load %arg7[%get3A_94] {strides = array<i32>} : memref<1040xi32, #tpu.memory_space<vmem>>, vector<16xi32>,
          %add3A_96 = arith.constant 16 : i32
          %add3A_97 = arith.addi %mul3A_78, %add3A_96 : i32
          %broadcast_in_dim3A_98 = vector.broadcast %add3A_97 : i32 to vector<16xi32>
          %add3A_99 = arith.addi %broadcast_in_dim3A_98, %iota3A : vector<16xi32>
          %lt3A_100 = vector.broadcast %scan3A_45 : i32 to vector<16xi32>
          %lt3A_101 = arith.cmpi slt, %add3A_99, %lt3A_100 : vector<16xi32>
          %select_n3A_102 = arith.select %lt3A_101, %get3A_95, %broadcast_in_dim3A_11 : vector<16xi1>, vector<16xi32>
          %swap3A_103 = arith.constant 0 : i32
          %swap3A_104 = arith.index_cast %swap3A_103 : i32 to index
          %swap3A_105 = arith.constant 16 : index
          %swap3A_106 = tpu.vector_load %arg9[%swap3A_104, %swap3A_105] {strides = array<i32>} : memref<1x128xi32, #tpu.memory_space<vmem>>, vector<16xi32>,
          tpu.vector_store %arg9[%swap3A_104, %swap3A_105], %select_n3A_102 {strides = array<i32>} : memref<1x128xi32, #tpu.memory_space<vmem>>, vector<16xi32>,
          %add3A_107 = arith.constant 32 : i32
          %add3A_108 = arith.addi %mul3A_78, %add3A_107 : i32
          %get3A_109 = arith.index_cast %add3A_108 : i32 to index
          %get3A_110 = tpu.vector_load %arg7[%get3A_109] {strides = array<i32>} : memref<1040xi32, #tpu.memory_space<vmem>>, vector<16xi32>,
          %add3A_111 = arith.constant 32 : i32
          %add3A_112 = arith.addi %mul3A_78, %add3A_111 : i32
          %broadcast_in_dim3A_113 = vector.broadcast %add3A_112 : i32 to vector<16xi32>
          %add3A_114 = arith.addi %broadcast_in_dim3A_113, %iota3A : vector<16xi32>
          %lt3A_115 = vector.broadcast %scan3A_45 : i32 to vector<16xi32>
          %lt3A_116 = arith.cmpi slt, %add3A_114, %lt3A_115 : vector<16xi32>
          %select_n3A_117 = arith.select %lt3A_116, %get3A_110, %broadcast_in_dim3A_11 : vector<16xi1>, vector<16xi32>
          %swap3A_118 = arith.constant 0 : i32
          %swap3A_119 = arith.index_cast %swap3A_118 : i32 to index
          %swap3A_120 = arith.constant 32 : index
          %swap3A_121 = tpu.vector_load %arg9[%swap3A_119, %swap3A_120] {strides = array<i32>} : memref<1x128xi32, #tpu.memory_space<vmem>>, vector<16xi32>,
          tpu.vector_store %arg9[%swap3A_119, %swap3A_120], %select_n3A_117 {strides = array<i32>} : memref<1x128xi32, #tpu.memory_space<vmem>>, vector<16xi32>,
          %add3A_122 = arith.constant 48 : i32
          %add3A_123 = arith.addi %mul3A_78, %add3A_122 : i32
          %get3A_124 = arith.index_cast %add3A_123 : i32 to index
          %get3A_125 = tpu.vector_load %arg7[%get3A_124] {strides = array<i32>} : memref<1040xi32, #tpu.memory_space<vmem>>, vector<16xi32>,
          %add3A_126 = arith.constant 48 : i32
          %add3A_127 = arith.addi %mul3A_78, %add3A_126 : i32
          %broadcast_in_dim3A_128 = vector.broadcast %add3A_127 : i32 to vector<16xi32>
          %add3A_129 = arith.addi %broadcast_in_dim3A_128, %iota3A : vector<16xi32>
          %lt3A_130 = vector.broadcast %scan3A_45 : i32 to vector<16xi32>
          %lt3A_131 = arith.cmpi slt, %add3A_129, %lt3A_130 : vector<16xi32>
          %select_n3A_132 = arith.select %lt3A_131, %get3A_125, %broadcast_in_dim3A_11 : vector<16xi1>, vector<16xi32>
          %swap3A_133 = arith.constant 0 : i32
          %swap3A_134 = arith.index_cast %swap3A_133 : i32 to index
          %swap3A_135 = arith.constant 48 : index
          %swap3A_136 = tpu.vector_load %arg9[%swap3A_134, %swap3A_135] {strides = array<i32>} : memref<1x128xi32, #tpu.memory_space<vmem>>, vector<16xi32>,
          tpu.vector_store %arg9[%swap3A_134, %swap3A_135], %select_n3A_132 {strides = array<i32>} : memref<1x128xi32, #tpu.memory_space<vmem>>, vector<16xi32>,
          %add3A_137 = arith.constant 64 : i32
          %add3A_138 = arith.addi %mul3A_78, %add3A_137 : i32
          %get3A_139 = arith.index_cast %add3A_138 : i32 to index
          %get3A_140 = tpu.vector_load %arg7[%get3A_139] {strides = array<i32>} : memref<1040xi32, #tpu.memory_space<vmem>>, vector<16xi32>,
          %add3A_141 = arith.constant 64 : i32
          %add3A_142 = arith.addi %mul3A_78, %add3A_141 : i32
          %broadcast_in_dim3A_143 = vector.broadcast %add3A_142 : i32 to vector<16xi32>
          %add3A_144 = arith.addi %broadcast_in_dim3A_143, %iota3A : vector<16xi32>
          %lt3A_145 = vector.broadcast %scan3A_45 : i32 to vector<16xi32>
          %lt3A_146 = arith.cmpi slt, %add3A_144, %lt3A_145 : vector<16xi32>
          %select_n3A_147 = arith.select %lt3A_146, %get3A_140, %broadcast_in_dim3A_11 : vector<16xi1>, vector<16xi32>
          %swap3A_148 = arith.constant 0 : i32
          %swap3A_149 = arith.index_cast %swap3A_148 : i32 to index
          %swap3A_150 = arith.constant 64 : index
          %swap3A_151 = tpu.vector_load %arg9[%swap3A_149, %swap3A_150] {strides = array<i32>} : memref<1x128xi32, #tpu.memory_space<vmem>>, vector<16xi32>,
          tpu.vector_store %arg9[%swap3A_149, %swap3A_150], %select_n3A_147 {strides = array<i32>} : memref<1x128xi32, #tpu.memory_space<vmem>>, vector<16xi32>,
          %add3A_152 = arith.constant 80 : i32
          %add3A_153 = arith.addi %mul3A_78, %add3A_152 : i32
          %get3A_154 = arith.index_cast %add3A_153 : i32 to index
          %get3A_155 = tpu.vector_load %arg7[%get3A_154] {strides = array<i32>} : memref<1040xi32, #tpu.memory_space<vmem>>, vector<16xi32>,
          %add3A_156 = arith.constant 80 : i32
          %add3A_157 = arith.addi %mul3A_78, %add3A_156 : i32
          %broadcast_in_dim3A_158 = vector.broadcast %add3A_157 : i32 to vector<16xi32>
          %add3A_159 = arith.addi %broadcast_in_dim3A_158, %iota3A : vector<16xi32>
          %lt3A_160 = vector.broadcast %scan3A_45 : i32 to vector<16xi32>
          %lt3A_161 = arith.cmpi slt, %add3A_159, %lt3A_160 : vector<16xi32>
          %select_n3A_162 = arith.select %lt3A_161, %get3A_155, %broadcast_in_dim3A_11 : vector<16xi1>, vector<16xi32>
          %swap3A_163 = arith.constant 0 : i32
          %swap3A_164 = arith.index_cast %swap3A_163 : i32 to index
          %swap3A_165 = arith.constant 80 : index
          %swap3A_166 = tpu.vector_load %arg9[%swap3A_164, %swap3A_165] {strides = array<i32>} : memref<1x128xi32, #tpu.memory_space<vmem>>, vector<16xi32>,
          tpu.vector_store %arg9[%swap3A_164, %swap3A_165], %select_n3A_162 {strides = array<i32>} : memref<1x128xi32, #tpu.memory_space<vmem>>, vector<16xi32>,
          %add3A_167 = arith.constant 96 : i32
          %add3A_168 = arith.addi %mul3A_78, %add3A_167 : i32
          %get3A_169 = arith.index_cast %add3A_168 : i32 to index
          %get3A_170 = tpu.vector_load %arg7[%get3A_169] {strides = array<i32>} : memref<1040xi32, #tpu.memory_space<vmem>>, vector<16xi32>,
          %add3A_171 = arith.constant 96 : i32
          %add3A_172 = arith.addi %mul3A_78, %add3A_171 : i32
          %broadcast_in_dim3A_173 = vector.broadcast %add3A_172 : i32 to vector<16xi32>
          %add3A_174 = arith.addi %broadcast_in_dim3A_173, %iota3A : vector<16xi32>
          %lt3A_175 = vector.broadcast %scan3A_45 : i32 to vector<16xi32>
          %lt3A_176 = arith.cmpi slt, %add3A_174, %lt3A_175 : vector<16xi32>
          %select_n3A_177 = arith.select %lt3A_176, %get3A_170, %broadcast_in_dim3A_11 : vector<16xi1>, vector<16xi32>
          %swap3A_178 = arith.constant 0 : i32
          %swap3A_179 = arith.index_cast %swap3A_178 : i32 to index
          %swap3A_180 = arith.constant 96 : index
          %swap3A_181 = tpu.vector_load %arg9[%swap3A_179, %swap3A_180] {strides = array<i32>} : memref<1x128xi32, #tpu.memory_space<vmem>>, vector<16xi32>,
          tpu.vector_store %arg9[%swap3A_179, %swap3A_180], %select_n3A_177 {strides = array<i32>} : memref<1x128xi32, #tpu.memory_space<vmem>>, vector<16xi32>,
          %add3A_182 = arith.constant 112 : i32
          %add3A_183 = arith.addi %mul3A_78, %add3A_182 : i32
          %get3A_184 = arith.index_cast %add3A_183 : i32 to index
          %get3A_185 = tpu.vector_load %arg7[%get3A_184] {strides = array<i32>} : memref<1040xi32, #tpu.memory_space<vmem>>, vector<16xi32>,
          %add3A_186 = arith.constant 112 : i32
          %add3A_187 = arith.addi %mul3A_78, %add3A_186 : i32
          %broadcast_in_dim3A_188 = vector.broadcast %add3A_187 : i32 to vector<16xi32>
          %add3A_189 = arith.addi %broadcast_in_dim3A_188, %iota3A : vector<16xi32>
          %lt3A_190 = vector.broadcast %scan3A_45 : i32 to vector<16xi32>
          %lt3A_191 = arith.cmpi slt, %add3A_189, %lt3A_190 : vector<16xi32>
          %select_n3A_192 = arith.select %lt3A_191, %get3A_185, %broadcast_in_dim3A_11 : vector<16xi1>, vector<16xi32>
          %swap3A_193 = arith.constant 0 : i32
          %swap3A_194 = arith.index_cast %swap3A_193 : i32 to index
          %swap3A_195 = arith.constant 112 : index
          %swap3A_196 = tpu.vector_load %arg9[%swap3A_194, %swap3A_195] {strides = array<i32>} : memref<1x128xi32, #tpu.memory_space<vmem>>, vector<16xi32>,
          tpu.vector_store %arg9[%swap3A_194, %swap3A_195], %select_n3A_192 {strides = array<i32>} : memref<1x128xi32, #tpu.memory_space<vmem>>, vector<16xi32>,
          %run_scoped3A = arith.constant 0 : i32
          "tpu.region"() ({
            %run_scoped3A_209 = tpu.sem_alloc : memref<!tpu.dma_semaphore, #tpu.memory_space<semaphore_mem>>
            %dma_start3A = arith.constant 0 : i32
            %dma_start3A_210 = tpu.memref_slice %arg9[%run_scoped3A, %dma_start3A] : memref<1x128xi32, #tpu.memory_space<vmem>> -> memref<1x128xi32, #tpu.memory_space<vmem>>
            %dma_start3A_211 = tpu.memref_squeeze %dma_start3A_210 : memref<1x128xi32, #tpu.memory_space<vmem>> -> memref<128xi32, #tpu.memory_space<vmem>>
            %dma_start3A_212 = arith.constant 0 : i32
            %dma_start3A_213 = arith.constant 0 : i32
            %dma_start3A_214 = tpu.memref_slice %arg13[%dma_start3A_212, %dma_start3A_213] : memref<16384x64xf32, #tpu.memory_space<vmem_shared>> -> memref<16384x64xf32, #tpu.memory_space<vmem_shared>>
            tpu.enqueue_indirect_dma source(%dma_start3A_214 : memref<16384x64xf32, #tpu.memory_space<vmem_shared>>) target(%arg10 : memref<128x64xf32, #tpu.memory_space<vmem>>) offsets(%dma_start3A_211 : memref<128xi32, #tpu.memory_space<vmem>>) semaphore(%run_scoped3A_209 : memref<!tpu.dma_semaphore, #tpu.memory_space<semaphore_mem>>)
            %dma_wait3A = arith.constant 0 : i32
            %dma_wait3A_215 = tpu.memref_slice %arg9[%run_scoped3A, %dma_wait3A] : memref<1x128xi32, #tpu.memory_space<vmem>> -> memref<1x128xi32, #tpu.memory_space<vmem>>
            %dma_wait3A_216 = tpu.memref_squeeze %dma_wait3A_215 : memref<1x128xi32, #tpu.memory_space<vmem>> -> memref<128xi32, #tpu.memory_space<vmem>>
            %dma_wait3A_217 = arith.constant 0 : i32
            %dma_wait3A_218 = arith.constant 0 : i32
            %dma_wait3A_219 = tpu.memref_slice %arg13[%dma_wait3A_217, %dma_wait3A_218] : memref<16384x64xf32, #tpu.memory_space<vmem_shared>> -> memref<16384x64xf32, #tpu.memory_space<vmem_shared>>
            tpu.wait_indirect_dma semaphore(%run_scoped3A_209 : memref<!tpu.dma_semaphore, #tpu.memory_space<semaphore_mem>>) src(%dma_wait3A_219 : memref<16384x64xf32, #tpu.memory_space<vmem_shared>>) dst(%arg10 : memref<128x64xf32, #tpu.memory_space<vmem>>)
            tpu.yield
          }) : () -> ()
          %sub3A_197 = arith.subi %scan3A_45, %mul3A_78 : i32
          %min3A = arith.constant 128 : i32
          %min3A_198 = arith.minsi %sub3A_197, %min3A : i32
          %while3A_199 = arith.constant 0 : i32
          %while3A_200 = arith.constant 0 : i32
          %while3A_201 = arith.subi %min3A_198, %while3A_200 : i32
          %while3A_202 = arith.addi %while3A_200, %while3A_201 : i32
          %while3A_203 = arith.constant 1 : i32
          %while3A_204 = arith.divsi %while3A_201, %while3A_203 : i32
          %while3A_205 = arith.muli %while3A_204, %while3A_203 : i32
          %while3A_206 = arith.addi %while3A_200, %while3A_205 : i32
          %while3A_207 = arith.constant 1 : i32
          scf.for %while3A_209 = %while3A_200 to %while3A_206 step %while3A_207  : i32 {
            %add3A_210 = arith.addi %mul3A_78, %while3A_209 : i32
            %get3A_211 = arith.index_cast %add3A_210 : i32 to index
            %get3A_212 = tpu.vector_load %arg8[%get3A_211] {strides = array<i32>} : memref<1040xi32, #tpu.memory_space<vmem>>, vector<16xi32>,
            %slice3A = vector.extract_strided_slice %get3A_212 {offsets = [0], sizes = [1], strides = [1]} : vector<16xi32> to vector<1xi32>
            %squeeze3A = vector.extract %slice3A[0] : i32 from vector<1xi32>
            %get3A_213 = arith.index_cast %squeeze3A : i32 to index
            %get3A_214 = arith.constant 0 : index
            %get3A_215 = tpu.vector_load %arg11[%get3A_213, %get3A_214] {strides = array<i32>} : memref<256x64xf32, #tpu.memory_space<vmem>>, vector<16xf32>,
            %get3A_216 = arith.index_cast %while3A_209 : i32 to index
            %get3A_217 = arith.constant 0 : index
            %get3A_218 = tpu.vector_load %arg10[%get3A_216, %get3A_217] {strides = array<i32>} : memref<128x64xf32, #tpu.memory_space<vmem>>, vector<16xf32>,
            %add3A_219 = arith.addf %get3A_215, %get3A_218 : vector<16xf32>
            %swap3A_220 = arith.index_cast %squeeze3A : i32 to index
            %swap3A_221 = arith.constant 0 : index
            %swap3A_222 = tpu.vector_load %arg11[%swap3A_220, %swap3A_221] {strides = array<i32>} : memref<256x64xf32, #tpu.memory_space<vmem>>, vector<16xf32>,
            tpu.vector_store %arg11[%swap3A_220, %swap3A_221], %add3A_219 {strides = array<i32>} : memref<256x64xf32, #tpu.memory_space<vmem>>, vector<16xf32>,
            %get3A_223 = arith.index_cast %squeeze3A : i32 to index
            %get3A_224 = arith.constant 16 : index
            %get3A_225 = tpu.vector_load %arg11[%get3A_223, %get3A_224] {strides = array<i32>} : memref<256x64xf32, #tpu.memory_space<vmem>>, vector<16xf32>,
            %get3A_226 = arith.index_cast %while3A_209 : i32 to index
            %get3A_227 = arith.constant 16 : index
            %get3A_228 = tpu.vector_load %arg10[%get3A_226, %get3A_227] {strides = array<i32>} : memref<128x64xf32, #tpu.memory_space<vmem>>, vector<16xf32>,
            %add3A_229 = arith.addf %get3A_225, %get3A_228 : vector<16xf32>
            %swap3A_230 = arith.index_cast %squeeze3A : i32 to index
            %swap3A_231 = arith.constant 16 : index
            %swap3A_232 = tpu.vector_load %arg11[%swap3A_230, %swap3A_231] {strides = array<i32>} : memref<256x64xf32, #tpu.memory_space<vmem>>, vector<16xf32>,
            tpu.vector_store %arg11[%swap3A_230, %swap3A_231], %add3A_229 {strides = array<i32>} : memref<256x64xf32, #tpu.memory_space<vmem>>, vector<16xf32>,
            %get3A_233 = arith.index_cast %squeeze3A : i32 to index
            %get3A_234 = arith.constant 32 : index
            %get3A_235 = tpu.vector_load %arg11[%get3A_233, %get3A_234] {strides = array<i32>} : memref<256x64xf32, #tpu.memory_space<vmem>>, vector<16xf32>,
            %get3A_236 = arith.index_cast %while3A_209 : i32 to index
            %get3A_237 = arith.constant 32 : index
            %get3A_238 = tpu.vector_load %arg10[%get3A_236, %get3A_237] {strides = array<i32>} : memref<128x64xf32, #tpu.memory_space<vmem>>, vector<16xf32>,
            %add3A_239 = arith.addf %get3A_235, %get3A_238 : vector<16xf32>
            %swap3A_240 = arith.index_cast %squeeze3A : i32 to index
            %swap3A_241 = arith.constant 32 : index
            %swap3A_242 = tpu.vector_load %arg11[%swap3A_240, %swap3A_241] {strides = array<i32>} : memref<256x64xf32, #tpu.memory_space<vmem>>, vector<16xf32>,
            tpu.vector_store %arg11[%swap3A_240, %swap3A_241], %add3A_239 {strides = array<i32>} : memref<256x64xf32, #tpu.memory_space<vmem>>, vector<16xf32>,
            %get3A_243 = arith.index_cast %squeeze3A : i32 to index
            %get3A_244 = arith.constant 48 : index
            %get3A_245 = tpu.vector_load %arg11[%get3A_243, %get3A_244] {strides = array<i32>} : memref<256x64xf32, #tpu.memory_space<vmem>>, vector<16xf32>,
            %get3A_246 = arith.index_cast %while3A_209 : i32 to index
            %get3A_247 = arith.constant 48 : index
            %get3A_248 = tpu.vector_load %arg10[%get3A_246, %get3A_247] {strides = array<i32>} : memref<128x64xf32, #tpu.memory_space<vmem>>, vector<16xf32>,
            %add3A_249 = arith.addf %get3A_245, %get3A_248 : vector<16xf32>
            %swap3A_250 = arith.index_cast %squeeze3A : i32 to index
            %swap3A_251 = arith.constant 48 : index
            %swap3A_252 = tpu.vector_load %arg11[%swap3A_250, %swap3A_251] {strides = array<i32>} : memref<256x64xf32, #tpu.memory_space<vmem>>, vector<16xf32>,
            tpu.vector_store %arg11[%swap3A_250, %swap3A_251], %add3A_249 {strides = array<i32>} : memref<256x64xf32, #tpu.memory_space<vmem>>, vector<16xf32>,
          }
          %while3A_208 = arith.constant 1 : i32
          scf.for %while3A_209 = %while3A_206 to %while3A_202 step %while3A_208  : i32 {
            %add3A_210 = arith.addi %mul3A_78, %while3A_209 : i32
            %get3A_211 = arith.index_cast %add3A_210 : i32 to index
            %get3A_212 = tpu.vector_load %arg8[%get3A_211] {strides = array<i32>} : memref<1040xi32, #tpu.memory_space<vmem>>, vector<16xi32>,
            %slice3A = vector.extract_strided_slice %get3A_212 {offsets = [0], sizes = [1], strides = [1]} : vector<16xi32> to vector<1xi32>
            %squeeze3A = vector.extract %slice3A[0] : i32 from vector<1xi32>
            %get3A_213 = arith.index_cast %squeeze3A : i32 to index
            %get3A_214 = arith.constant 0 : index
            %get3A_215 = tpu.vector_load %arg11[%get3A_213, %get3A_214] {strides = array<i32>} : memref<256x64xf32, #tpu.memory_space<vmem>>, vector<16xf32>,
            %get3A_216 = arith.index_cast %while3A_209 : i32 to index
            %get3A_217 = arith.constant 0 : index
            %get3A_218 = tpu.vector_load %arg10[%get3A_216, %get3A_217] {strides = array<i32>} : memref<128x64xf32, #tpu.memory_space<vmem>>, vector<16xf32>,
            %add3A_219 = arith.addf %get3A_215, %get3A_218 : vector<16xf32>
            %swap3A_220 = arith.index_cast %squeeze3A : i32 to index
            %swap3A_221 = arith.constant 0 : index
            %swap3A_222 = tpu.vector_load %arg11[%swap3A_220, %swap3A_221] {strides = array<i32>} : memref<256x64xf32, #tpu.memory_space<vmem>>, vector<16xf32>,
            tpu.vector_store %arg11[%swap3A_220, %swap3A_221], %add3A_219 {strides = array<i32>} : memref<256x64xf32, #tpu.memory_space<vmem>>, vector<16xf32>,
            %get3A_223 = arith.index_cast %squeeze3A : i32 to index
            %get3A_224 = arith.constant 16 : index
            %get3A_225 = tpu.vector_load %arg11[%get3A_223, %get3A_224] {strides = array<i32>} : memref<256x64xf32, #tpu.memory_space<vmem>>, vector<16xf32>,
            %get3A_226 = arith.index_cast %while3A_209 : i32 to index
            %get3A_227 = arith.constant 16 : index
            %get3A_228 = tpu.vector_load %arg10[%get3A_226, %get3A_227] {strides = array<i32>} : memref<128x64xf32, #tpu.memory_space<vmem>>, vector<16xf32>,
            %add3A_229 = arith.addf %get3A_225, %get3A_228 : vector<16xf32>
            %swap3A_230 = arith.index_cast %squeeze3A : i32 to index
            %swap3A_231 = arith.constant 16 : index
            %swap3A_232 = tpu.vector_load %arg11[%swap3A_230, %swap3A_231] {strides = array<i32>} : memref<256x64xf32, #tpu.memory_space<vmem>>, vector<16xf32>,
            tpu.vector_store %arg11[%swap3A_230, %swap3A_231], %add3A_229 {strides = array<i32>} : memref<256x64xf32, #tpu.memory_space<vmem>>, vector<16xf32>,
            %get3A_233 = arith.index_cast %squeeze3A : i32 to index
            %get3A_234 = arith.constant 32 : index
            %get3A_235 = tpu.vector_load %arg11[%get3A_233, %get3A_234] {strides = array<i32>} : memref<256x64xf32, #tpu.memory_space<vmem>>, vector<16xf32>,
            %get3A_236 = arith.index_cast %while3A_209 : i32 to index
            %get3A_237 = arith.constant 32 : index
            %get3A_238 = tpu.vector_load %arg10[%get3A_236, %get3A_237] {strides = array<i32>} : memref<128x64xf32, #tpu.memory_space<vmem>>, vector<16xf32>,
            %add3A_239 = arith.addf %get3A_235, %get3A_238 : vector<16xf32>
            %swap3A_240 = arith.index_cast %squeeze3A : i32 to index
            %swap3A_241 = arith.constant 32 : index
            %swap3A_242 = tpu.vector_load %arg11[%swap3A_240, %swap3A_241] {strides = array<i32>} : memref<256x64xf32, #tpu.memory_space<vmem>>, vector<16xf32>,
            tpu.vector_store %arg11[%swap3A_240, %swap3A_241], %add3A_239 {strides = array<i32>} : memref<256x64xf32, #tpu.memory_space<vmem>>, vector<16xf32>,
            %get3A_243 = arith.index_cast %squeeze3A : i32 to index
            %get3A_244 = arith.constant 48 : index
            %get3A_245 = tpu.vector_load %arg11[%get3A_243, %get3A_244] {strides = array<i32>} : memref<256x64xf32, #tpu.memory_space<vmem>>, vector<16xf32>,
            %get3A_246 = arith.index_cast %while3A_209 : i32 to index
            %get3A_247 = arith.constant 48 : index
            %get3A_248 = tpu.vector_load %arg10[%get3A_246, %get3A_247] {strides = array<i32>} : memref<128x64xf32, #tpu.memory_space<vmem>>, vector<16xf32>,
            %add3A_249 = arith.addf %get3A_245, %get3A_248 : vector<16xf32>
            %swap3A_250 = arith.index_cast %squeeze3A : i32 to index
            %swap3A_251 = arith.constant 48 : index
            %swap3A_252 = tpu.vector_load %arg11[%swap3A_250, %swap3A_251] {strides = array<i32>} : memref<256x64xf32, #tpu.memory_space<vmem>>, vector<16xf32>,
            tpu.vector_store %arg11[%swap3A_250, %swap3A_251], %add3A_249 {strides = array<i32>} : memref<256x64xf32, #tpu.memory_space<vmem>>, vector<16xf32>,
          }
        }
        %while3A_75 = arith.constant 1 : i32
        scf.for %while3A_76 = %while3A_73 to %while3A_69 step %while3A_75  : i32 {
          %mul3A_77 = arith.constant 128 : i32
          %mul3A_78 = arith.muli %while3A_76, %mul3A_77 : i32
          %add3A_79 = arith.constant 0 : i32
          %add3A_80 = arith.addi %mul3A_78, %add3A_79 : i32
          %get3A = arith.index_cast %add3A_80 : i32 to index
          %get3A_81 = tpu.vector_load %arg7[%get3A] {strides = array<i32>} : memref<1040xi32, #tpu.memory_space<vmem>>, vector<16xi32>,
          %add3A_82 = arith.constant 0 : i32
          %add3A_83 = arith.addi %mul3A_78, %add3A_82 : i32
          %broadcast_in_dim3A_84 = vector.broadcast %add3A_83 : i32 to vector<16xi32>
          %add3A_85 = arith.addi %broadcast_in_dim3A_84, %iota3A : vector<16xi32>
          %lt3A_86 = vector.broadcast %scan3A_45 : i32 to vector<16xi32>
          %lt3A_87 = arith.cmpi slt, %add3A_85, %lt3A_86 : vector<16xi32>
          %select_n3A_88 = arith.select %lt3A_87, %get3A_81, %broadcast_in_dim3A_11 : vector<16xi1>, vector<16xi32>
          %swap3A = arith.constant 0 : i32
          %swap3A_89 = arith.index_cast %swap3A : i32 to index
          %swap3A_90 = arith.constant 0 : index
          %swap3A_91 = tpu.vector_load %arg9[%swap3A_89, %swap3A_90] {strides = array<i32>} : memref<1x128xi32, #tpu.memory_space<vmem>>, vector<16xi32>,
          tpu.vector_store %arg9[%swap3A_89, %swap3A_90], %select_n3A_88 {strides = array<i32>} : memref<1x128xi32, #tpu.memory_space<vmem>>, vector<16xi32>,
          %add3A_92 = arith.constant 16 : i32
          %add3A_93 = arith.addi %mul3A_78, %add3A_92 : i32
          %get3A_94 = arith.index_cast %add3A_93 : i32 to index
          %get3A_95 = tpu.vector_load %arg7[%get3A_94] {strides = array<i32>} : memref<1040xi32, #tpu.memory_space<vmem>>, vector<16xi32>,
          %add3A_96 = arith.constant 16 : i32
          %add3A_97 = arith.addi %mul3A_78, %add3A_96 : i32
          %broadcast_in_dim3A_98 = vector.broadcast %add3A_97 : i32 to vector<16xi32>
          %add3A_99 = arith.addi %broadcast_in_dim3A_98, %iota3A : vector<16xi32>
          %lt3A_100 = vector.broadcast %scan3A_45 : i32 to vector<16xi32>
          %lt3A_101 = arith.cmpi slt, %add3A_99, %lt3A_100 : vector<16xi32>
          %select_n3A_102 = arith.select %lt3A_101, %get3A_95, %broadcast_in_dim3A_11 : vector<16xi1>, vector<16xi32>
          %swap3A_103 = arith.constant 0 : i32
          %swap3A_104 = arith.index_cast %swap3A_103 : i32 to index
          %swap3A_105 = arith.constant 16 : index
          %swap3A_106 = tpu.vector_load %arg9[%swap3A_104, %swap3A_105] {strides = array<i32>} : memref<1x128xi32, #tpu.memory_space<vmem>>, vector<16xi32>,
          tpu.vector_store %arg9[%swap3A_104, %swap3A_105], %select_n3A_102 {strides = array<i32>} : memref<1x128xi32, #tpu.memory_space<vmem>>, vector<16xi32>,
          %add3A_107 = arith.constant 32 : i32
          %add3A_108 = arith.addi %mul3A_78, %add3A_107 : i32
          %get3A_109 = arith.index_cast %add3A_108 : i32 to index
          %get3A_110 = tpu.vector_load %arg7[%get3A_109] {strides = array<i32>} : memref<1040xi32, #tpu.memory_space<vmem>>, vector<16xi32>,
          %add3A_111 = arith.constant 32 : i32
          %add3A_112 = arith.addi %mul3A_78, %add3A_111 : i32
          %broadcast_in_dim3A_113 = vector.broadcast %add3A_112 : i32 to vector<16xi32>
          %add3A_114 = arith.addi %broadcast_in_dim3A_113, %iota3A : vector<16xi32>
          %lt3A_115 = vector.broadcast %scan3A_45 : i32 to vector<16xi32>
          %lt3A_116 = arith.cmpi slt, %add3A_114, %lt3A_115 : vector<16xi32>
          %select_n3A_117 = arith.select %lt3A_116, %get3A_110, %broadcast_in_dim3A_11 : vector<16xi1>, vector<16xi32>
          %swap3A_118 = arith.constant 0 : i32
          %swap3A_119 = arith.index_cast %swap3A_118 : i32 to index
          %swap3A_120 = arith.constant 32 : index
          %swap3A_121 = tpu.vector_load %arg9[%swap3A_119, %swap3A_120] {strides = array<i32>} : memref<1x128xi32, #tpu.memory_space<vmem>>, vector<16xi32>,
          tpu.vector_store %arg9[%swap3A_119, %swap3A_120], %select_n3A_117 {strides = array<i32>} : memref<1x128xi32, #tpu.memory_space<vmem>>, vector<16xi32>,
          %add3A_122 = arith.constant 48 : i32
          %add3A_123 = arith.addi %mul3A_78, %add3A_122 : i32
          %get3A_124 = arith.index_cast %add3A_123 : i32 to index
          %get3A_125 = tpu.vector_load %arg7[%get3A_124] {strides = array<i32>} : memref<1040xi32, #tpu.memory_space<vmem>>, vector<16xi32>,
          %add3A_126 = arith.constant 48 : i32
          %add3A_127 = arith.addi %mul3A_78, %add3A_126 : i32
          %broadcast_in_dim3A_128 = vector.broadcast %add3A_127 : i32 to vector<16xi32>
          %add3A_129 = arith.addi %broadcast_in_dim3A_128, %iota3A : vector<16xi32>
          %lt3A_130 = vector.broadcast %scan3A_45 : i32 to vector<16xi32>
          %lt3A_131 = arith.cmpi slt, %add3A_129, %lt3A_130 : vector<16xi32>
          %select_n3A_132 = arith.select %lt3A_131, %get3A_125, %broadcast_in_dim3A_11 : vector<16xi1>, vector<16xi32>
          %swap3A_133 = arith.constant 0 : i32
          %swap3A_134 = arith.index_cast %swap3A_133 : i32 to index
          %swap3A_135 = arith.constant 48 : index
          %swap3A_136 = tpu.vector_load %arg9[%swap3A_134, %swap3A_135] {strides = array<i32>} : memref<1x128xi32, #tpu.memory_space<vmem>>, vector<16xi32>,
          tpu.vector_store %arg9[%swap3A_134, %swap3A_135], %select_n3A_132 {strides = array<i32>} : memref<1x128xi32, #tpu.memory_space<vmem>>, vector<16xi32>,
          %add3A_137 = arith.constant 64 : i32
          %add3A_138 = arith.addi %mul3A_78, %add3A_137 : i32
          %get3A_139 = arith.index_cast %add3A_138 : i32 to index
          %get3A_140 = tpu.vector_load %arg7[%get3A_139] {strides = array<i32>} : memref<1040xi32, #tpu.memory_space<vmem>>, vector<16xi32>,
          %add3A_141 = arith.constant 64 : i32
          %add3A_142 = arith.addi %mul3A_78, %add3A_141 : i32
          %broadcast_in_dim3A_143 = vector.broadcast %add3A_142 : i32 to vector<16xi32>
          %add3A_144 = arith.addi %broadcast_in_dim3A_143, %iota3A : vector<16xi32>
          %lt3A_145 = vector.broadcast %scan3A_45 : i32 to vector<16xi32>
          %lt3A_146 = arith.cmpi slt, %add3A_144, %lt3A_145 : vector<16xi32>
          %select_n3A_147 = arith.select %lt3A_146, %get3A_140, %broadcast_in_dim3A_11 : vector<16xi1>, vector<16xi32>
          %swap3A_148 = arith.constant 0 : i32
          %swap3A_149 = arith.index_cast %swap3A_148 : i32 to index
          %swap3A_150 = arith.constant 64 : index
          %swap3A_151 = tpu.vector_load %arg9[%swap3A_149, %swap3A_150] {strides = array<i32>} : memref<1x128xi32, #tpu.memory_space<vmem>>, vector<16xi32>,
          tpu.vector_store %arg9[%swap3A_149, %swap3A_150], %select_n3A_147 {strides = array<i32>} : memref<1x128xi32, #tpu.memory_space<vmem>>, vector<16xi32>,
          %add3A_152 = arith.constant 80 : i32
          %add3A_153 = arith.addi %mul3A_78, %add3A_152 : i32
          %get3A_154 = arith.index_cast %add3A_153 : i32 to index
          %get3A_155 = tpu.vector_load %arg7[%get3A_154] {strides = array<i32>} : memref<1040xi32, #tpu.memory_space<vmem>>, vector<16xi32>,
          %add3A_156 = arith.constant 80 : i32
          %add3A_157 = arith.addi %mul3A_78, %add3A_156 : i32
          %broadcast_in_dim3A_158 = vector.broadcast %add3A_157 : i32 to vector<16xi32>
          %add3A_159 = arith.addi %broadcast_in_dim3A_158, %iota3A : vector<16xi32>
          %lt3A_160 = vector.broadcast %scan3A_45 : i32 to vector<16xi32>
          %lt3A_161 = arith.cmpi slt, %add3A_159, %lt3A_160 : vector<16xi32>
          %select_n3A_162 = arith.select %lt3A_161, %get3A_155, %broadcast_in_dim3A_11 : vector<16xi1>, vector<16xi32>
          %swap3A_163 = arith.constant 0 : i32
          %swap3A_164 = arith.index_cast %swap3A_163 : i32 to index
          %swap3A_165 = arith.constant 80 : index
          %swap3A_166 = tpu.vector_load %arg9[%swap3A_164, %swap3A_165] {strides = array<i32>} : memref<1x128xi32, #tpu.memory_space<vmem>>, vector<16xi32>,
          tpu.vector_store %arg9[%swap3A_164, %swap3A_165], %select_n3A_162 {strides = array<i32>} : memref<1x128xi32, #tpu.memory_space<vmem>>, vector<16xi32>,
          %add3A_167 = arith.constant 96 : i32
          %add3A_168 = arith.addi %mul3A_78, %add3A_167 : i32
          %get3A_169 = arith.index_cast %add3A_168 : i32 to index
          %get3A_170 = tpu.vector_load %arg7[%get3A_169] {strides = array<i32>} : memref<1040xi32, #tpu.memory_space<vmem>>, vector<16xi32>,
          %add3A_171 = arith.constant 96 : i32
          %add3A_172 = arith.addi %mul3A_78, %add3A_171 : i32
          %broadcast_in_dim3A_173 = vector.broadcast %add3A_172 : i32 to vector<16xi32>
          %add3A_174 = arith.addi %broadcast_in_dim3A_173, %iota3A : vector<16xi32>
          %lt3A_175 = vector.broadcast %scan3A_45 : i32 to vector<16xi32>
          %lt3A_176 = arith.cmpi slt, %add3A_174, %lt3A_175 : vector<16xi32>
          %select_n3A_177 = arith.select %lt3A_176, %get3A_170, %broadcast_in_dim3A_11 : vector<16xi1>, vector<16xi32>
          %swap3A_178 = arith.constant 0 : i32
          %swap3A_179 = arith.index_cast %swap3A_178 : i32 to index
          %swap3A_180 = arith.constant 96 : index
          %swap3A_181 = tpu.vector_load %arg9[%swap3A_179, %swap3A_180] {strides = array<i32>} : memref<1x128xi32, #tpu.memory_space<vmem>>, vector<16xi32>,
          tpu.vector_store %arg9[%swap3A_179, %swap3A_180], %select_n3A_177 {strides = array<i32>} : memref<1x128xi32, #tpu.memory_space<vmem>>, vector<16xi32>,
          %add3A_182 = arith.constant 112 : i32
          %add3A_183 = arith.addi %mul3A_78, %add3A_182 : i32
          %get3A_184 = arith.index_cast %add3A_183 : i32 to index
          %get3A_185 = tpu.vector_load %arg7[%get3A_184] {strides = array<i32>} : memref<1040xi32, #tpu.memory_space<vmem>>, vector<16xi32>,
          %add3A_186 = arith.constant 112 : i32
          %add3A_187 = arith.addi %mul3A_78, %add3A_186 : i32
          %broadcast_in_dim3A_188 = vector.broadcast %add3A_187 : i32 to vector<16xi32>
          %add3A_189 = arith.addi %broadcast_in_dim3A_188, %iota3A : vector<16xi32>
          %lt3A_190 = vector.broadcast %scan3A_45 : i32 to vector<16xi32>
          %lt3A_191 = arith.cmpi slt, %add3A_189, %lt3A_190 : vector<16xi32>
          %select_n3A_192 = arith.select %lt3A_191, %get3A_185, %broadcast_in_dim3A_11 : vector<16xi1>, vector<16xi32>
          %swap3A_193 = arith.constant 0 : i32
          %swap3A_194 = arith.index_cast %swap3A_193 : i32 to index
          %swap3A_195 = arith.constant 112 : index
          %swap3A_196 = tpu.vector_load %arg9[%swap3A_194, %swap3A_195] {strides = array<i32>} : memref<1x128xi32, #tpu.memory_space<vmem>>, vector<16xi32>,
          tpu.vector_store %arg9[%swap3A_194, %swap3A_195], %select_n3A_192 {strides = array<i32>} : memref<1x128xi32, #tpu.memory_space<vmem>>, vector<16xi32>,
          %run_scoped3A = arith.constant 0 : i32
          "tpu.region"() ({
            %run_scoped3A_209 = tpu.sem_alloc : memref<!tpu.dma_semaphore, #tpu.memory_space<semaphore_mem>>
            %dma_start3A = arith.constant 0 : i32
            %dma_start3A_210 = tpu.memref_slice %arg9[%run_scoped3A, %dma_start3A] : memref<1x128xi32, #tpu.memory_space<vmem>> -> memref<1x128xi32, #tpu.memory_space<vmem>>
            %dma_start3A_211 = tpu.memref_squeeze %dma_start3A_210 : memref<1x128xi32, #tpu.memory_space<vmem>> -> memref<128xi32, #tpu.memory_space<vmem>>
            %dma_start3A_212 = arith.constant 0 : i32
            %dma_start3A_213 = arith.constant 0 : i32
            %dma_start3A_214 = tpu.memref_slice %arg13[%dma_start3A_212, %dma_start3A_213] : memref<16384x64xf32, #tpu.memory_space<vmem_shared>> -> memref<16384x64xf32, #tpu.memory_space<vmem_shared>>
            tpu.enqueue_indirect_dma source(%dma_start3A_214 : memref<16384x64xf32, #tpu.memory_space<vmem_shared>>) target(%arg10 : memref<128x64xf32, #tpu.memory_space<vmem>>) offsets(%dma_start3A_211 : memref<128xi32, #tpu.memory_space<vmem>>) semaphore(%run_scoped3A_209 : memref<!tpu.dma_semaphore, #tpu.memory_space<semaphore_mem>>)
            %dma_wait3A = arith.constant 0 : i32
            %dma_wait3A_215 = tpu.memref_slice %arg9[%run_scoped3A, %dma_wait3A] : memref<1x128xi32, #tpu.memory_space<vmem>> -> memref<1x128xi32, #tpu.memory_space<vmem>>
            %dma_wait3A_216 = tpu.memref_squeeze %dma_wait3A_215 : memref<1x128xi32, #tpu.memory_space<vmem>> -> memref<128xi32, #tpu.memory_space<vmem>>
            %dma_wait3A_217 = arith.constant 0 : i32
            %dma_wait3A_218 = arith.constant 0 : i32
            %dma_wait3A_219 = tpu.memref_slice %arg13[%dma_wait3A_217, %dma_wait3A_218] : memref<16384x64xf32, #tpu.memory_space<vmem_shared>> -> memref<16384x64xf32, #tpu.memory_space<vmem_shared>>
            tpu.wait_indirect_dma semaphore(%run_scoped3A_209 : memref<!tpu.dma_semaphore, #tpu.memory_space<semaphore_mem>>) src(%dma_wait3A_219 : memref<16384x64xf32, #tpu.memory_space<vmem_shared>>) dst(%arg10 : memref<128x64xf32, #tpu.memory_space<vmem>>)
            tpu.yield
          }) : () -> ()
          %sub3A_197 = arith.subi %scan3A_45, %mul3A_78 : i32
          %min3A = arith.constant 128 : i32
          %min3A_198 = arith.minsi %sub3A_197, %min3A : i32
          %while3A_199 = arith.constant 0 : i32
          %while3A_200 = arith.constant 0 : i32
          %while3A_201 = arith.subi %min3A_198, %while3A_200 : i32
          %while3A_202 = arith.addi %while3A_200, %while3A_201 : i32
          %while3A_203 = arith.constant 1 : i32
          %while3A_204 = arith.divsi %while3A_201, %while3A_203 : i32
          %while3A_205 = arith.muli %while3A_204, %while3A_203 : i32
          %while3A_206 = arith.addi %while3A_200, %while3A_205 : i32
          %while3A_207 = arith.constant 1 : i32
          scf.for %while3A_209 = %while3A_200 to %while3A_206 step %while3A_207  : i32 {
            %add3A_210 = arith.addi %mul3A_78, %while3A_209 : i32
            %get3A_211 = arith.index_cast %add3A_210 : i32 to index
            %get3A_212 = tpu.vector_load %arg8[%get3A_211] {strides = array<i32>} : memref<1040xi32, #tpu.memory_space<vmem>>, vector<16xi32>,
            %slice3A = vector.extract_strided_slice %get3A_212 {offsets = [0], sizes = [1], strides = [1]} : vector<16xi32> to vector<1xi32>
            %squeeze3A = vector.extract %slice3A[0] : i32 from vector<1xi32>
            %get3A_213 = arith.index_cast %squeeze3A : i32 to index
            %get3A_214 = arith.constant 0 : index
            %get3A_215 = tpu.vector_load %arg11[%get3A_213, %get3A_214] {strides = array<i32>} : memref<256x64xf32, #tpu.memory_space<vmem>>, vector<16xf32>,
            %get3A_216 = arith.index_cast %while3A_209 : i32 to index
            %get3A_217 = arith.constant 0 : index
            %get3A_218 = tpu.vector_load %arg10[%get3A_216, %get3A_217] {strides = array<i32>} : memref<128x64xf32, #tpu.memory_space<vmem>>, vector<16xf32>,
            %add3A_219 = arith.addf %get3A_215, %get3A_218 : vector<16xf32>
            %swap3A_220 = arith.index_cast %squeeze3A : i32 to index
            %swap3A_221 = arith.constant 0 : index
            %swap3A_222 = tpu.vector_load %arg11[%swap3A_220, %swap3A_221] {strides = array<i32>} : memref<256x64xf32, #tpu.memory_space<vmem>>, vector<16xf32>,
            tpu.vector_store %arg11[%swap3A_220, %swap3A_221], %add3A_219 {strides = array<i32>} : memref<256x64xf32, #tpu.memory_space<vmem>>, vector<16xf32>,
            %get3A_223 = arith.index_cast %squeeze3A : i32 to index
            %get3A_224 = arith.constant 16 : index
            %get3A_225 = tpu.vector_load %arg11[%get3A_223, %get3A_224] {strides = array<i32>} : memref<256x64xf32, #tpu.memory_space<vmem>>, vector<16xf32>,
            %get3A_226 = arith.index_cast %while3A_209 : i32 to index
            %get3A_227 = arith.constant 16 : index
            %get3A_228 = tpu.vector_load %arg10[%get3A_226, %get3A_227] {strides = array<i32>} : memref<128x64xf32, #tpu.memory_space<vmem>>, vector<16xf32>,
            %add3A_229 = arith.addf %get3A_225, %get3A_228 : vector<16xf32>
            %swap3A_230 = arith.index_cast %squeeze3A : i32 to index
            %swap3A_231 = arith.constant 16 : index
            %swap3A_232 = tpu.vector_load %arg11[%swap3A_230, %swap3A_231] {strides = array<i32>} : memref<256x64xf32, #tpu.memory_space<vmem>>, vector<16xf32>,
            tpu.vector_store %arg11[%swap3A_230, %swap3A_231], %add3A_229 {strides = array<i32>} : memref<256x64xf32, #tpu.memory_space<vmem>>, vector<16xf32>,
            %get3A_233 = arith.index_cast %squeeze3A : i32 to index
            %get3A_234 = arith.constant 32 : index
            %get3A_235 = tpu.vector_load %arg11[%get3A_233, %get3A_234] {strides = array<i32>} : memref<256x64xf32, #tpu.memory_space<vmem>>, vector<16xf32>,
            %get3A_236 = arith.index_cast %while3A_209 : i32 to index
            %get3A_237 = arith.constant 32 : index
            %get3A_238 = tpu.vector_load %arg10[%get3A_236, %get3A_237] {strides = array<i32>} : memref<128x64xf32, #tpu.memory_space<vmem>>, vector<16xf32>,
            %add3A_239 = arith.addf %get3A_235, %get3A_238 : vector<16xf32>
            %swap3A_240 = arith.index_cast %squeeze3A : i32 to index
            %swap3A_241 = arith.constant 32 : index
            %swap3A_242 = tpu.vector_load %arg11[%swap3A_240, %swap3A_241] {strides = array<i32>} : memref<256x64xf32, #tpu.memory_space<vmem>>, vector<16xf32>,
            tpu.vector_store %arg11[%swap3A_240, %swap3A_241], %add3A_239 {strides = array<i32>} : memref<256x64xf32, #tpu.memory_space<vmem>>, vector<16xf32>,
            %get3A_243 = arith.index_cast %squeeze3A : i32 to index
            %get3A_244 = arith.constant 48 : index
            %get3A_245 = tpu.vector_load %arg11[%get3A_243, %get3A_244] {strides = array<i32>} : memref<256x64xf32, #tpu.memory_space<vmem>>, vector<16xf32>,
            %get3A_246 = arith.index_cast %while3A_209 : i32 to index
            %get3A_247 = arith.constant 48 : index
            %get3A_248 = tpu.vector_load %arg10[%get3A_246, %get3A_247] {strides = array<i32>} : memref<128x64xf32, #tpu.memory_space<vmem>>, vector<16xf32>,
            %add3A_249 = arith.addf %get3A_245, %get3A_248 : vector<16xf32>
            %swap3A_250 = arith.index_cast %squeeze3A : i32 to index
            %swap3A_251 = arith.constant 48 : index
            %swap3A_252 = tpu.vector_load %arg11[%swap3A_250, %swap3A_251] {strides = array<i32>} : memref<256x64xf32, #tpu.memory_space<vmem>>, vector<16xf32>,
            tpu.vector_store %arg11[%swap3A_250, %swap3A_251], %add3A_249 {strides = array<i32>} : memref<256x64xf32, #tpu.memory_space<vmem>>, vector<16xf32>,
          }
          %while3A_208 = arith.constant 1 : i32
          scf.for %while3A_209 = %while3A_206 to %while3A_202 step %while3A_208  : i32 {
            %add3A_210 = arith.addi %mul3A_78, %while3A_209 : i32
            %get3A_211 = arith.index_cast %add3A_210 : i32 to index
            %get3A_212 = tpu.vector_load %arg8[%get3A_211] {strides = array<i32>} : memref<1040xi32, #tpu.memory_space<vmem>>, vector<16xi32>,
            %slice3A = vector.extract_strided_slice %get3A_212 {offsets = [0], sizes = [1], strides = [1]} : vector<16xi32> to vector<1xi32>
            %squeeze3A = vector.extract %slice3A[0] : i32 from vector<1xi32>
            %get3A_213 = arith.index_cast %squeeze3A : i32 to index
            %get3A_214 = arith.constant 0 : index
            %get3A_215 = tpu.vector_load %arg11[%get3A_213, %get3A_214] {strides = array<i32>} : memref<256x64xf32, #tpu.memory_space<vmem>>, vector<16xf32>,
            %get3A_216 = arith.index_cast %while3A_209 : i32 to index
            %get3A_217 = arith.constant 0 : index
            %get3A_218 = tpu.vector_load %arg10[%get3A_216, %get3A_217] {strides = array<i32>} : memref<128x64xf32, #tpu.memory_space<vmem>>, vector<16xf32>,
            %add3A_219 = arith.addf %get3A_215, %get3A_218 : vector<16xf32>
            %swap3A_220 = arith.index_cast %squeeze3A : i32 to index
            %swap3A_221 = arith.constant 0 : index
            %swap3A_222 = tpu.vector_load %arg11[%swap3A_220, %swap3A_221] {strides = array<i32>} : memref<256x64xf32, #tpu.memory_space<vmem>>, vector<16xf32>,
            tpu.vector_store %arg11[%swap3A_220, %swap3A_221], %add3A_219 {strides = array<i32>} : memref<256x64xf32, #tpu.memory_space<vmem>>, vector<16xf32>,
            %get3A_223 = arith.index_cast %squeeze3A : i32 to index
            %get3A_224 = arith.constant 16 : index
            %get3A_225 = tpu.vector_load %arg11[%get3A_223, %get3A_224] {strides = array<i32>} : memref<256x64xf32, #tpu.memory_space<vmem>>, vector<16xf32>,
            %get3A_226 = arith.index_cast %while3A_209 : i32 to index
            %get3A_227 = arith.constant 16 : index
            %get3A_228 = tpu.vector_load %arg10[%get3A_226, %get3A_227] {strides = array<i32>} : memref<128x64xf32, #tpu.memory_space<vmem>>, vector<16xf32>,
            %add3A_229 = arith.addf %get3A_225, %get3A_228 : vector<16xf32>
            %swap3A_230 = arith.index_cast %squeeze3A : i32 to index
            %swap3A_231 = arith.constant 16 : index
            %swap3A_232 = tpu.vector_load %arg11[%swap3A_230, %swap3A_231] {strides = array<i32>} : memref<256x64xf32, #tpu.memory_space<vmem>>, vector<16xf32>,
            tpu.vector_store %arg11[%swap3A_230, %swap3A_231], %add3A_229 {strides = array<i32>} : memref<256x64xf32, #tpu.memory_space<vmem>>, vector<16xf32>,
            %get3A_233 = arith.index_cast %squeeze3A : i32 to index
            %get3A_234 = arith.constant 32 : index
            %get3A_235 = tpu.vector_load %arg11[%get3A_233, %get3A_234] {strides = array<i32>} : memref<256x64xf32, #tpu.memory_space<vmem>>, vector<16xf32>,
            %get3A_236 = arith.index_cast %while3A_209 : i32 to index
            %get3A_237 = arith.constant 32 : index
            %get3A_238 = tpu.vector_load %arg10[%get3A_236, %get3A_237] {strides = array<i32>} : memref<128x64xf32, #tpu.memory_space<vmem>>, vector<16xf32>,
            %add3A_239 = arith.addf %get3A_235, %get3A_238 : vector<16xf32>
            %swap3A_240 = arith.index_cast %squeeze3A : i32 to index
            %swap3A_241 = arith.constant 32 : index
            %swap3A_242 = tpu.vector_load %arg11[%swap3A_240, %swap3A_241] {strides = array<i32>} : memref<256x64xf32, #tpu.memory_space<vmem>>, vector<16xf32>,
            tpu.vector_store %arg11[%swap3A_240, %swap3A_241], %add3A_239 {strides = array<i32>} : memref<256x64xf32, #tpu.memory_space<vmem>>, vector<16xf32>,
            %get3A_243 = arith.index_cast %squeeze3A : i32 to index
            %get3A_244 = arith.constant 48 : index
            %get3A_245 = tpu.vector_load %arg11[%get3A_243, %get3A_244] {strides = array<i32>} : memref<256x64xf32, #tpu.memory_space<vmem>>, vector<16xf32>,
            %get3A_246 = arith.index_cast %while3A_209 : i32 to index
            %get3A_247 = arith.constant 48 : index
            %get3A_248 = tpu.vector_load %arg10[%get3A_246, %get3A_247] {strides = array<i32>} : memref<128x64xf32, #tpu.memory_space<vmem>>, vector<16xf32>,
            %add3A_249 = arith.addf %get3A_245, %get3A_248 : vector<16xf32>
            %swap3A_250 = arith.index_cast %squeeze3A : i32 to index
            %swap3A_251 = arith.constant 48 : index
            %swap3A_252 = tpu.vector_load %arg11[%swap3A_250, %swap3A_251] {strides = array<i32>} : memref<256x64xf32, #tpu.memory_space<vmem>>, vector<16xf32>,
            tpu.vector_store %arg11[%swap3A_250, %swap3A_251], %add3A_249 {strides = array<i32>} : memref<256x64xf32, #tpu.memory_space<vmem>>, vector<16xf32>,
          }
        }
      }
      %scan3A_36 = arith.constant 16 : i32
      "tpu.region"() ({
        %run_scoped3A = tpu.sem_alloc : memref<!tpu.dma_semaphore, #tpu.memory_space<semaphore_mem>>
        %dma_start3A = arith.constant 0 : i32
        %dma_start3A_37 = arith.constant 0 : i32
        %dma_start3A_38 = tpu.memref_slice %arg11[%dma_start3A, %dma_start3A_37] : memref<256x64xf32, #tpu.memory_space<vmem>> -> memref<160x64xf32, #tpu.memory_space<vmem>>
        %dma_start3A_39 = arith.constant 0 : i32
        %dma_start3A_40 = tpu.memref_slice %arg5[%add3A_28, %dma_start3A_39] : memref<100000x64xf32, #tpu.memory_space<hbm>> -> memref<160x64xf32, #tpu.memory_space<hbm>>
        %dma_start3A_41 = arith.constant 0 : i32
        %dma_start3A_42 = tpu.memref_slice %arg5[%add3A_28, %dma_start3A_41] : memref<100000x64xf32, #tpu.memory_space<hbm>> -> memref<160x64xf32, #tpu.memory_space<hbm>>
        %dma_start3A_43 = arith.constant 0 : i32
        %dma_start3A_44 = arith.constant 0 : i32
        %dma_start3A_45 = tpu.memref_slice %arg11[%dma_start3A_43, %dma_start3A_44] : memref<256x64xf32, #tpu.memory_space<vmem>> -> memref<160x64xf32, #tpu.memory_space<vmem>>
        tpu.enqueue_dma source(%dma_start3A_45 : memref<160x64xf32, #tpu.memory_space<vmem>>) target(%dma_start3A_42 : memref<160x64xf32, #tpu.memory_space<hbm>>) target_semaphore(%run_scoped3A : memref<!tpu.dma_semaphore, #tpu.memory_space<semaphore_mem>>)
        %dma_wait3A = arith.constant 0 : i32
        %dma_wait3A_46 = arith.constant 0 : i32
        %dma_wait3A_47 = tpu.memref_slice %arg11[%dma_wait3A, %dma_wait3A_46] : memref<256x64xf32, #tpu.memory_space<vmem>> -> memref<160x64xf32, #tpu.memory_space<vmem>>
        %dma_wait3A_48 = arith.constant 0 : i32
        %dma_wait3A_49 = tpu.memref_slice %arg5[%add3A_28, %dma_wait3A_48] : memref<100000x64xf32, #tpu.memory_space<hbm>> -> memref<160x64xf32, #tpu.memory_space<hbm>>
        %dma_wait3A_50 = arith.constant 0 : i32
        %dma_wait3A_51 = tpu.memref_slice %arg5[%add3A_28, %dma_wait3A_50] : memref<100000x64xf32, #tpu.memory_space<hbm>> -> memref<160x64xf32, #tpu.memory_space<hbm>>
        %dma_wait3A_52 = arith.constant 0 : i32
        %dma_wait3A_53 = arith.constant 0 : i32
        %dma_wait3A_54 = tpu.memref_slice %arg11[%dma_wait3A_52, %dma_wait3A_53] : memref<256x64xf32, #tpu.memory_space<vmem>> -> memref<160x64xf32, #tpu.memory_space<vmem>>
        tpu.wait_dma2 semaphore(%run_scoped3A : memref<!tpu.dma_semaphore, #tpu.memory_space<semaphore_mem>>) src(%dma_wait3A_54 : memref<160x64xf32, #tpu.memory_space<vmem>>) dst(%dma_wait3A_51 : memref<160x64xf32, #tpu.memory_space<hbm>>)
        tpu.yield
      }) : () -> ()
    } else {
    }
    return
  }
}

</mosaic_0001>

<sc_bundles>
// kernel: kernel.3.cloned.1.call-start
scs
__scs_entry_jumppad:
0x0: {  	(pc) =	sbr.rel $0x88, $3  }
0x1: {  	(tag) =	ssettag $0x0;
	lr =	simm.s32 $0x1  }
0x2: {  	[smem:$0x3F9E] =	sst lr;
	_ =	strace $0xD0000000  }
0x3: {  	_ = 	snop  }
0x4: {  	_ = 	snop  }
0x5: {  	_ = 	snop  }
0x6: {  	_ = 	snop  }
0x7: {  	_ = 	snop  }
__scs_overlays_trampoline_lowered:
0x8: {  	[smem:$0x3FAD] =	sst s0  }
0x9: {  	[smem:$0x3FAE] =	sst s1  }
0xa: {  	[smem:$0x3FAF] =	sst s2  }
0xb: {  	[smem:$0x3FB0] =	sst s3  }
0xc: {  	[smem:$0x3FB1] =	sst s4  }
0xd: {  	[smem:$0x3FB2] =	sst s5  }
0xe: {  	[smem:$0x3FB3] =	sst s6  }
0xf: {  	[smem:$0x3FB4] =	sst s7  }
0x10: {  	[smem:$0x3FB5] =	sst s8  }
0x11: {  	[smem:$0x3FB6] =	sst s9;
	s0 =	simm.s32 @!p0 $0x0  }
0x12: {  	s1 =	sld [smem:$0x3F9C];
	s0 =	simm.s32 @p0 $0x1  }
0x13: {  	[smem:$0x3FB7] =	sst s0;
	s0 =	simm.s32 @!p1 $0x0  }
0x14: {  	s2 =	sld [smem:$0x3F9B];
	s0 =	simm.s32 @p1 $0x1  }
0x15: {  	[smem:$0x3FB8] =	sst s0;
	s0 =	simm.s32 @!p2 $0x0  }
0x16: {  	s3 =	sld [smem:$0x3FDB];
	s0 =	simm.s32 @p2 $0x1  }
0x17: {  	s4 =	simm.s32 $0x1BF5;
	[smem:$0x3FBA] =	sst s0  }
0x18: {  	s0 =	sld [smem:$0x3F9D];
	_ =	swait.ge [sflag:s4], $0x0  }
0x19: {  	s7 =	sld [smem:$0x3F9E]  }
0x1a: {  	s8 =	sadd.s32 $0xFFFFE003, lr  }
0x1b: {  	s9 =	sadd.s32 $0xFFFFFEF7, lr;
	s5 =	simm.s32 $0xFFFFFFFF;
	p2 =	slt.u32 s8, $0xFFFFF086  }
0x1c: {  	p1 =	slt.u32 s9, $0xF7A;
	s5 =	simm.s32 @!p2 $0x0  }
0x1d: {  	s5 =	simm.s32 @p1 $0x1;
	p0 =	seq.s32 s7, s2  }
0x1e: {  	s7 =	smul.u32 @!p0 $0xF7A, s2;
	p2 =	seq.s32 @!p0 s5, $0x0  }
0x1f: {  	s9 =	smul.u32 $0xF7A, s1;
	s8 =	simm.s32 @!p0 $0x1BF5;
	p2 =	por !p2, p0  }
0x20: {  	[sflag:s8] =	ssyncset.s32 @!p0 $0xFFFFF086;
	s6 =	sadd.s32 @!p0 s3, s7;
	s7 =	simm.s32 @!p0 $0x108  }
0x21: {  	s3 =	sadd.s32 s3, s9;
	s6 =	sadd.s32 @!p0 $0x88, s6;
	s7 =	simm.s32 @p2 $0x1082  }
0x22: {  	[simem:s7], [sflag:s8] =	dma.local @!p0 [hbm:s6], $0xF7A  }
0x23: {  	s9 =	sor.u32 $0xD0000000, s2;
	s6 =	simm.s32 $0x108;
	_ =	swait.ge @!p0 [sflag:s8], $0x0  }
0x24: {  	s3 =	sadd.s32 $0x88, s3;
	s6 =	simm.s32 @!p1 $0x1082;
	[sflag:s4] =	ssyncset.s32 $0xFFFFF086  }
0x25: {  	[simem:s6], [sflag:s4] =	dma.local [hbm:s3], $0xF7A  }
0x26: {  	[smem:$0x3F9E] =	sst s1;
	(tag) =	ssettag s2;
	_ =	strace s9  }
0x27: {  	s1 =	sld [smem:$0x3FAE]  }
0x28: {  	s2 =	sld [smem:$0x3FAF]  }
0x29: {  	s4 =	sld [smem:$0x3FB1]  }
0x2a: {  	p0 =	seq.s32 s5, $0x0;
	s5 =	sld [smem:$0x3FB2]  }
0x2b: {  	s6 =	sld [smem:$0x3FB3]  }
0x2c: {  	s7 =	sld [smem:$0x3FB4]  }
0x2d: {  	s3 =	simm.s32 $0x108;
	s8 =	sld [smem:$0x3FB5]  }
0x2e: {  	s3 =	simm.s32 @!p0 $0x1082;
	s9 =	sld [smem:$0x3FB6]  }
0x2f: {  	lr =	sadd.s32 s0, s3;
	s0 =	sld [smem:$0x3FAD]  }
0x30: {  	s3 =	sld [smem:$0x3FB0]  }
0x31: {  	[smem:$0x3FB9] =	sst s10  }
0x32: {  	s10 =	sld [smem:$0x3FB7];
	_ =	sdelay $0x3  }
0x33: {  	p0 =	seq.s32 s10, $0x1;
	s10 =	sld [smem:$0x3FB9];
	_ =	sdelay $0x3  }
0x34: {  	[smem:$0x3FB9] =	sst s10  }
0x35: {  	s10 =	sld [smem:$0x3FB8];
	_ =	sdelay $0x3  }
0x36: {  	p1 =	seq.s32 s10, $0x1;
	s10 =	sld [smem:$0x3FB9];
	_ =	sdelay $0x3  }
0x37: {  	[smem:$0x3FB9] =	sst s10  }
0x38: {  	s10 =	sld [smem:$0x3FBA]  }
0x39: {  	_ = 	snop;
	(pc) =	sbr.ind lr, $3  }
0x3a: {  	_ = 	snop  }
0x3b: {  	_ = 	snop  }
0x3c: {  	p2 =	seq.s32 s10, $0x1;
	s10 =	sld [smem:$0x3FB9]  }
0x3d: {  	_ =	shalt  }
0x3e: {  	_ =	shalt  }
0x3f: {  	_ =	shalt  }
0x40: {  	_ =	shalt  }
0x41: {  	_ =	shalt  }
0x42: {  	_ =	shalt  }
0x43: {  	_ =	shalt  }
0x44: {  	_ =	shalt  }
0x45: {  	_ =	shalt  }
0x46: {  	_ =	shalt  }
0x47: {  	_ =	shalt  }
0x48: {  	_ =	shalt  }
0x49: {  	_ =	shalt  }
0x4a: {  	_ =	shalt  }
0x4b: {  	_ =	shalt  }
0x4c: {  	_ =	shalt  }
0x4d: {  	_ =	shalt  }
0x4e: {  	_ =	shalt  }
0x4f: {  	_ =	shalt  }
0x50: {  	_ =	shalt  }
0x51: {  	_ =	shalt  }
0x52: {  	_ =	shalt  }
0x53: {  	_ =	shalt  }
0x54: {  	_ =	shalt  }
0x55: {  	_ =	shalt  }
0x56: {  	_ =	shalt  }
0x57: {  	_ =	shalt  }
0x58: {  	_ =	shalt  }
0x59: {  	_ =	shalt  }
0x5a: {  	_ =	shalt  }
0x5b: {  	_ =	shalt  }
0x5c: {  	_ =	shalt  }
0x5d: {  	_ =	shalt  }
0x5e: {  	_ =	shalt  }
0x5f: {  	_ =	shalt  }
0x60: {  	_ =	shalt  }
0x61: {  	_ =	shalt  }
0x62: {  	_ =	shalt  }
0x63: {  	_ =	shalt  }
0x64: {  	_ =	shalt  }
0x65: {  	_ =	shalt  }
0x66: {  	_ =	shalt  }
0x67: {  	_ =	shalt  }
0x68: {  	_ =	shalt  }
0x69: {  	_ =	shalt  }
0x6a: {  	_ =	shalt  }
0x6b: {  	_ =	shalt  }
0x6c: {  	_ =	shalt  }
0x6d: {  	_ =	shalt  }
0x6e: {  	_ =	shalt  }
0x6f: {  	_ =	shalt  }
0x70: {  	_ =	shalt  }
0x71: {  	_ =	shalt  }
0x72: {  	_ =	shalt  }
0x73: {  	_ =	shalt  }
0x74: {  	_ =	shalt  }
0x75: {  	_ =	shalt  }
0x76: {  	_ =	shalt  }
0x77: {  	_ =	shalt  }
0x78: {  	_ =	shalt  }
0x79: {  	_ =	shalt  }
0x7a: {  	_ =	shalt  }
0x7b: {  	_ =	shalt  }
0x7c: {  	_ =	shalt  }
0x7d: {  	_ =	shalt  }
0x7e: {  	_ =	shalt  }
0x7f: {  	_ =	shalt  }
0x80: {  	_ =	shalt  }
0x81: {  	_ =	shalt  }
0x82: {  	_ =	shalt  }
0x83: {  	_ =	shalt  }
0x84: {  	_ =	shalt  }
0x85: {  	_ =	shalt  }
0x86: {  	_ =	shalt  }
0x87: {  	_ =	shalt  }
.Lfunc_end0:
.L_simem_size_0:
called_computation_lowered:
.L_overlay_start_0:
0x88: {  	s2 =	sld [smem:$0x3FD9]  }
0x89: {  	s3 =	sld [smem:$0x3FFE];
	_ =	sdelay $0x1  }
0x8a: {  	s1 =	srdreg.scid  }
0x8b: {  	s0 =	sand.u32 $0x1, s1  }
0x8c: {  	s17 =	sshll.u32 s0, $0xA;
	s2 =	sadd.s32 s3, s2  }
0x8d: {  	s2 =	sadd.s32 s2, s17  }
0x8e: {  	[smem:$0x3FC5] =	sst s2  }
0x8f: {  	_ = 	snop  }
0x90: {  	s2 =	sld [smem:$0x3FC8]  }
0x91: {  	s18 =	sld [smem:$0x3FD0];
	(tm) =	ssettm $0x1  }
0x92: {  	s4 =	sld [smem:$0x3FFB];
	_ =	sdelay $0x3  }
0x93: {  	_ =	strace s4  }
0x94: {  	s4 =	sld [smem:$0x3FFC];
	_ =	sdelay $0x3  }
0x95: {  	_ =	strace s4  }
0x96: {  	s4 =	sld [smem:$0x3FFD];
	_ =	sdelay $0x3  }
0x97: {  	_ =	strace s4  }
0x98: {  	_ =	strace $0x8FFFFFFF  }
0x99: {  	s19 =	sld [smem:$0x3FDB];
	_ =	sdelay $0x1  }
0x9a: {  	s5 =	simm.s32 $_scs_section_size  }
0x9b: {  	s6 =	simm.s32 $_size__tile_overlayer_lowered;
	s7 =	simm.s32 $_tile_overlayer_lowered  }
0x9c: {  	s22 =	simm.s32 $0x1BFF;
	s21 =	sshll.u32 s7, $0x1;
	s4 =	sadd.s32 s5, s19  }
0x9d: {  	s8 =	simm.s32 $0x0;
	s20 =	sshll.u32 s6, $0x1;
	s6 =	sadd.s32 s21, s4  }
0x9e: {  	[timem:s8], [sflag:s22] =	dma.local [hbm:s6], s20  }
0x9f: {  	_ =	swait.ge [sflag:s22], s20  }
0xa0: {  	s5 =	ssub.s32 $0x0, s20;
	[sflag:s22] =	ssyncset.done $0x0  }
0xa1: {  	[sflag:s22] =	ssyncadd.s32 s5;
	_ =	sdelay $0x1  }
0xa2: {  	s23 =	simm.s32 $0x1B8B  }
0xa3: {  	_ =	swait.ge [sflag:s23], $0x1  }
0xa4: {  	[sflag:s23] =	ssyncset.done $0x0  }
0xa5: {  	s25 =	simm.s32 $0x1B8E;
	s24 =	sld [smem:$0x3FFE];
	[sflag:s23] =	ssyncadd.s32 $0xFFFFFFFF  }
0xa6: {  	s26 =	simm.s32 $execute0_lowered;
	[smem:$0x3FD2] =	sst s25  }
0xa7: {  	s6 =	sshll.u32 s26, $0x1;
	_ =	strace $0x80000046;
	[dreg:$0x1] =	wrdreg $0xFFFFFFFF  }
0xa8: {  	s28 =	simm.s32 $_size_execute0_lowered;
	s4 =	sadd.s32 s4, s6;
	[dreg:$0x0] =	wrdreg $0x0  }
0xa9: {  	s6 =	sshll.u32 s28, $0x1;
	[dreg:$0x2] =	wrdreg s4  }
0xaa: {  	[dreg:$0x3] =	wrdreg s6  }
0xab: {  	[dreg:$0x4] =	wrdreg $0xC0  }
0xac: {  	_ =	task [dreg:s8], $0x5FFFF  }
0xad: {  	[dreg:$0x1] =	wrdreg $0xFFFFFFFF  }
0xae: {  	[dreg:$0x0] =	wrdreg $0x60  }
0xaf: {  	[dreg:$0x2] =	wrdreg s18  }
0xb0: {  	[dreg:$0x3] =	wrdreg s2  }
0xb1: {  	[dreg:$0x4] =	wrdreg s24  }
0xb2: {  	[dreg:$0x5] =	wrdreg $0x6CA00  }
0xb3: {  	[dreg:$0x6] =	wrdreg $0x70A00  }
0xb4: {  	[dreg:$0x7] =	wrdreg $0x9  }
0xb5: {  	_ =	task.clear_ibuf [dreg:s8], $0x8FFFF;
	_ =	strace $0x90000046  }
0xb6: {  	s29 =	simm.s32 $0x9;
	_ =	strace $0x80000048  }
0xb7: {  	_ =	swait.ge [sflag:s29], $0x1  }
0xb8: {  	[sflag:s29] =	ssyncadd.s32 $0xFFFFFFFF  }
0xb9: {  	_ =	strace $0x90000048  }
0xba: {  	_ =	sfence  }
0xbb: {  	s30 =	sld [smem:$0x0];
	_ =	sdelay $0x2  }
0xbc: {  	s31 =	sshll.u32 s1, $0xD;
	s1 =	sshrl.u32 s1, $0x2  }
0xbd: {  	s3 =	sand.u32 $0x4000, s31;
	s1 =	sadd.s32 s1, s30  }
0xbe: {  	s0 =	sor.u32 s3, s0;
	s1 =	sshll.u32 s1, $0x11  }
0xbf: {  	s0 =	sor.u32 s1, s0  }
0xc0: {  	s0 =	sadd.s32 $0x8F2B, s0  }
0xc1: {  	[sflag:s0] =	ssyncadd.remote.s32 $0x1  }
0xc2: {  	_ =	sfence.sel $0xFFFF  }
0xc3: {  	[dreg:$0x0] =	wrdreg $0xFFFFFFFF;
	(pc) =	sbr.abs _section_cstart, $3  }
0xc4: {  	[dreg:$0x1] =	wrdreg $0xFFFFFFFF  }
0xc5: {  	_ =	task.clear_ibuf [dreg:s8], $0x2FFFF;
	_ =	strace $0x9FFFFFFF  }
0xc6: {  	(tm) =	ssettm $0x7FFFFFFF  }
0xc7: {  	_ =	shalt  }
tec
execute0_lowered:
.L_overlay_start_1:
0x0: {  	(tag) =	ssettag $0x1  }
0x1: {  	s1 =	rddreg [dreg:$0x0]  }
0x2: {  	s0 =	rddreg [dreg:$0x1]  }
0x3: {  	s4 =	rddreg [dreg:$0x2]  }
0x4: {  	s2 =	rddreg [dreg:$0x3]  }
0x5: {  	s3 =	rddreg [dreg:$0x4];
	s6 =	srdreg.scid;
	s5 =	simm.s32 $0x0  }
0x6: {  	s13 =	stileid.u32;
	s17 =	simm.s32 $0x1;
	s19 =	simm.s32 $0x2CA0  }
0x7: {  	s20 =	simm.s32 $0x400;
	s21 =	simm.s32 $0x810;
	s22 =	simm.s32 $0x80  }
0x8: {  	s7 =	sand.u32 $0x1, s6;
	[smem:$0x7FF] =	sst s5;
	s23 =	sshll.u32 s13, $0xD  }
0x9: {  	s6 =	sadd.s32 $0x20600, s4;
	s24 =	sshll.u32 s13, $0xA;
	s11 =	sshll.u32 s13, $0x7  }
0xa: {  	s25 =	sshll.u32 s13, $0x6;
	s26 =	sshll.u32 s13, $0x10;
	s30 =	sadd.s32 $0xC3000, s1  }
0xb: {  	s8 =	ssub.s32 $0x2, s7;
	_ =	strace $0x80000047;
	s10 =	sadd.s32 s23, s4  }
0xc: {  	s7 =	sshll.u32 s7, $0x4;
	s12 =	sadd.s32 s24, s2;
	s0 =	sadd.s32 s0, s11  }
0xd: {  	s28 =	sadd.s32 s26, s3;
	[dreg:$0xa] =	wrdreg s30;
	s4 =	sadd.s32 $0xE3600, s4  }
0xe: {  	s23 =	simm.s32 $0xC20;
	s24 =	simm.s32 $0xCA0;
	s9 =	sshrl.u32 s8, $0x1  }
0xf: {  	s7 =	sor.u32 s13, s7;
	[dreg:$0x6] =	wrdreg s0;
	s13 =	sshll.u32 s13, $0x8  }
0x10: {  	s10 =	sadd.s32 $0x600, s10;
	[dreg:$0xb] =	wrdreg s4;
	s16 =	sshrl.u32 s12, $0x3  }
0x11: {  	s18 =	sshrl.u32 s28, $0x3;
	s9 =	ssub.s32 s8, s9;
	s8 =	sor.u32 $0x1C01, s25  }
.Ltmp0:
0x12: {  	s29 =	sor.u32 $0x18000, s13;
	[dreg:$0x7] =	wrdreg s10;
	(pc) =	sbr.rel .LBB2_1-.Ltmp0, $4  }
0x13: {  	s10 =	sshll.u32 s7, $0x8;
	s14 =	sshll.u32 s29, $0x3;
	s31 =	smax.u32 s9, $0x1  }
0x14: {  	s13 =	sadd.s32 $0x18100, s13;
	s15 =	sadd.s32 s1, s14;
	[dreg:$0xc] =	wrdreg s31  }
0x15: {  	v2 =	vimm.s32 $0x0;
	p0 =	sgt.u32 s7, $0x5;
	s14 =	sadd.s32 s6, s14;
	[dreg:$0x8] =	wrdreg s15  }
0x16: {  	v3 =	vlaneseq.u32;
	p1 =	sne.s32 s7, $0x6;
	s25 =	simm.s32 $0x0;
	v0 =	vmov s29;
	v1 =	vmov s13;
	[dreg:$0x9] =	wrdreg s14  }
.LBB2_39:
0x17: {  	s0 =	rddreg [dreg:$0xb]  }
0x18: {  	[hbm4b:s0+s5] =	stream.linear.scatter [tilespmem:s19], [sflag:$0x1], $0x2800, $0x38;
	[tilespmem:$0x170A0] =	vst v63  }
0x19: {  	_ =	swait.ge [sflag:s17], $0x2800  }
0x1a: {  	[sflag:s17] =	ssyncset.done $0x0  }
0x1b: {  	[sflag:s17] =	ssyncadd.s32 $0xFFFFD800  }
.LBB2_40:
0x1c: {  	s25 =	sadd.s32 $0x1, s25;
	s0 =	rddreg [dreg:$0xc]  }
0x1d: {  	p2 =	sne.s32 s25, s0  }
.Ltmp1:
0x1e: {  	_ = 	snop;
	(pc) =	sbr.rel @!p2 .LBB2_41-.Ltmp1, $1  }
0x1f: {  	_ =	sdelay $0x3  }
.LBB2_1:
0x20: {  	s0 =	rddreg [dreg:$0x6]  }
0x21: {  	[spmem:s16], [sflag:s8] =	dma.local [hbm:s0], $0x80  }
0x22: {  	_ =	swait.ge [sflag:s17], $0x80  }
0x23: {  	[sflag:s17] =	ssyncset.done $0x0  }
0x24: {  	s31 =	rddreg [dreg:$0x7];
	[sflag:s17] =	ssyncadd.s32 $0xFFFFFF80  }
0x25: {  	[spmem:s18], [sflag:s8] =	dma.local [hbm:s31], $0x2000  }
.Ltmp2:
0x26: {  	_ =	swait.ge [sflag:s17], $0x2000;
	(pc) =	sbr.rel .LBB2_2-.Ltmp2, $4  }
0x27: {  	[sflag:s17] =	ssyncset.done $0x0  }
0x28: {  	[sflag:s17] =	ssyncadd.s32 $0xFFFFE000  }
0x29: {  	[bflag:$0x0] =	sbarrier.arrive $0xFFFF  }
0x2a: {  	s26 =	simm.s32 $0x0  }
.LBB2_13:
0x2b: {  	s26 =	sadd.s32 $0x1, s26  }
0x2c: {  	p2 =	sne.s32 s26, $0xC  }
.Ltmp3:
0x2d: {  	s0 =	sadd.s32 s6, s28;
	(pc) =	sbr.rel @!p2 .LBB2_14-.Ltmp3, $4  }
0x2e: {  	[hbm4b:s0+s5] =	stream.linear.scatter [tilespmem:s19], [sflag:$0x1], $0x4000, $0x38;
	[tilespmem:$0x170A0] =	vst v63  }
0x2f: {  	_ =	swait.ge [sflag:s17], $0x4000  }
0x30: {  	[sflag:s17] =	ssyncset.done $0x0  }
0x31: {  	[sflag:s17] =	ssyncadd.s32 $0xFFFFC000  }
.LBB2_2:
0x32: {  	s0 =	sshll.u32 s26, $0xD  }
0x33: {  	s0 =	sor.u32 s10, s0  }
0x34: {  	s28 =	sshll.u32 s0, $0x3  }
.Ltmp4:
0x35: {  	s29 =	simm.s32 $0x0;
	s4 =	sadd.s32 s1, s28;
	(pc) =	sbr.rel .LBB2_3-.Ltmp4, $4  }
0x36: {  	[tilespmem:s19], [sflag:$0x1] =	stream.linear.gather [hbm4b:s4+s29], $0x4000, $0x38;
	[tilespmem:$0x170A0] =	vst v63  }
0x37: {  	_ =	swait.ge [sflag:s17], $0x4000  }
0x38: {  	s15 =	sadd.s32 $0x100, s0;
	[sflag:s17] =	ssyncset.done $0x0  }
0x39: {  	s30 =	simm.s32 $0x0;
	s31 =	simm.s32 $0x0;
	v4 =	vmov s0;
	v5 =	vmov s15;
	[sflag:s17] =	ssyncadd.s32 $0xFFFFC000  }
.LBB2_12:
0x3a: {  	s31 =	sadd.s32 $0x1, s31  }
0x3b: {  	p2 =	sne.s32 s31, $0x10  }
.Ltmp5:
0x3c: {  	_ = 	snop;
	(pc) =	sbr.rel @!p2 .LBB2_13-.Ltmp5, $2  }
0x3d: {  	_ =	sdelay $0x2  }
0x3e: {  	s30 =	sadd.s32 $0x400, s30  }
.LBB2_3:
0x3f: {  	s0 =	sshll.u32 s31, $0xA  }
0x40: {  	s0 =	sadd.s32 s0, s2  }
0x41: {  	[tilespmem:s29], [sflag:$0x1] =	stream.linear.gather [spmem:s0], $0x400, $0x38;
	[tilespmem:$0x170A0] =	vst v63  }
0x42: {  	_ =	swait.ge [sflag:s17], $0x400  }
0x43: {  	[sflag:s17] =	ssyncset.done $0x0  }
0x44: {  	s13 =	simm.s32 $0x0;
	[sflag:s17] =	ssyncadd.s32 $0xFFFFFC00  }
0x45: {  	v6 =	vld [tilespmem:s13+$0x0];
	_ =	sdelay $0x4  }
0x46: {  	vm0 =	vge.s32 v6, v4;
	vm1 =	vlt.s32 v6, v5  }
0x47: {  	vm0 =	vmand vm0, vm1  }
0x48: {  	v7 =	vsel vm0, $0x1, v2  }
0x49: {  	(xrf0) =	vadd.scan.msk.s32 $0xffff, v7;
	_ =	sdelay $0x5  }
0x4a: {  	v8, _, _ =	vpop (xrf0)  }
0x4b: {  	v7 =	vsub.s32 v8, v7  }
0x4c: {  	v7 =	vadd.s32 s29, v7;
	_ =	sdelay $0x3  }
0x4d: {  	(v2sf) =	vpush v8, $0xF;
	v8 =	vor.u32 s30, v3  }
0x4e: {  	v6 =	vsub.s32 v6, v4;
	[tilespmem:v7+s20+$0x0] =	vst.idx.msk vm0, v8  }
0x4f: {  	s14 =	simm.s32 $0x10;
	[tilespmem:v7+s21+$0x0] =	vst.idx.msk vm0, v6  }
0x50: {  	v6 =	vld [tilespmem:s14+$0x0];
	_ =	sdelay $0x4  }
0x51: {  	vm0 =	vge.s32 v6, v4;
	vm1 =	vlt.s32 v6, v5  }
0x52: {  	vm0 =	vmand vm0, vm1  }
0x53: {  	v7 =	vsel vm0, $0x1, v2  }
0x54: {  	(xrf0) =	vadd.scan.msk.s32 $0xffff, v7;
	_ =	sdelay $0x3  }
0x55: {  	s4 =	simm.s32 $0x80;
	s15 =	spop (v2sf)  }
0x56: {  	s9 =	simm.s32 $0xC0;
	s7 =	smov.u32 s30;
	s0 =	sadd.s32 $0x0, s15  }
.LBB2_4:
0x57: {  	p2 =	sne.s32 s9, $0xFC0;
	v8, _, _ =	vpop (xrf0)  }
0x58: {  	v7 =	vsub.s32 v8, v7;
	(v2sf) =	vpush v8, $0xF  }
0x59: {  	v7 =	vadd.s32 s0, v7;
	_ =	sdelay $0x2  }
0x5a: {  	s7 =	sadd.s32 $0x10, s7  }
0x5b: {  	v8 =	vor.u32 s7, v3  }
0x5c: {  	v6 =	vsub.s32 v6, v4;
	[tilespmem:v7+s20+$0x0] =	vst.idx.msk vm0, v8  }
0x5d: {  	s11 =	sshra.s32 s4, $0x2;
	s4 =	smov.u32 s9;
	[tilespmem:v7+s21+$0x0] =	vst.idx.msk vm0, v6  }
0x5e: {  	v6 =	vld [tilespmem:s11+$0x0];
	_ =	sdelay $0x4  }
0x5f: {  	vm0 =	vge.s32 v6, v4;
	vm1 =	vlt.s32 v6, v5  }
0x60: {  	vm0 =	vmand vm0, vm1  }
0x61: {  	v7 =	vsel vm0, $0x1, v2;
	s11 =	spop (v2sf)  }
0x62: {  	(xrf0) =	vadd.scan.msk.s32 $0xffff, v7;
	s0 =	sadd.s32 s0, s11  }
.Ltmp6:
0x63: {  	(pc) =	sbr.rel @p2 .LBB2_4-.Ltmp6, $2  }
0x64: {  	_ =	sdelay $0x2  }
0x65: {  	s9 =	sadd.s32 $0x40, s9  }
0x66: {  	v8, _, _ =	vpop (xrf0)  }
0x67: {  	v7 =	vsub.s32 v8, v7  }
0x68: {  	v7 =	vadd.s32 s0, v7;
	_ =	sdelay $0x2  }
0x69: {  	s7 =	sadd.s32 $0x10, s7  }
0x6a: {  	v9 =	vor.u32 s7, v3  }
0x6b: {  	v6 =	vsub.s32 v6, v4;
	[tilespmem:v7+s20+$0x0] =	vst.idx.msk vm0, v9  }
0x6c: {  	s4 =	sshra.s32 s4, $0x2;
	[tilespmem:v7+s21+$0x0] =	vst.idx.msk vm0, v6  }
0x6d: {  	v6 =	vld [tilespmem:s4+$0x0];
	_ =	sdelay $0x4  }
0x6e: {  	vm15 =	vge.s32 v6, v4;
	vm1 =	vlt.s32 v6, v5  }
0x6f: {  	vm0 =	vmand vm15, vm1  }
0x70: {  	v7 =	vsel vm0, $0x1, v2  }
0x71: {  	(xrf0) =	vadd.scan.msk.s32 $0xffff, v7;
	_ =	sdelay $0x5  }
0x72: {  	(v2sf) =	vpush v8, $0xF;
	v62, _, _ =	vpop (xrf0)  }
0x73: {  	(v2sf) =	vpush v62, $0xF;
	_ =	sdelay $0xd  }
0x74: {  	s11 =	spop (v2sf)  }
0x75: {  	s12 =	sadd.s32 s0, s11;
	s14 =	spop (v2sf)  }
0x76: {  	s13 =	sadd.s32 s12, s14  }
0x77: {  	s4 =	sadd.s32 $0x7F, s13  }
0x78: {  	s9 =	sand.u32 $0x7F, s4  }
0x79: {  	s15 =	sshra.s32 s4, $0x1F;
	p3 =	slt.s32 s4, $0x1;
	p2 =	sne.s32 s9, $0x0  }
0x7a: {  	s0 =	sshrl.u32 s15, $0x19;
	p2 =	por !p3, !p2  }
0x7b: {  	s0 =	sadd.s32 s0, s4;
	s4 =	simm.s32 $0x1;
	p2 =	por !p2, !p2  }
0x7c: {  	v7 =	vsub.s32 v62, v7;
	s0 =	sshra.s32 s0, $0x7;
	s4 =	simm.s32 @!p2 $0x0  }
0x7d: {  	v7 =	vadd.s32 s12, v7;
	s4 =	ssub.s32 s0, s4  }
0x7e: {  	p2 =	slt.s32 s4, $0x1  }
.Ltmp7:
0x7f: {  	_ = 	snop;
	(pc) =	sbr.rel @p2 .LBB2_12-.Ltmp7, $4  }
0x80: {  	s7 =	sadd.s32 $0x10, s7  }
0x81: {  	v63 =	vor.u32 s7, v3  }
0x82: {  	v6 =	vsub.s32 v6, v4;
	[tilespmem:v7+s20+$0x0] =	vst.idx.msk vm0, v63  }
0x83: {  	[tilespmem:v7+s21+$0x0] =	vst.idx.msk vm0, v6  }
.Ltmp8:
0x84: {  	(pc) =	sbr.rel .LBB2_7-.Ltmp8, $2  }
0x85: {  	_ =	sdelay $0x2  }
0x86: {  	v6 =	vmov s13;
	s11 =	simm.s32 $0x0;
	s9 =	simm.s32 $0x810;
	s0 =	smov.u32 s13  }
.LBB2_10:
0x87: {  	[tilespmem:s15+$0x2CD0] =	vst v7  }
.LBB2_11:
0x88: {  	s11 =	sadd.s32 $0x1, s11  }
0x89: {  	p2 =	sne.s32 s11, s4  }
.Ltmp9:
0x8a: {  	_ = 	snop;
	(pc) =	sbr.rel @!p2 .LBB2_12-.Ltmp9, $2  }
0x8b: {  	_ =	sdelay $0x2  }
0x8c: {  	s0 =	sadd.s32 $0xFFFFFF80, s0;
	s9 =	sadd.s32 $0x80, s9  }
.LBB2_7:
0x8d: {  	s7 =	sshll.u32 s11, $0x7  }
0x8e: {  	v7 =	vld [tilespmem:s7+$0x400];
	_ =	sdelay $0x2  }
0x8f: {  	v8 =	vor.u32 s7, v3  }
0x90: {  	vm0 =	vlt.s32 v8, v6  }
0x91: {  	v7 =	vnsel vm0, $0x0, v7  }
0x92: {  	[tilespmem:$0xC20] =	vst v7  }
0x93: {  	v7 =	vld [tilespmem:s7+$0x410];
	_ =	sdelay $0x1  }
0x94: {  	s12 =	sor.u32 $0x10, s7  }
0x95: {  	v8 =	vor.u32 s12, v3  }
0x96: {  	vm9 =	vlt.s32 v8, v6  }
0x97: {  	v7 =	vnsel vm9, $0x0, v7  }
0x98: {  	[tilespmem:$0xC30] =	vst v7  }
0x99: {  	v7 =	vld [tilespmem:s7+$0x420];
	_ =	sdelay $0x1  }
0x9a: {  	s14 =	sor.u32 $0x20, s7  }
0x9b: {  	v8 =	vor.u32 s14, v3  }
0x9c: {  	vm10 =	vlt.s32 v8, v6  }
0x9d: {  	v7 =	vnsel vm10, $0x0, v7  }
0x9e: {  	[tilespmem:$0xC40] =	vst v7  }
0x9f: {  	v7 =	vld [tilespmem:s7+$0x430];
	_ =	sdelay $0x1  }
0xa0: {  	s15 =	sor.u32 $0x30, s7  }
0xa1: {  	v8 =	vor.u32 s15, v3  }
0xa2: {  	vm11 =	vlt.s32 v8, v6  }
0xa3: {  	v7 =	vnsel vm11, $0x0, v7  }
0xa4: {  	[tilespmem:$0xC50] =	vst v7  }
0xa5: {  	v7 =	vld [tilespmem:s7+$0x440];
	_ =	sdelay $0x1  }
0xa6: {  	s14 =	sor.u32 $0x40, s7  }
0xa7: {  	v8 =	vor.u32 s14, v3  }
0xa8: {  	vm12 =	vlt.s32 v8, v6  }
0xa9: {  	v7 =	vnsel vm12, $0x0, v7  }
0xaa: {  	[tilespmem:$0xC60] =	vst v7  }
0xab: {  	v7 =	vld [tilespmem:s7+$0x450];
	_ =	sdelay $0x1  }
0xac: {  	s15 =	sor.u32 $0x50, s7  }
0xad: {  	v8 =	vor.u32 s15, v3  }
0xae: {  	vm13 =	vlt.s32 v8, v6  }
0xaf: {  	v7 =	vnsel vm13, $0x0, v7  }
0xb0: {  	[tilespmem:$0xC70] =	vst v7  }
0xb1: {  	v7 =	vld [tilespmem:s7+$0x460];
	_ =	sdelay $0x1  }
0xb2: {  	s14 =	sor.u32 $0x60, s7  }
0xb3: {  	v8 =	vor.u32 s14, v3  }
0xb4: {  	vm14 =	vlt.s32 v8, v6  }
0xb5: {  	v7 =	vnsel vm14, $0x0, v7  }
0xb6: {  	[tilespmem:$0xC80] =	vst v7  }
0xb7: {  	v7 =	vld [tilespmem:s7+$0x470];
	_ =	sdelay $0x1  }
0xb8: {  	s15 =	sor.u32 $0x70, s7  }
0xb9: {  	v8 =	vor.u32 s15, v3  }
0xba: {  	vm15 =	vlt.s32 v8, v6;
	s7 =	ssub.s32 s13, s7  }
0xbb: {  	p2 =	slt.s32 s7, $0x1;
	v7 =	vnsel vm15, $0x0, v7  }
.Ltmp10:
0xbc: {  	[tilespmem:$0xC90] =	vst v7;
	(pc) =	sbr.rel @p2 .LBB2_11-.Ltmp10, $4  }
0xbd: {  	[tilespmem:s24], [sflag:$0x1] =	stream.indirect.gather [spmem:s3], $0x40, s23, s22, $0xb8;
	[tilespmem:$0x170A0] =	vst v63  }
0xbe: {  	_ =	swait.ge [sflag:s17], $0x2000  }
0xbf: {  	[sflag:s17] =	ssyncset.done $0x0  }
0xc0: {  	[sflag:s17] =	ssyncadd.s32 $0xFFFFE000  }
0xc1: {  	v7 =	vld [tilespmem:s9+$0x0];
	_ =	sdelay $0x4  }
0xc2: {  	(v2sf) =	vpush v7, $0x0;
	_ =	sdelay $0xe  }
0xc3: {  	s7 =	spop (v2sf)  }
0xc4: {  	s14 =	simm.s32 $0xCC0;
	s7 =	sshll.u32 s7, $0x8  }
0xc5: {  	v7 =	vld [tilespmem:s14+$0xFFFFFFE0];
	s15 =	sshra.s32 s7, $0x2  }
0xc6: {  	v8 =	vld [tilespmem:s15+$0x2CA0];
	_ =	sdelay $0x4  }
0xc7: {  	v7 =	vadd.f32 v7, v8;
	_ =	sdelay $0x1  }
0xc8: {  	[tilespmem:s15+$0x2CA0] =	vst v7;
	v7 =	vld [tilespmem:s15+$0x2CB0]  }
0xc9: {  	v8 =	vld [tilespmem:s14+$0xFFFFFFF0];
	_ =	sdelay $0x4  }
0xca: {  	v7 =	vadd.f32 v8, v7;
	_ =	sdelay $0x1  }
0xcb: {  	[tilespmem:s15+$0x2CB0] =	vst v7;
	v7 =	vld [tilespmem:s15+$0x2CC0]  }
0xcc: {  	v8 =	vld [tilespmem:s14+$0x0];
	_ =	sdelay $0x4  }
0xcd: {  	v7 =	vadd.f32 v8, v7  }
0xce: {  	p2 =	sgt.s32 s0, $0x1;
	s7 =	smov.u32 s0  }
0xcf: {  	s7 =	simm.s32 @!p2 $0x1;
	[tilespmem:s15+$0x2CC0] =	vst v7;
	v7 =	vld [tilespmem:s15+$0x2CD0]  }
0xd0: {  	s7 =	smin.u32 s7, $0x80;
	v8 =	vld [tilespmem:s14+$0x10]  }
0xd1: {  	p2 =	sne.s32 s7, $0x1  }
.Ltmp11:
0xd2: {  	_ = 	snop;
	(pc) =	sbr.rel @!p2 .LBB2_10-.Ltmp11, $3  }
0xd3: {  	_ =	sdelay $0x1  }
0xd4: {  	v7 =	vadd.f32 v8, v7  }
0xd5: {  	s12 =	smov.u32 s9;
	s7 =	sadd.s32 $0xFFFFFFFF, s7  }
.LBB2_9:
0xd6: {  	p2 =	sne.s32 s7, $0x1;
	[tilespmem:s15+$0x2CD0] =	vst v7;
	s12 =	sadd.s32 $0x1, s12;
	s14 =	sadd.s32 $0x40, s14  }
0xd7: {  	s7 =	sadd.s32 $0xFFFFFFFF, s7;
	v7 =	vld [tilespmem:s12+$0x0];
	_ =	sdelay $0x4  }
0xd8: {  	(v2sf) =	vpush v7, $0x0;
	_ =	sdelay $0xe  }
0xd9: {  	s15 =	spop (v2sf)  }
0xda: {  	s15 =	sshll.u32 s15, $0x8  }
0xdb: {  	s15 =	sshra.s32 s15, $0x2;
	v7 =	vld [tilespmem:s14+$0xFFFFFFE0]  }
0xdc: {  	v8 =	vld [tilespmem:s15+$0x2CA0];
	_ =	sdelay $0x4  }
0xdd: {  	v7 =	vadd.f32 v7, v8;
	_ =	sdelay $0x1  }
0xde: {  	[tilespmem:s15+$0x2CA0] =	vst v7;
	v7 =	vld [tilespmem:s15+$0x2CB0]  }
0xdf: {  	v8 =	vld [tilespmem:s14+$0xFFFFFFF0];
	_ =	sdelay $0x4  }
0xe0: {  	v7 =	vadd.f32 v8, v7;
	_ =	sdelay $0x1  }
0xe1: {  	[tilespmem:s15+$0x2CB0] =	vst v7;
	v7 =	vld [tilespmem:s15+$0x2CC0]  }
0xe2: {  	v8 =	vld [tilespmem:s14+$0x0];
	_ =	sdelay $0x4  }
0xe3: {  	v7 =	vadd.f32 v8, v7;
	_ =	sdelay $0x1  }
0xe4: {  	[tilespmem:s15+$0x2CC0] =	vst v7;
	v7 =	vld [tilespmem:s15+$0x2CD0]  }
0xe5: {  	v8 =	vld [tilespmem:s14+$0x10]  }
.Ltmp12:
0xe6: {  	(pc) =	sbr.rel @p2 .LBB2_9-.Ltmp12, $2  }
0xe7: {  	_ =	sdelay $0x2  }
0xe8: {  	v7 =	vadd.f32 v8, v7  }
.Ltmp13:
0xe9: {  	_ = 	snop;
	(pc) =	sbr.rel .LBB2_10-.Ltmp13, $1  }
0xea: {  	_ =	sdelay $0x3  }
.LBB2_14:
.Ltmp14:
0xeb: {  	(pc) =	sbr.rel @p0 .LBB2_27-.Ltmp14, $1  }
0xec: {  	_ =	sdelay $0x3  }
.Ltmp15:
0xed: {  	s26 =	simm.s32 $0x0;
	s0 =	rddreg [dreg:$0x8];
	(pc) =	sbr.rel .LBB2_16-.Ltmp15, $4  }
0xee: {  	[tilespmem:s19], [sflag:$0x1] =	stream.linear.gather [hbm4b:s0+s26], $0x4000, $0x38;
	[tilespmem:$0x170A0] =	vst v63  }
0xef: {  	_ =	swait.ge [sflag:s17], $0x4000  }
0xf0: {  	[sflag:s17] =	ssyncset.done $0x0  }
0xf1: {  	s28 =	simm.s32 $0x0;
	s29 =	simm.s32 $0x0;
	[sflag:s17] =	ssyncadd.s32 $0xFFFFC000  }
.LBB2_25:
0xf2: {  	s29 =	sadd.s32 $0x1, s29  }
0xf3: {  	p2 =	sne.s32 s29, $0x10  }
.Ltmp16:
0xf4: {  	_ = 	snop;
	(pc) =	sbr.rel @!p2 .LBB2_26-.Ltmp16, $2  }
0xf5: {  	_ =	sdelay $0x2  }
0xf6: {  	s28 =	sadd.s32 $0x400, s28  }
.LBB2_16:
0xf7: {  	s0 =	sshll.u32 s29, $0xA  }
0xf8: {  	s0 =	sadd.s32 s0, s2  }
0xf9: {  	[tilespmem:s26], [sflag:$0x1] =	stream.linear.gather [spmem:s0], $0x400, $0x38;
	[tilespmem:$0x170A0] =	vst v63  }
0xfa: {  	_ =	swait.ge [sflag:s17], $0x400  }
0xfb: {  	[sflag:s17] =	ssyncset.done $0x0  }
0xfc: {  	s15 =	simm.s32 $0x0;
	[sflag:s17] =	ssyncadd.s32 $0xFFFFFC00  }
0xfd: {  	v4 =	vld [tilespmem:s15+$0x0];
	_ =	sdelay $0x4  }
0xfe: {  	vm0 =	vge.s32 v4, v0;
	vm1 =	vlt.s32 v4, v1  }
0xff: {  	vm0 =	vmand vm0, vm1  }
0x100: {  	v5 =	vsel vm0, $0x1, v2  }
0x101: {  	(xrf0) =	vadd.scan.msk.s32 $0xffff, v5;
	_ =	sdelay $0x5  }
0x102: {  	v6, _, _ =	vpop (xrf0)  }
0x103: {  	v5 =	vsub.s32 v6, v5  }
0x104: {  	v5 =	vadd.s32 s26, v5;
	_ =	sdelay $0x3  }
0x105: {  	(v2sf) =	vpush v6, $0xF;
	v6 =	vor.u32 s28, v3  }
0x106: {  	v4 =	vsub.s32 v4, v0;
	[tilespmem:v5+s20+$0x0] =	vst.idx.msk vm0, v6  }
0x107: {  	s30 =	simm.s32 $0x10;
	[tilespmem:v5+s21+$0x0] =	vst.idx.msk vm0, v4  }
0x108: {  	v4 =	vld [tilespmem:s30+$0x0];
	_ =	sdelay $0x4  }
0x109: {  	vm0 =	vge.s32 v4, v0;
	vm1 =	vlt.s32 v4, v1  }
0x10a: {  	vm0 =	vmand vm0, vm1  }
0x10b: {  	v5 =	vsel vm0, $0x1, v2  }
0x10c: {  	(xrf0) =	vadd.scan.msk.s32 $0xffff, v5;
	_ =	sdelay $0x3  }
0x10d: {  	s4 =	simm.s32 $0x80;
	s31 =	spop (v2sf)  }
0x10e: {  	s9 =	simm.s32 $0xC0;
	s7 =	smov.u32 s28;
	s0 =	sadd.s32 $0x0, s31  }
.LBB2_17:
0x10f: {  	p2 =	sne.s32 s9, $0xFC0;
	v6, _, _ =	vpop (xrf0)  }
0x110: {  	v5 =	vsub.s32 v6, v5;
	(v2sf) =	vpush v6, $0xF  }
0x111: {  	v5 =	vadd.s32 s0, v5;
	_ =	sdelay $0x2  }
0x112: {  	s7 =	sadd.s32 $0x10, s7  }
0x113: {  	v6 =	vor.u32 s7, v3  }
0x114: {  	v4 =	vsub.s32 v4, v0;
	[tilespmem:v5+s20+$0x0] =	vst.idx.msk vm0, v6  }
0x115: {  	s11 =	sshra.s32 s4, $0x2;
	s4 =	smov.u32 s9;
	[tilespmem:v5+s21+$0x0] =	vst.idx.msk vm0, v4  }
0x116: {  	v4 =	vld [tilespmem:s11+$0x0];
	_ =	sdelay $0x4  }
0x117: {  	vm0 =	vge.s32 v4, v0;
	vm1 =	vlt.s32 v4, v1  }
0x118: {  	vm0 =	vmand vm0, vm1  }
0x119: {  	v5 =	vsel vm0, $0x1, v2;
	s11 =	spop (v2sf)  }
0x11a: {  	(xrf0) =	vadd.scan.msk.s32 $0xffff, v5;
	s0 =	sadd.s32 s0, s11  }
.Ltmp17:
0x11b: {  	(pc) =	sbr.rel @p2 .LBB2_17-.Ltmp17, $2  }
0x11c: {  	_ =	sdelay $0x2  }
0x11d: {  	s9 =	sadd.s32 $0x40, s9  }
0x11e: {  	v6, _, _ =	vpop (xrf0)  }
0x11f: {  	v5 =	vsub.s32 v6, v5  }
0x120: {  	v5 =	vadd.s32 s0, v5;
	_ =	sdelay $0x2  }
0x121: {  	s7 =	sadd.s32 $0x10, s7  }
0x122: {  	v7 =	vor.u32 s7, v3  }
0x123: {  	v4 =	vsub.s32 v4, v0;
	[tilespmem:v5+s20+$0x0] =	vst.idx.msk vm0, v7  }
0x124: {  	s4 =	sshra.s32 s4, $0x2;
	[tilespmem:v5+s21+$0x0] =	vst.idx.msk vm0, v4  }
0x125: {  	v4 =	vld [tilespmem:s4+$0x0];
	_ =	sdelay $0x4  }
0x126: {  	vm15 =	vge.s32 v4, v0;
	vm1 =	vlt.s32 v4, v1  }
0x127: {  	vm0 =	vmand vm15, vm1  }
0x128: {  	v5 =	vsel vm0, $0x1, v2  }
0x129: {  	(xrf0) =	vadd.scan.msk.s32 $0xffff, v5;
	_ =	sdelay $0x5  }
0x12a: {  	(v2sf) =	vpush v6, $0xF;
	v62, _, _ =	vpop (xrf0)  }
0x12b: {  	(v2sf) =	vpush v62, $0xF;
	_ =	sdelay $0xd  }
0x12c: {  	s15 =	spop (v2sf)  }
0x12d: {  	s4 =	sadd.s32 s0, s15;
	s30 =	spop (v2sf)  }
0x12e: {  	s0 =	sadd.s32 s4, s30  }
0x12f: {  	s9 =	sadd.s32 $0x7F, s0  }
0x130: {  	s11 =	sand.u32 $0x7F, s9  }
0x131: {  	v5 =	vsub.s32 v62, v5;
	s31 =	sshra.s32 s9, $0x1F;
	p3 =	slt.s32 s9, $0x1;
	p2 =	sne.s32 s11, $0x0  }
0x132: {  	v5 =	vadd.s32 s4, v5;
	s4 =	sshrl.u32 s31, $0x19;
	p2 =	por !p3, !p2  }
0x133: {  	s4 =	sadd.s32 s4, s9;
	s9 =	simm.s32 $0x1;
	p2 =	por !p2, !p2  }
0x134: {  	s4 =	sshra.s32 s4, $0x7;
	s9 =	simm.s32 @!p2 $0x0  }
0x135: {  	s4 =	ssub.s32 s4, s9  }
0x136: {  	p2 =	slt.s32 s4, $0x1  }
.Ltmp18:
0x137: {  	_ = 	snop;
	(pc) =	sbr.rel @p2 .LBB2_25-.Ltmp18, $4  }
0x138: {  	s7 =	sadd.s32 $0x10, s7  }
0x139: {  	v63 =	vor.u32 s7, v3  }
0x13a: {  	v4 =	vsub.s32 v4, v0;
	[tilespmem:v5+s20+$0x0] =	vst.idx.msk vm0, v63  }
0x13b: {  	[tilespmem:v5+s21+$0x0] =	vst.idx.msk vm0, v4  }
.Ltmp19:
0x13c: {  	(pc) =	sbr.rel .LBB2_20-.Ltmp19, $2  }
0x13d: {  	_ =	sdelay $0x2  }
0x13e: {  	v4 =	vmov s0;
	s11 =	simm.s32 $0x0;
	s12 =	simm.s32 $0x810;
	s13 =	smov.u32 s0  }
.LBB2_23:
0x13f: {  	[tilespmem:s15+$0x2CD0] =	vst v5  }
.LBB2_24:
0x140: {  	s11 =	sadd.s32 $0x1, s11  }
0x141: {  	p2 =	sne.s32 s11, s4  }
.Ltmp20:
0x142: {  	_ = 	snop;
	(pc) =	sbr.rel @!p2 .LBB2_25-.Ltmp20, $2  }
0x143: {  	_ =	sdelay $0x2  }
0x144: {  	s13 =	sadd.s32 $0xFFFFFF80, s13;
	s12 =	sadd.s32 $0x80, s12  }
.LBB2_20:
0x145: {  	s7 =	sshll.u32 s11, $0x7  }
0x146: {  	v5 =	vld [tilespmem:s7+$0x400];
	_ =	sdelay $0x2  }
0x147: {  	v6 =	vor.u32 s7, v3  }
0x148: {  	vm0 =	vlt.s32 v6, v4  }
0x149: {  	v5 =	vnsel vm0, $0x0, v5  }
0x14a: {  	[tilespmem:$0xC20] =	vst v5  }
0x14b: {  	v5 =	vld [tilespmem:s7+$0x410];
	_ =	sdelay $0x1  }
0x14c: {  	s9 =	sor.u32 $0x10, s7  }
0x14d: {  	v6 =	vor.u32 s9, v3  }
0x14e: {  	vm9 =	vlt.s32 v6, v4  }
0x14f: {  	v5 =	vnsel vm9, $0x0, v5  }
0x150: {  	[tilespmem:$0xC30] =	vst v5  }
0x151: {  	v5 =	vld [tilespmem:s7+$0x420];
	_ =	sdelay $0x1  }
0x152: {  	s30 =	sor.u32 $0x20, s7  }
0x153: {  	v6 =	vor.u32 s30, v3  }
0x154: {  	vm10 =	vlt.s32 v6, v4  }
0x155: {  	v5 =	vnsel vm10, $0x0, v5  }
0x156: {  	[tilespmem:$0xC40] =	vst v5  }
0x157: {  	v5 =	vld [tilespmem:s7+$0x430];
	_ =	sdelay $0x1  }
0x158: {  	s31 =	sor.u32 $0x30, s7  }
0x159: {  	v6 =	vor.u32 s31, v3  }
0x15a: {  	vm11 =	vlt.s32 v6, v4  }
0x15b: {  	v5 =	vnsel vm11, $0x0, v5  }
0x15c: {  	[tilespmem:$0xC50] =	vst v5  }
0x15d: {  	v5 =	vld [tilespmem:s7+$0x440];
	_ =	sdelay $0x1  }
0x15e: {  	s14 =	sor.u32 $0x40, s7  }
0x15f: {  	v6 =	vor.u32 s14, v3  }
0x160: {  	vm12 =	vlt.s32 v6, v4  }
0x161: {  	v5 =	vnsel vm12, $0x0, v5  }
0x162: {  	[tilespmem:$0xC60] =	vst v5  }
0x163: {  	v5 =	vld [tilespmem:s7+$0x450];
	_ =	sdelay $0x1  }
0x164: {  	s15 =	sor.u32 $0x50, s7  }
0x165: {  	v6 =	vor.u32 s15, v3  }
0x166: {  	vm13 =	vlt.s32 v6, v4  }
0x167: {  	v5 =	vnsel vm13, $0x0, v5  }
0x168: {  	[tilespmem:$0xC70] =	vst v5  }
0x169: {  	v5 =	vld [tilespmem:s7+$0x460];
	_ =	sdelay $0x1  }
0x16a: {  	s30 =	sor.u32 $0x60, s7  }
0x16b: {  	v6 =	vor.u32 s30, v3  }
0x16c: {  	vm14 =	vlt.s32 v6, v4  }
0x16d: {  	v5 =	vnsel vm14, $0x0, v5  }
0x16e: {  	[tilespmem:$0xC80] =	vst v5  }
0x16f: {  	v5 =	vld [tilespmem:s7+$0x470];
	_ =	sdelay $0x1  }
0x170: {  	s31 =	sor.u32 $0x70, s7  }
0x171: {  	v6 =	vor.u32 s31, v3  }
0x172: {  	vm15 =	vlt.s32 v6, v4;
	s7 =	ssub.s32 s0, s7  }
0x173: {  	p2 =	slt.s32 s7, $0x1;
	v5 =	vnsel vm15, $0x0, v5  }
.Ltmp21:
0x174: {  	[tilespmem:$0xC90] =	vst v5;
	(pc) =	sbr.rel @p2 .LBB2_24-.Ltmp21, $4  }
0x175: {  	[tilespmem:s24], [sflag:$0x1] =	stream.indirect.gather [spmem:s3], $0x40, s23, s22, $0xb8;
	[tilespmem:$0x170A0] =	vst v63  }
0x176: {  	_ =	swait.ge [sflag:s17], $0x2000  }
0x177: {  	[sflag:s17] =	ssyncset.done $0x0  }
0x178: {  	[sflag:s17] =	ssyncadd.s32 $0xFFFFE000  }
0x179: {  	v5 =	vld [tilespmem:s12+$0x0];
	_ =	sdelay $0x4  }
0x17a: {  	(v2sf) =	vpush v5, $0x0;
	_ =	sdelay $0xe  }
0x17b: {  	s7 =	spop (v2sf)  }
0x17c: {  	s14 =	simm.s32 $0xCC0;
	s7 =	sshll.u32 s7, $0x8  }
0x17d: {  	v5 =	vld [tilespmem:s14+$0xFFFFFFE0];
	s15 =	sshra.s32 s7, $0x2  }
0x17e: {  	v6 =	vld [tilespmem:s15+$0x2CA0];
	_ =	sdelay $0x4  }
0x17f: {  	v5 =	vadd.f32 v5, v6;
	_ =	sdelay $0x1  }
0x180: {  	[tilespmem:s15+$0x2CA0] =	vst v5;
	v5 =	vld [tilespmem:s15+$0x2CB0]  }
0x181: {  	v6 =	vld [tilespmem:s14+$0xFFFFFFF0];
	_ =	sdelay $0x4  }
0x182: {  	v5 =	vadd.f32 v6, v5;
	_ =	sdelay $0x1  }
0x183: {  	[tilespmem:s15+$0x2CB0] =	vst v5;
	v5 =	vld [tilespmem:s15+$0x2CC0]  }
0x184: {  	v6 =	vld [tilespmem:s14+$0x0];
	_ =	sdelay $0x4  }
0x185: {  	v5 =	vadd.f32 v6, v5  }
0x186: {  	p2 =	sgt.s32 s13, $0x1;
	s7 =	smov.u32 s13  }
0x187: {  	s7 =	simm.s32 @!p2 $0x1;
	[tilespmem:s15+$0x2CC0] =	vst v5;
	v5 =	vld [tilespmem:s15+$0x2CD0]  }
0x188: {  	s7 =	smin.u32 s7, $0x80;
	v6 =	vld [tilespmem:s14+$0x10]  }
0x189: {  	p2 =	sne.s32 s7, $0x1  }
.Ltmp22:
0x18a: {  	_ = 	snop;
	(pc) =	sbr.rel @!p2 .LBB2_23-.Ltmp22, $3  }
0x18b: {  	_ =	sdelay $0x1  }
0x18c: {  	v5 =	vadd.f32 v6, v5  }
0x18d: {  	s9 =	smov.u32 s12;
	s7 =	sadd.s32 $0xFFFFFFFF, s7  }
.LBB2_22:
0x18e: {  	p2 =	sne.s32 s7, $0x1;
	[tilespmem:s15+$0x2CD0] =	vst v5;
	s9 =	sadd.s32 $0x1, s9;
	s14 =	sadd.s32 $0x40, s14  }
0x18f: {  	s7 =	sadd.s32 $0xFFFFFFFF, s7;
	v5 =	vld [tilespmem:s9+$0x0];
	_ =	sdelay $0x4  }
0x190: {  	(v2sf) =	vpush v5, $0x0;
	_ =	sdelay $0xe  }
0x191: {  	s15 =	spop (v2sf)  }
0x192: {  	s15 =	sshll.u32 s15, $0x8  }
0x193: {  	s15 =	sshra.s32 s15, $0x2;
	v5 =	vld [tilespmem:s14+$0xFFFFFFE0]  }
0x194: {  	v6 =	vld [tilespmem:s15+$0x2CA0];
	_ =	sdelay $0x4  }
0x195: {  	v5 =	vadd.f32 v5, v6;
	_ =	sdelay $0x1  }
0x196: {  	[tilespmem:s15+$0x2CA0] =	vst v5;
	v5 =	vld [tilespmem:s15+$0x2CB0]  }
0x197: {  	v6 =	vld [tilespmem:s14+$0xFFFFFFF0];
	_ =	sdelay $0x4  }
0x198: {  	v5 =	vadd.f32 v6, v5;
	_ =	sdelay $0x1  }
0x199: {  	[tilespmem:s15+$0x2CB0] =	vst v5;
	v5 =	vld [tilespmem:s15+$0x2CC0]  }
0x19a: {  	v6 =	vld [tilespmem:s14+$0x0];
	_ =	sdelay $0x4  }
0x19b: {  	v5 =	vadd.f32 v6, v5;
	_ =	sdelay $0x1  }
0x19c: {  	[tilespmem:s15+$0x2CC0] =	vst v5;
	v5 =	vld [tilespmem:s15+$0x2CD0]  }
0x19d: {  	v6 =	vld [tilespmem:s14+$0x10]  }
.Ltmp23:
0x19e: {  	(pc) =	sbr.rel @p2 .LBB2_22-.Ltmp23, $2  }
0x19f: {  	_ =	sdelay $0x2  }
0x1a0: {  	v5 =	vadd.f32 v6, v5  }
.Ltmp24:
0x1a1: {  	_ = 	snop;
	(pc) =	sbr.rel .LBB2_23-.Ltmp24, $1  }
0x1a2: {  	_ =	sdelay $0x3  }
.LBB2_26:
0x1a3: {  	s0 =	rddreg [dreg:$0x9]  }
0x1a4: {  	[hbm4b:s0+s5] =	stream.linear.scatter [tilespmem:s19], [sflag:$0x1], $0x4000, $0x38;
	[tilespmem:$0x170A0] =	vst v63  }
0x1a5: {  	_ =	swait.ge [sflag:s17], $0x4000  }
0x1a6: {  	[sflag:s17] =	ssyncset.done $0x0  }
0x1a7: {  	[sflag:s17] =	ssyncadd.s32 $0xFFFFC000  }
.LBB2_27:
.Ltmp25:
0x1a8: {  	(pc) =	sbr.rel @p1 .LBB2_40-.Ltmp25, $1  }
0x1a9: {  	_ =	sdelay $0x3  }
.Ltmp26:
0x1aa: {  	s26 =	simm.s32 $0x0;
	s0 =	rddreg [dreg:$0xa];
	(pc) =	sbr.rel .LBB2_29-.Ltmp26, $4  }
0x1ab: {  	[tilespmem:s19], [sflag:$0x1] =	stream.linear.gather [hbm4b:s0+s26], $0x2800, $0x38;
	[tilespmem:$0x170A0] =	vst v63  }
0x1ac: {  	_ =	swait.ge [sflag:s17], $0x2800  }
0x1ad: {  	[sflag:s17] =	ssyncset.done $0x0  }
0x1ae: {  	s28 =	simm.s32 $0x0;
	s29 =	simm.s32 $0x0;
	[sflag:s17] =	ssyncadd.s32 $0xFFFFD800  }
.LBB2_38:
0x1af: {  	s29 =	sadd.s32 $0x1, s29  }
0x1b0: {  	p2 =	sne.s32 s29, $0x10  }
.Ltmp27:
0x1b1: {  	_ = 	snop;
	(pc) =	sbr.rel @!p2 .LBB2_39-.Ltmp27, $2  }
0x1b2: {  	_ =	sdelay $0x2  }
0x1b3: {  	s28 =	sadd.s32 $0x400, s28  }
.LBB2_29:
0x1b4: {  	s0 =	sshll.u32 s29, $0xA  }
0x1b5: {  	s0 =	sadd.s32 s0, s2  }
0x1b6: {  	[tilespmem:s26], [sflag:$0x1] =	stream.linear.gather [spmem:s0], $0x400, $0x38;
	[tilespmem:$0x170A0] =	vst v63  }
0x1b7: {  	_ =	swait.ge [sflag:s17], $0x400  }
0x1b8: {  	[sflag:s17] =	ssyncset.done $0x0  }
0x1b9: {  	s30 =	simm.s32 $0x0;
	[sflag:s17] =	ssyncadd.s32 $0xFFFFFC00  }
0x1ba: {  	v4 =	vld [tilespmem:s30+$0x0];
	_ =	sdelay $0x4  }
0x1bb: {  	v4 =	vadd.s32 $0xFFFE7A00, v4  }
0x1bc: {  	vm0 =	vlt.u32 v4, $0xA0  }
0x1bd: {  	v5 =	vsel vm0, $0x1, v2  }
0x1be: {  	(xrf0) =	vadd.scan.msk.s32 $0xffff, v5;
	_ =	sdelay $0x5  }
0x1bf: {  	v6, _, _ =	vpop (xrf0)  }
0x1c0: {  	v5 =	vsub.s32 v6, v5;
	(v2sf) =	vpush v6, $0xF  }
0x1c1: {  	v5 =	vadd.s32 s26, v5;
	_ =	sdelay $0x3  }
0x1c2: {  	v6 =	vor.u32 s28, v3  }
0x1c3: {  	[tilespmem:v5+s20+$0x0] =	vst.idx.msk vm0, v6  }
0x1c4: {  	s31 =	simm.s32 $0x10;
	[tilespmem:v5+s21+$0x0] =	vst.idx.msk vm0, v4  }
0x1c5: {  	v4 =	vld [tilespmem:s31+$0x0];
	_ =	sdelay $0x4  }
0x1c6: {  	v4 =	vadd.s32 $0xFFFE7A00, v4  }
0x1c7: {  	s7 =	simm.s32 $0x80;
	vm0 =	vlt.u32 v4, $0xA0  }
0x1c8: {  	s4 =	smov.u32 s28;
	s0 =	simm.s32 $0x0;
	v5 =	vsel vm0, $0x1, v2;
	s9 =	spop (v2sf)  }
.LBB2_30:
0x1c9: {  	s0 =	sadd.s32 s0, s9  }
0x1ca: {  	(xrf0) =	vadd.scan.msk.s32 $0xffff, v5;
	s4 =	sadd.s32 $0x10, s4;
	s9 =	smov.u32 s7;
	s11 =	sadd.s32 $0x40, s7  }
0x1cb: {  	p2 =	sne.s32 s7, $0xFC0;
	_ =	sdelay $0x4  }
0x1cc: {  	v6, _, _ =	vpop (xrf0)  }
0x1cd: {  	v5 =	vsub.s32 v6, v5;
	(v2sf) =	vpush v6, $0xF  }
0x1ce: {  	v5 =	vadd.s32 s0, v5;
	_ =	sdelay $0x3  }
0x1cf: {  	v6 =	vor.u32 s4, v3  }
0x1d0: {  	[tilespmem:v5+s20+$0x0] =	vst.idx.msk vm0, v6  }
0x1d1: {  	s7 =	sshra.s32 s9, $0x2;
	[tilespmem:v5+s21+$0x0] =	vst.idx.msk vm0, v4  }
0x1d2: {  	v4 =	vld [tilespmem:s7+$0x0];
	_ =	sdelay $0x2  }
.Ltmp28:
0x1d3: {  	(pc) =	sbr.rel @p2 .LBB2_30-.Ltmp28, $4  }
0x1d4: {  	_ = 	snop  }
0x1d5: {  	v4 =	vadd.s32 $0xFFFE7A00, v4  }
0x1d6: {  	vm0 =	vlt.u32 v4, $0xA0  }
0x1d7: {  	s7 =	smov.u32 s11;
	v5 =	vsel vm0, $0x1, v2;
	s9 =	spop (v2sf)  }
0x1d8: {  	(xrf0) =	vadd.scan.msk.s32 $0xffff, v5;
	_ =	sdelay $0x5  }
0x1d9: {  	v6, _, _ =	vpop (xrf0)  }
0x1da: {  	(v2sf) =	vpush v6, $0xF;
	_ =	sdelay $0xe  }
0x1db: {  	s7 =	sadd.s32 s0, s9;
	s15 =	spop (v2sf)  }
0x1dc: {  	s0 =	sadd.s32 s7, s15  }
0x1dd: {  	s30 =	sadd.s32 $0x7F, s0  }
0x1de: {  	s11 =	sand.u32 $0x7F, s30  }
0x1df: {  	v5 =	vsub.s32 v6, v5;
	s31 =	sshra.s32 s30, $0x1F;
	p3 =	slt.s32 s30, $0x1;
	p2 =	sne.s32 s11, $0x0  }
0x1e0: {  	v5 =	vadd.s32 s7, v5;
	s7 =	sshrl.u32 s31, $0x19;
	p2 =	por !p3, !p2  }
0x1e1: {  	s9 =	simm.s32 $0x1;
	s7 =	sadd.s32 s7, s30;
	p2 =	por !p2, !p2  }
0x1e2: {  	s4 =	sadd.s32 $0x10, s4;
	s7 =	sshra.s32 s7, $0x7;
	s9 =	simm.s32 @!p2 $0x0  }
0x1e3: {  	v63 =	vor.u32 s4, v3;
	s4 =	ssub.s32 s7, s9  }
0x1e4: {  	p2 =	slt.s32 s4, $0x1  }
.Ltmp29:
0x1e5: {  	_ = 	snop;
	(pc) =	sbr.rel @p2 .LBB2_38-.Ltmp29, $3  }
0x1e6: {  	_ =	sdelay $0x1  }
0x1e7: {  	[tilespmem:v5+s20+$0x0] =	vst.idx.msk vm0, v63  }
0x1e8: {  	[tilespmem:v5+s21+$0x0] =	vst.idx.msk vm0, v4  }
.Ltmp30:
0x1e9: {  	(pc) =	sbr.rel .LBB2_33-.Ltmp30, $2  }
0x1ea: {  	_ =	sdelay $0x2  }
0x1eb: {  	v4 =	vmov s0;
	s11 =	simm.s32 $0x0;
	s12 =	simm.s32 $0x810;
	s13 =	smov.u32 s0  }
.LBB2_36:
0x1ec: {  	[tilespmem:s15+$0x2CD0] =	vst v5  }
.LBB2_37:
0x1ed: {  	s11 =	sadd.s32 $0x1, s11  }
0x1ee: {  	p2 =	sne.s32 s11, s4  }
.Ltmp31:
0x1ef: {  	_ = 	snop;
	(pc) =	sbr.rel @!p2 .LBB2_38-.Ltmp31, $2  }
0x1f0: {  	_ =	sdelay $0x2  }
0x1f1: {  	s13 =	sadd.s32 $0xFFFFFF80, s13;
	s12 =	sadd.s32 $0x80, s12  }
.LBB2_33:
0x1f2: {  	s7 =	sshll.u32 s11, $0x7  }
0x1f3: {  	v5 =	vld [tilespmem:s7+$0x400];
	_ =	sdelay $0x2  }
0x1f4: {  	v6 =	vor.u32 s7, v3  }
0x1f5: {  	vm0 =	vlt.s32 v6, v4  }
0x1f6: {  	v5 =	vnsel vm0, $0x0, v5  }
0x1f7: {  	[tilespmem:$0xC20] =	vst v5  }
0x1f8: {  	v5 =	vld [tilespmem:s7+$0x410];
	_ =	sdelay $0x1  }
0x1f9: {  	s9 =	sor.u32 $0x10, s7  }
0x1fa: {  	v6 =	vor.u32 s9, v3  }
0x1fb: {  	vm9 =	vlt.s32 v6, v4  }
0x1fc: {  	v5 =	vnsel vm9, $0x0, v5  }
0x1fd: {  	[tilespmem:$0xC30] =	vst v5  }
0x1fe: {  	v5 =	vld [tilespmem:s7+$0x420];
	_ =	sdelay $0x1  }
0x1ff: {  	s30 =	sor.u32 $0x20, s7  }
0x200: {  	v6 =	vor.u32 s30, v3  }
0x201: {  	vm10 =	vlt.s32 v6, v4  }
0x202: {  	v5 =	vnsel vm10, $0x0, v5  }
0x203: {  	[tilespmem:$0xC40] =	vst v5  }
0x204: {  	v5 =	vld [tilespmem:s7+$0x430];
	_ =	sdelay $0x1  }
0x205: {  	s31 =	sor.u32 $0x30, s7  }
0x206: {  	v6 =	vor.u32 s31, v3  }
0x207: {  	vm11 =	vlt.s32 v6, v4  }
0x208: {  	v5 =	vnsel vm11, $0x0, v5  }
0x209: {  	[tilespmem:$0xC50] =	vst v5  }
0x20a: {  	v5 =	vld [tilespmem:s7+$0x440];
	_ =	sdelay $0x1  }
0x20b: {  	s14 =	sor.u32 $0x40, s7  }
0x20c: {  	v6 =	vor.u32 s14, v3  }
0x20d: {  	vm12 =	vlt.s32 v6, v4  }
0x20e: {  	v5 =	vnsel vm12, $0x0, v5  }
0x20f: {  	[tilespmem:$0xC60] =	vst v5  }
0x210: {  	v5 =	vld [tilespmem:s7+$0x450];
	_ =	sdelay $0x1  }
0x211: {  	s15 =	sor.u32 $0x50, s7  }
0x212: {  	v6 =	vor.u32 s15, v3  }
0x213: {  	vm13 =	vlt.s32 v6, v4  }
0x214: {  	v5 =	vnsel vm13, $0x0, v5  }
0x215: {  	[tilespmem:$0xC70] =	vst v5  }
0x216: {  	v5 =	vld [tilespmem:s7+$0x460];
	_ =	sdelay $0x1  }
0x217: {  	s30 =	sor.u32 $0x60, s7  }
0x218: {  	v6 =	vor.u32 s30, v3  }
0x219: {  	vm14 =	vlt.s32 v6, v4  }
0x21a: {  	v5 =	vnsel vm14, $0x0, v5  }
0x21b: {  	[tilespmem:$0xC80] =	vst v5  }
0x21c: {  	v5 =	vld [tilespmem:s7+$0x470];
	_ =	sdelay $0x1  }
0x21d: {  	s31 =	sor.u32 $0x70, s7  }
0x21e: {  	v6 =	vor.u32 s31, v3  }
0x21f: {  	vm15 =	vlt.s32 v6, v4;
	s7 =	ssub.s32 s0, s7  }
0x220: {  	p2 =	slt.s32 s7, $0x1;
	v5 =	vnsel vm15, $0x0, v5  }
.Ltmp32:
0x221: {  	[tilespmem:$0xC90] =	vst v5;
	(pc) =	sbr.rel @p2 .LBB2_37-.Ltmp32, $4  }
0x222: {  	[tilespmem:s24], [sflag:$0x1] =	stream.indirect.gather [spmem:s3], $0x40, s23, s22, $0xb8;
	[tilespmem:$0x170A0] =	vst v63  }
0x223: {  	_ =	swait.ge [sflag:s17], $0x2000  }
0x224: {  	[sflag:s17] =	ssyncset.done $0x0  }
0x225: {  	[sflag:s17] =	ssyncadd.s32 $0xFFFFE000  }
0x226: {  	v5 =	vld [tilespmem:s12+$0x0];
	_ =	sdelay $0x4  }
0x227: {  	(v2sf) =	vpush v5, $0x0;
	_ =	sdelay $0xe  }
0x228: {  	s7 =	spop (v2sf)  }
0x229: {  	s14 =	simm.s32 $0xCC0;
	s7 =	sshll.u32 s7, $0x8  }
0x22a: {  	v5 =	vld [tilespmem:s14+$0xFFFFFFE0];
	s15 =	sshra.s32 s7, $0x2  }
0x22b: {  	v6 =	vld [tilespmem:s15+$0x2CA0];
	_ =	sdelay $0x4  }
0x22c: {  	v5 =	vadd.f32 v5, v6;
	_ =	sdelay $0x1  }
0x22d: {  	[tilespmem:s15+$0x2CA0] =	vst v5;
	v5 =	vld [tilespmem:s15+$0x2CB0]  }
0x22e: {  	v6 =	vld [tilespmem:s14+$0xFFFFFFF0];
	_ =	sdelay $0x4  }
0x22f: {  	v5 =	vadd.f32 v6, v5;
	_ =	sdelay $0x1  }
0x230: {  	[tilespmem:s15+$0x2CB0] =	vst v5;
	v5 =	vld [tilespmem:s15+$0x2CC0]  }
0x231: {  	v6 =	vld [tilespmem:s14+$0x0];
	_ =	sdelay $0x4  }
0x232: {  	v5 =	vadd.f32 v6, v5  }
0x233: {  	p2 =	sgt.s32 s13, $0x1;
	s7 =	smov.u32 s13  }
0x234: {  	s7 =	simm.s32 @!p2 $0x1;
	[tilespmem:s15+$0x2CC0] =	vst v5;
	v5 =	vld [tilespmem:s15+$0x2CD0]  }
0x235: {  	s7 =	smin.u32 s7, $0x80;
	v6 =	vld [tilespmem:s14+$0x10]  }
0x236: {  	p2 =	sne.s32 s7, $0x1  }
.Ltmp33:
0x237: {  	_ = 	snop;
	(pc) =	sbr.rel @!p2 .LBB2_36-.Ltmp33, $3  }
0x238: {  	_ =	sdelay $0x1  }
0x239: {  	v5 =	vadd.f32 v6, v5  }
0x23a: {  	s9 =	smov.u32 s12;
	s7 =	sadd.s32 $0xFFFFFFFF, s7  }
.LBB2_35:
0x23b: {  	p2 =	sne.s32 s7, $0x1;
	[tilespmem:s15+$0x2CD0] =	vst v5;
	s9 =	sadd.s32 $0x1, s9;
	s14 =	sadd.s32 $0x40, s14  }
0x23c: {  	s7 =	sadd.s32 $0xFFFFFFFF, s7;
	v5 =	vld [tilespmem:s9+$0x0];
	_ =	sdelay $0x4  }
0x23d: {  	(v2sf) =	vpush v5, $0x0;
	_ =	sdelay $0xe  }
0x23e: {  	s15 =	spop (v2sf)  }
0x23f: {  	s15 =	sshll.u32 s15, $0x8  }
0x240: {  	s15 =	sshra.s32 s15, $0x2;
	v5 =	vld [tilespmem:s14+$0xFFFFFFE0]  }
0x241: {  	v6 =	vld [tilespmem:s15+$0x2CA0];
	_ =	sdelay $0x4  }
0x242: {  	v5 =	vadd.f32 v5, v6;
	_ =	sdelay $0x1  }
0x243: {  	[tilespmem:s15+$0x2CA0] =	vst v5;
	v5 =	vld [tilespmem:s15+$0x2CB0]  }
0x244: {  	v6 =	vld [tilespmem:s14+$0xFFFFFFF0];
	_ =	sdelay $0x4  }
0x245: {  	v5 =	vadd.f32 v6, v5;
	_ =	sdelay $0x1  }
0x246: {  	[tilespmem:s15+$0x2CB0] =	vst v5;
	v5 =	vld [tilespmem:s15+$0x2CC0]  }
0x247: {  	v6 =	vld [tilespmem:s14+$0x0];
	_ =	sdelay $0x4  }
0x248: {  	v5 =	vadd.f32 v6, v5;
	_ =	sdelay $0x1  }
0x249: {  	[tilespmem:s15+$0x2CC0] =	vst v5;
	v5 =	vld [tilespmem:s15+$0x2CD0]  }
0x24a: {  	v6 =	vld [tilespmem:s14+$0x10]  }
.Ltmp34:
0x24b: {  	(pc) =	sbr.rel @p2 .LBB2_35-.Ltmp34, $2  }
0x24c: {  	_ =	sdelay $0x2  }
0x24d: {  	v5 =	vadd.f32 v6, v5  }
.Ltmp35:
0x24e: {  	_ = 	snop;
	(pc) =	sbr.rel .LBB2_36-.Ltmp35, $1  }
0x24f: {  	_ =	sdelay $0x3  }
.LBB2_41:
0x250: {  	_ =	sfence.sel $0x180000  }
0x251: {  	[bflag:$0x0] =	sbarrier.arrive $0xFFFF  }
0x252: {  	_ =	strace $0x90000047  }
0x253: {  	s0 =	stileid.u32;
	[bflag:$0x2] =	sbarrier.arrive $0xFFFF  }
0x254: {  	p0 =	sne.s32 s0, $0x0;
	s0 =	rddreg [dreg:$0x5]  }
0x255: {  	s0 =	sadd.s32 @!p0 $0x100000, s0  }
0x256: {  	[sflag:s0] =	ssyncadd.tile.s32 @!p0 $0x1;
	_ =	shalt  }
.Lfunc_end2:
_tile_overlayer_lowered:
.L_overlay_start_2:
0x257: {  	(tag) =	ssettag $0x2  }
0x258: {  	s0 =	rddreg [dreg:$0x0];
	s2 =	stileid.u32  }
0x259: {  	s1 =	rddreg [dreg:$0x1];
	p0 =	sne.s32 s2, $0x0  }
0x25a: {  	s3 =	rddreg [dreg:$0x2];
	[bflag:$0x3] =	sbarrier.arrive $0xFFFF;
	s2 =	simm.s32 @!p0 $0x1C01  }
0x25b: {  	[timem:s3], [sflag:s2] =	dma.local @!p0 [hbm:s0], s1  }
0x25c: {  	s0 =	simm.s32 @!p0 $0x1  }
0x25d: {  	_ =	swait.ge @!p0 [sflag:s0], s1  }
0x25e: {  	s1 =	ssub.s32 @!p0 $0x0, s1;
	[sflag:s0] =	ssyncset.done @!p0 $0x0  }
0x25f: {  	[sflag:s0] =	ssyncadd.s32 @!p0 s1  }
0x260: {  	[bflag:$0x3] =	sbarrier.arrive $0xFFFF  }
0x261: {  	_ =	shalt  }

</sc_bundles>
